<compile_context>
chip_gen: v7x
topology: tpu7x:2x2x1
jax: 0.10.2.dev20260603
libtpu: 0.0.44.dev20260713+nightly
codegen_flags: <defaults>
</compile_context>

<pallas_src>
import functools

import jax
import jax.numpy as jnp
from jax import lax
from jax.experimental import pallas as pl
from jax.experimental.pallas import tpu as pltpu
from jax.experimental.pallas import tpu_sc as plsc

N = 10000
E = 320000
D_IN = 128
H = 64
C_OUT = 40

NC = 2
NS = 16
NW = NC * NS
CHUNK = 128
TOT_CHUNK = E // CHUNK
KDEG = TOT_CHUNK // NW
XDEG = TOT_CHUNK - KDEG * NW
KTILE = TOT_CHUNK // NS
XTILE = TOT_CHUNK - KTILE * NS
NBUF = 4
N_PAD = 10240
RPT = N_PAD // NS
RPT2 = RPT // 2
DEG_W = 8
DH = H // 2
C_PAD = 48
DH2 = C_PAD // 2
RB = 1024
RBF = 1000


def _mesh():
    return plsc.VectorSubcoreMesh(
        core_axis_name="c", subcore_axis_name="s", num_cores=NC, num_subcores=NS
    )


def _make_deg_kernel():
    @functools.partial(
        pl.kernel,
        out_type=jax.ShapeDtypeStruct((NC, N_PAD, DEG_W), jnp.float32),
        mesh=_mesh(),
        scratch_types=[
            pltpu.VMEM((KDEG + 1, CHUNK), jnp.int32),
            pltpu.VMEM((CHUNK, DEG_W), jnp.float32),
            pltpu.VMEM((RPT, DEG_W), jnp.float32),
            pltpu.VMEM_SHARED((N_PAD, DEG_W), jnp.float32),
            pltpu.SemaphoreType.DMA,
            pltpu.SemaphoreType.DMA,
        ],
        compiler_params=pltpu.CompilerParams(use_tc_tiling_on_sc=False),
    )
    def deg_kernel(e_hbm, ones_hbm, zeros_hbm, out_hbm,
                   dst_v, ones_v, buf_v, acc_sh, sem, ssem):
        c = lax.axis_index("c")
        s = lax.axis_index("s")
        wid = c * NS + s
        start = wid * KDEG + jnp.minimum(wid, XDEG)
        pltpu.sync_copy(e_hbm.at[1, pl.ds(start, KDEG)],
                        dst_v.at[pl.ds(0, KDEG)])

        @pl.when(wid < XDEG)
        def _():
            pltpu.sync_copy(e_hbm.at[1, pl.ds(start + KDEG, 1)],
                            dst_v.at[pl.ds(KDEG, 1)])

        pltpu.sync_copy(ones_hbm, ones_v)
        pltpu.sync_copy(zeros_hbm, buf_v)
        pltpu.sync_copy(buf_v, acc_sh.at[pl.ds(s * RPT, RPT)])
        plsc.subcore_barrier()

        def step(j, carry):
            pltpu.async_copy(ones_v, acc_sh.at[dst_v.at[j]], ssem, add=True)
            return carry

        lax.fori_loop(0, KDEG, step, 0)

        @pl.when(wid < XDEG)
        def _():
            pltpu.async_copy(ones_v, acc_sh.at[dst_v.at[KDEG]], ssem,
                             add=True)

        def drain(j, carry):
            pltpu.make_async_copy(ones_v, acc_sh.at[dst_v.at[j]],
                                  ssem).wait()
            return carry

        lax.fori_loop(0, KDEG, drain, 0)

        @pl.when(wid < XDEG)
        def _():
            pltpu.make_async_copy(ones_v, acc_sh.at[dst_v.at[KDEG]],
                                  ssem).wait()

        plsc.subcore_barrier()
        pltpu.sync_copy(acc_sh.at[pl.ds(s * RPT, RPT)], buf_v)
        pltpu.sync_copy(buf_v, out_hbm.at[c, pl.ds(s * RPT, RPT)])

    return deg_kernel


def _make_scatter_kernel(DHW):
    zoffs = list(range(0, DHW - 16, 16)) + [DHW - 16]

    @functools.partial(
        pl.kernel,
        out_type=jax.ShapeDtypeStruct((NC, N_PAD, DHW), jnp.float32),
        mesh=_mesh(),
        scratch_types=[
            pltpu.VMEM((KTILE + 1, CHUNK), jnp.int32),
            pltpu.VMEM((KTILE + 1, CHUNK), jnp.int32),
            pltpu.VMEM((NBUF, CHUNK, DHW), jnp.float32),
            pltpu.VMEM((RPT2, DHW), jnp.float32),
            pltpu.VMEM_SHARED((N_PAD, DHW), jnp.float32),
            pltpu.VMEM_SHARED((N_PAD, DHW), jnp.float32),
        ] + [pltpu.SemaphoreType.DMA] * NBUF,
        compiler_params=pltpu.CompilerParams(use_tc_tiling_on_sc=False),
    )
    def scat_kernel(e_hbm, g_hbm, out_hbm,
                    src_v, dst_v, rows_v, buf_v, gsh, acc_sh, *sems):
        c = lax.axis_index("c")
        s = lax.axis_index("s")

        pltpu.sync_copy(g_hbm.at[c, pl.ds(s * RPT, RPT)],
                        gsh.at[pl.ds(s * RPT, RPT)])

        def fill_zero(i, carry):
            for j in zoffs:
                buf_v[i, pl.ds(j, 16)] = jnp.zeros((16,), jnp.float32)
            return carry

        lax.fori_loop(0, RPT2, fill_zero, 0)
        for h in range(2):
            pltpu.sync_copy(buf_v, acc_sh.at[pl.ds(s * RPT + h * RPT2, RPT2)])

        start = s * KTILE + jnp.minimum(s, XTILE)
        pltpu.sync_copy(e_hbm.at[0, pl.ds(start, KTILE)],
                        src_v.at[pl.ds(0, KTILE)])
        pltpu.sync_copy(e_hbm.at[1, pl.ds(start, KTILE)],
                        dst_v.at[pl.ds(0, KTILE)])

        @pl.when(s < XTILE)
        def _():
            pltpu.sync_copy(e_hbm.at[0, pl.ds(start + KTILE, 1)],
                            src_v.at[pl.ds(KTILE, 1)])
            pltpu.sync_copy(e_hbm.at[1, pl.ds(start + KTILE, 1)],
                            dst_v.at[pl.ds(KTILE, 1)])

        plsc.subcore_barrier()

        for b in range(NBUF):
            pltpu.async_copy(gsh.at[src_v.at[b]], rows_v.at[b], sems[b])

        def step(j0, carry):
            for b in range(NBUF):
                j = j0 * NBUF + b
                pltpu.make_async_copy(
                    gsh.at[src_v.at[j]], rows_v.at[b], sems[b]).wait()
                pltpu.sync_copy(rows_v.at[b], acc_sh.at[dst_v.at[j]],
                                add=True)

                @pl.when(j0 < KTILE // NBUF - 1)
                def _():
                    pltpu.async_copy(
                        gsh.at[src_v.at[j + NBUF]], rows_v.at[b], sems[b])

            return carry

        lax.fori_loop(0, KTILE // NBUF, step, 0)

        @pl.when(s < XTILE)
        def _():
            pltpu.async_copy(gsh.at[src_v.at[KTILE]], rows_v.at[0],
                             sems[0]).wait()
            pltpu.sync_copy(rows_v.at[0], acc_sh.at[dst_v.at[KTILE]],
                            add=True)

        plsc.subcore_barrier()
        for h in range(2):
            pltpu.sync_copy(acc_sh.at[pl.ds(s * RPT + h * RPT2, RPT2)], buf_v)
            pltpu.sync_copy(buf_v, out_hbm.at[c, pl.ds(s * RPT + h * RPT2,
                                                       RPT2)])

    return scat_kernel


def _mm1_scale(degp, x, W1):
    def body(degp_ref, x_ref, w_ref, g1_ref, dinv_ref):
        deg = 1.0 + degp_ref[0, :, 0:1] + degp_ref[1, :, 0:1]
        dinv = lax.rsqrt(deg)
        dinv_ref[...] = dinv
        h1 = jnp.dot(x_ref[...], w_ref[...],
                     preferred_element_type=jnp.float32)
        g = h1 * dinv
        g1_ref[0] = g[:, :DH]
        g1_ref[1] = g[:, DH:]

    return pl.pallas_call(
        body,
        grid=(N_PAD // RB,),
        in_specs=[
            pl.BlockSpec((NC, RB, DEG_W), lambda i: (0, i, 0)),
            pl.BlockSpec((RB, D_IN), lambda i: (i, 0)),
            pl.BlockSpec((D_IN, H), lambda i: (0, 0)),
        ],
        out_specs=[
            pl.BlockSpec((NC, RB, DH), lambda i: (0, i, 0)),
            pl.BlockSpec((RB, 1), lambda i: (i, 0)),
        ],
        out_shape=[
            jax.ShapeDtypeStruct((NC, N_PAD, DH), jnp.float32),
            jax.ShapeDtypeStruct((N_PAD, 1), jnp.float32),
        ],
    )(degp, x, W1)


def _combine1_mm2(s1p, g1s, dinv, b1r, W2p):
    def body(sp_ref, g1_ref, dinv_ref, b1_ref, w2_ref, g2_ref):
        stot = jnp.concatenate(
            [sp_ref[0] + g1_ref[0], sp_ref[1] + g1_ref[1]], axis=1)
        dinv = dinv_ref[...]
        o1 = jnp.maximum(stot * dinv + b1_ref[...], 0.0)
        h2 = jnp.dot(o1, w2_ref[...], preferred_element_type=jnp.float32)
        g2 = h2 * dinv
        g2_ref[0] = g2[:, :DH2]
        g2_ref[1] = g2[:, DH2:]

    return pl.pallas_call(
        body,
        grid=(N_PAD // RB,),
        in_specs=[
            pl.BlockSpec((NC, RB, DH), lambda i: (0, i, 0)),
            pl.BlockSpec((NC, RB, DH), lambda i: (0, i, 0)),
            pl.BlockSpec((RB, 1), lambda i: (i, 0)),
            pl.BlockSpec((1, H), lambda i: (0, 0)),
            pl.BlockSpec((H, C_PAD), lambda i: (0, 0)),
        ],
        out_specs=pl.BlockSpec((NC, RB, DH2), lambda i: (0, i, 0)),
        out_shape=jax.ShapeDtypeStruct((NC, N_PAD, DH2), jnp.float32),
    )(s1p, g1s, dinv, b1r, W2p)


def _final(s2p, g2s, dinv, b2r):
    def body(sp_ref, g2_ref, dinv_ref, b2_ref, o_ref):
        o = jnp.concatenate(
            [sp_ref[0] + g2_ref[0], sp_ref[1] + g2_ref[1]], axis=1)
        o = o * dinv_ref[...]
        o = o[:, :C_OUT] + b2_ref[...]
        m = jnp.max(o, axis=1, keepdims=True)
        lse = jnp.log(jnp.sum(jnp.exp(o - m), axis=1, keepdims=True)) + m
        o_ref[...] = o - lse

    return pl.pallas_call(
        body,
        grid=(N // RBF,),
        in_specs=[
            pl.BlockSpec((NC, RBF, DH2), lambda i: (0, i, 0)),
            pl.BlockSpec((NC, RBF, DH2), lambda i: (0, i, 0)),
            pl.BlockSpec((RBF, 1), lambda i: (i, 0)),
            pl.BlockSpec((1, C_OUT), lambda i: (0, 0)),
        ],
        out_specs=pl.BlockSpec((RBF, C_OUT), lambda i: (i, 0)),
        out_shape=jax.ShapeDtypeStruct((N, C_OUT), jnp.float32),
    )(s2p, g2s, dinv, b2r)


def kernel(x, edge_index, W1, b1, W2, b2):
    e3d = edge_index.reshape(2, TOT_CHUNK, CHUNK)
    x_p = jnp.pad(x, ((0, N_PAD - N), (0, 0)))

    ones = jnp.ones((CHUNK, DEG_W), jnp.float32)
    zeros = jnp.zeros((RPT, DEG_W), jnp.float32)
    degp = _make_deg_kernel()(e3d, ones, zeros)
    g1s, dinv = _mm1_scale(degp, x_p, W1)
    s1p = _make_scatter_kernel(DH)(e3d, g1s)
    W2p = jnp.pad(W2, ((0, 0), (0, C_PAD - C_OUT)))
    g2s = _combine1_mm2(s1p, g1s, dinv, b1.reshape(1, H), W2p)
    s2p = _make_scatter_kernel(DH2)(e3d, g2s)
    out = _final(s2p, g2s, dinv, b2.reshape(1, C_OUT))
    return out

# --- scband reference (transcript-rebuilt; emitter-appended) ---
"""Pipeline reference for scband-cluster-gnn-67723044323358 (READ-ONLY COPY).

The authoritative reference and input builder live on the scoring server;
editing this copy changes nothing except your own understanding.
"""

import jax, jax.numpy as jnp
import numpy as np

N = 10000
E = 320000
D_IN = 128
H = 64
C = 40


def setup_inputs(seed: int = 0) -> dict:
    key = jax.random.key(seed)
    ks = jax.random.split(key, 6)
    x = jax.random.normal(ks[0], (N, D_IN), dtype=jnp.float32)
    edge_index = jax.random.randint(ks[1], (2, E), 0, N, dtype=jnp.int32)
    # GCNConv layer 1 params (glorot-ish init, bias zeros as in PyG)
    W1 = jax.random.normal(ks[2], (D_IN, H), dtype=jnp.float32) * (1.0 / np.sqrt(D_IN))
    b1 = jnp.zeros((H,), dtype=jnp.float32)
    # GCNConv layer 2 params
    W2 = jax.random.normal(ks[3], (H, C), dtype=jnp.float32) * (1.0 / np.sqrt(H))
    b2 = jnp.zeros((C,), dtype=jnp.float32)
    return {"x": x, "edge_index": edge_index, "W1": W1, "b1": b1, "W2": W2, "b2": b2}


def _gcn_conv(x, edge_index, W, b):
    # Faithful GCNConv: add self-loops, symmetric normalization D^-1/2 (A+I) D^-1/2, linear, bias.
    n = x.shape[0]
    src = edge_index[0]
    dst = edge_index[1]
    loop = jnp.arange(n, dtype=src.dtype)
    src2 = jnp.concatenate([src, loop])
    dst2 = jnp.concatenate([dst, loop])
    deg = jnp.zeros((n,), dtype=x.dtype).at[dst2].add(1.0)
    dinv = jnp.where(deg > 0, 1.0 / jnp.sqrt(deg), 0.0)
    norm = dinv[src2] * dinv[dst2]
    h = x @ W  # linear transform first (out_dim <= in_dim)
    msgs = jnp.take(h, src2, axis=0) * norm[:, None]  # gather + scale
    out = jnp.zeros((n, W.shape[1]), dtype=x.dtype).at[dst2].add(msgs)  # scatter-add
    return out + b


def reference(x, edge_index, W1, b1, W2, b2):
    h = jax.nn.relu(_gcn_conv(x, edge_index, W1, b1))
    out = _gcn_conv(h, edge_index, W2, b2)
    return jax.nn.log_softmax(out, axis=1)

if __name__ == "__main__":
    import jax
    _d = setup_inputs()
    print(jax.jit(kernel)(*tuple(_d.values())))

</pallas_src>

<mosaic_0001>
#map = affine_map<(d0, d1) -> (0, 0, 0)>
#map1 = affine_map<(d0, d1) -> (0, 0)>
module attributes {stable_mosaic.version = 14 : i64} {
  func.func @deg_kernel(%arg0: i32, %arg1: i32, %arg2: memref<2x2500x128xi32, #tpu.memory_space<hbm>>, %arg3: memref<128x8xf32, #tpu.memory_space<hbm>>, %arg4: memref<640x8xf32, #tpu.memory_space<hbm>>, %arg5: memref<2x10240x8xf32, #tpu.memory_space<hbm>>, %arg6: memref<79x128xi32, #tpu.memory_space<vmem>>, %arg7: memref<128x8xf32, #tpu.memory_space<vmem>>, %arg8: memref<640x8xf32, #tpu.memory_space<vmem>>, %arg9: memref<10240x8xf32, #tpu.memory_space<vmem_shared>>, %arg10: memref<!tpu.dma_semaphore, #tpu.memory_space<semaphore_mem>>, %arg11: memref<!tpu.dma_semaphore, #tpu.memory_space<semaphore_mem>>) attributes {dimension_semantics = [#tpu.dimension_semantics<core_parallel>, #tpu.dimension_semantics<subcore_parallel>], iteration_bounds = array<i64: 2, 16>, scalar_prefetch = 0 : i64, scratch_operands = 6 : i64, tpu.core_type = #tpu.core_type<sc_vector_subcore>, window_params = [{transform_indices = #map}, {transform_indices = #map1}, {transform_indices = #map1}, {transform_indices = #map}]} {
    %mul3A = arith.constant 16 : i32
    %mul3A_0 = arith.muli %arg0, %mul3A : i32
    %add3A = arith.addi %mul3A_0, %arg1 : i32
    %mul3A_1 = arith.constant 78 : i32
    %mul3A_2 = arith.muli %add3A, %mul3A_1 : i32
    %min3A = arith.constant 4 : i32
    %min3A_3 = arith.minsi %add3A, %min3A : i32
    %add3A_4 = arith.addi %mul3A_2, %min3A_3 : i32
    %run_scoped3A = arith.constant 1 : i32
    "tpu.region"() ({
      %run_scoped3A_35 = tpu.sem_alloc : memref<!tpu.dma_semaphore, #tpu.memory_space<semaphore_mem>>
      %dma_start3A = arith.constant 0 : i32
      %dma_start3A_36 = arith.constant 0 : i32
      %dma_start3A_37 = tpu.memref_slice %arg6[%dma_start3A, %dma_start3A_36] : memref<79x128xi32, #tpu.memory_space<vmem>> -> memref<78x128xi32, #tpu.memory_space<vmem>>
      %dma_start3A_38 = arith.constant 0 : i32
      %dma_start3A_39 = tpu.memref_slice %arg2[%run_scoped3A, %add3A_4, %dma_start3A_38] : memref<2x2500x128xi32, #tpu.memory_space<hbm>> -> memref<1x78x128xi32, #tpu.memory_space<hbm>>
      %dma_start3A_40 = tpu.memref_squeeze %dma_start3A_39 : memref<1x78x128xi32, #tpu.memory_space<hbm>> -> memref<78x128xi32, #tpu.memory_space<hbm>>
      %dma_start3A_41 = arith.constant 0 : i32
      %dma_start3A_42 = arith.constant 0 : i32
      %dma_start3A_43 = tpu.memref_slice %arg6[%dma_start3A_41, %dma_start3A_42] : memref<79x128xi32, #tpu.memory_space<vmem>> -> memref<78x128xi32, #tpu.memory_space<vmem>>
      %dma_start3A_44 = arith.constant 0 : i32
      %dma_start3A_45 = tpu.memref_slice %arg2[%run_scoped3A, %add3A_4, %dma_start3A_44] : memref<2x2500x128xi32, #tpu.memory_space<hbm>> -> memref<1x78x128xi32, #tpu.memory_space<hbm>>
      %dma_start3A_46 = tpu.memref_squeeze %dma_start3A_45 : memref<1x78x128xi32, #tpu.memory_space<hbm>> -> memref<78x128xi32, #tpu.memory_space<hbm>>
      tpu.enqueue_dma source(%dma_start3A_46 : memref<78x128xi32, #tpu.memory_space<hbm>>) target(%dma_start3A_43 : memref<78x128xi32, #tpu.memory_space<vmem>>) target_semaphore(%run_scoped3A_35 : memref<!tpu.dma_semaphore, #tpu.memory_space<semaphore_mem>>)
      %dma_wait3A = arith.constant 0 : i32
      %dma_wait3A_47 = arith.constant 0 : i32
      %dma_wait3A_48 = tpu.memref_slice %arg6[%dma_wait3A, %dma_wait3A_47] : memref<79x128xi32, #tpu.memory_space<vmem>> -> memref<78x128xi32, #tpu.memory_space<vmem>>
      %dma_wait3A_49 = arith.constant 0 : i32
      %dma_wait3A_50 = tpu.memref_slice %arg2[%run_scoped3A, %add3A_4, %dma_wait3A_49] : memref<2x2500x128xi32, #tpu.memory_space<hbm>> -> memref<1x78x128xi32, #tpu.memory_space<hbm>>
      %dma_wait3A_51 = tpu.memref_squeeze %dma_wait3A_50 : memref<1x78x128xi32, #tpu.memory_space<hbm>> -> memref<78x128xi32, #tpu.memory_space<hbm>>
      %dma_wait3A_52 = arith.constant 0 : i32
      %dma_wait3A_53 = arith.constant 0 : i32
      %dma_wait3A_54 = tpu.memref_slice %arg6[%dma_wait3A_52, %dma_wait3A_53] : memref<79x128xi32, #tpu.memory_space<vmem>> -> memref<78x128xi32, #tpu.memory_space<vmem>>
      %dma_wait3A_55 = arith.constant 0 : i32
      %dma_wait3A_56 = tpu.memref_slice %arg2[%run_scoped3A, %add3A_4, %dma_wait3A_55] : memref<2x2500x128xi32, #tpu.memory_space<hbm>> -> memref<1x78x128xi32, #tpu.memory_space<hbm>>
      %dma_wait3A_57 = tpu.memref_squeeze %dma_wait3A_56 : memref<1x78x128xi32, #tpu.memory_space<hbm>> -> memref<78x128xi32, #tpu.memory_space<hbm>>
      tpu.wait_dma2 semaphore(%run_scoped3A_35 : memref<!tpu.dma_semaphore, #tpu.memory_space<semaphore_mem>>) src(%dma_wait3A_57 : memref<78x128xi32, #tpu.memory_space<hbm>>) dst(%dma_wait3A_54 : memref<78x128xi32, #tpu.memory_space<vmem>>)
      tpu.yield
    }) : () -> ()
    %lt3A = arith.constant 4 : i32
    %lt3A_5 = arith.cmpi slt, %add3A, %lt3A : i32
    %convert_element_type3A = arith.extui %lt3A_5 : i1 to i32
    %cond3A = arith.constant 0 : i32
    %cond3A_6 = arith.cmpi ne, %convert_element_type3A, %cond3A : i32
    scf.if %cond3A_6 {
      %add3A_35 = arith.constant 78 : i32
      %add3A_36 = arith.addi %add3A_4, %add3A_35 : i32
      %run_scoped3A_37 = arith.constant 1 : i32
      "tpu.region"() ({
        %run_scoped3A_38 = tpu.sem_alloc : memref<!tpu.dma_semaphore, #tpu.memory_space<semaphore_mem>>
        %dma_start3A = arith.constant 78 : i32
        %dma_start3A_39 = arith.constant 0 : i32
        %dma_start3A_40 = tpu.memref_slice %arg6[%dma_start3A, %dma_start3A_39] : memref<79x128xi32, #tpu.memory_space<vmem>> -> memref<1x128xi32, #tpu.memory_space<vmem>>
        %dma_start3A_41 = arith.constant 0 : i32
        %dma_start3A_42 = tpu.memref_slice %arg2[%run_scoped3A_37, %add3A_36, %dma_start3A_41] : memref<2x2500x128xi32, #tpu.memory_space<hbm>> -> memref<1x1x128xi32, #tpu.memory_space<hbm>>
        %dma_start3A_43 = tpu.memref_squeeze %dma_start3A_42 : memref<1x1x128xi32, #tpu.memory_space<hbm>> -> memref<1x128xi32, #tpu.memory_space<hbm>>
        %dma_start3A_44 = arith.constant 78 : i32
        %dma_start3A_45 = arith.constant 0 : i32
        %dma_start3A_46 = tpu.memref_slice %arg6[%dma_start3A_44, %dma_start3A_45] : memref<79x128xi32, #tpu.memory_space<vmem>> -> memref<1x128xi32, #tpu.memory_space<vmem>>
        %dma_start3A_47 = arith.constant 0 : i32
        %dma_start3A_48 = tpu.memref_slice %arg2[%run_scoped3A_37, %add3A_36, %dma_start3A_47] : memref<2x2500x128xi32, #tpu.memory_space<hbm>> -> memref<1x1x128xi32, #tpu.memory_space<hbm>>
        %dma_start3A_49 = tpu.memref_squeeze %dma_start3A_48 : memref<1x1x128xi32, #tpu.memory_space<hbm>> -> memref<1x128xi32, #tpu.memory_space<hbm>>
        tpu.enqueue_dma source(%dma_start3A_49 : memref<1x128xi32, #tpu.memory_space<hbm>>) target(%dma_start3A_46 : memref<1x128xi32, #tpu.memory_space<vmem>>) target_semaphore(%run_scoped3A_38 : memref<!tpu.dma_semaphore, #tpu.memory_space<semaphore_mem>>)
        %dma_wait3A = arith.constant 78 : i32
        %dma_wait3A_50 = arith.constant 0 : i32
        %dma_wait3A_51 = tpu.memref_slice %arg6[%dma_wait3A, %dma_wait3A_50] : memref<79x128xi32, #tpu.memory_space<vmem>> -> memref<1x128xi32, #tpu.memory_space<vmem>>
        %dma_wait3A_52 = arith.constant 0 : i32
        %dma_wait3A_53 = tpu.memref_slice %arg2[%run_scoped3A_37, %add3A_36, %dma_wait3A_52] : memref<2x2500x128xi32, #tpu.memory_space<hbm>> -> memref<1x1x128xi32, #tpu.memory_space<hbm>>
        %dma_wait3A_54 = tpu.memref_squeeze %dma_wait3A_53 : memref<1x1x128xi32, #tpu.memory_space<hbm>> -> memref<1x128xi32, #tpu.memory_space<hbm>>
        %dma_wait3A_55 = arith.constant 78 : i32
        %dma_wait3A_56 = arith.constant 0 : i32
        %dma_wait3A_57 = tpu.memref_slice %arg6[%dma_wait3A_55, %dma_wait3A_56] : memref<79x128xi32, #tpu.memory_space<vmem>> -> memref<1x128xi32, #tpu.memory_space<vmem>>
        %dma_wait3A_58 = arith.constant 0 : i32
        %dma_wait3A_59 = tpu.memref_slice %arg2[%run_scoped3A_37, %add3A_36, %dma_wait3A_58] : memref<2x2500x128xi32, #tpu.memory_space<hbm>> -> memref<1x1x128xi32, #tpu.memory_space<hbm>>
        %dma_wait3A_60 = tpu.memref_squeeze %dma_wait3A_59 : memref<1x1x128xi32, #tpu.memory_space<hbm>> -> memref<1x128xi32, #tpu.memory_space<hbm>>
        tpu.wait_dma2 semaphore(%run_scoped3A_38 : memref<!tpu.dma_semaphore, #tpu.memory_space<semaphore_mem>>) src(%dma_wait3A_60 : memref<1x128xi32, #tpu.memory_space<hbm>>) dst(%dma_wait3A_57 : memref<1x128xi32, #tpu.memory_space<vmem>>)
        tpu.yield
      }) : () -> ()
    } else {
    }
    "tpu.region"() ({
      %run_scoped3A_35 = tpu.sem_alloc : memref<!tpu.dma_semaphore, #tpu.memory_space<semaphore_mem>>
      tpu.enqueue_dma source(%arg3 : memref<128x8xf32, #tpu.memory_space<hbm>>) target(%arg7 : memref<128x8xf32, #tpu.memory_space<vmem>>) target_semaphore(%run_scoped3A_35 : memref<!tpu.dma_semaphore, #tpu.memory_space<semaphore_mem>>)
      tpu.wait_dma2 semaphore(%run_scoped3A_35 : memref<!tpu.dma_semaphore, #tpu.memory_space<semaphore_mem>>) src(%arg3 : memref<128x8xf32, #tpu.memory_space<hbm>>) dst(%arg7 : memref<128x8xf32, #tpu.memory_space<vmem>>)
      tpu.yield
    }) : () -> ()
    "tpu.region"() ({
      %run_scoped3A_35 = tpu.sem_alloc : memref<!tpu.dma_semaphore, #tpu.memory_space<semaphore_mem>>
      tpu.enqueue_dma source(%arg4 : memref<640x8xf32, #tpu.memory_space<hbm>>) target(%arg8 : memref<640x8xf32, #tpu.memory_space<vmem>>) target_semaphore(%run_scoped3A_35 : memref<!tpu.dma_semaphore, #tpu.memory_space<semaphore_mem>>)
      tpu.wait_dma2 semaphore(%run_scoped3A_35 : memref<!tpu.dma_semaphore, #tpu.memory_space<semaphore_mem>>) src(%arg4 : memref<640x8xf32, #tpu.memory_space<hbm>>) dst(%arg8 : memref<640x8xf32, #tpu.memory_space<vmem>>)
      tpu.yield
    }) : () -> ()
    %mul3A_7 = arith.constant 640 : i32
    %mul3A_8 = arith.muli %arg1, %mul3A_7 : i32
    "tpu.region"() ({
      %run_scoped3A_35 = tpu.sem_alloc : memref<!tpu.dma_semaphore, #tpu.memory_space<semaphore_mem>>
      %dma_start3A = arith.constant 0 : i32
      %dma_start3A_36 = tpu.memref_slice %arg9[%mul3A_8, %dma_start3A] : memref<10240x8xf32, #tpu.memory_space<vmem_shared>> -> memref<640x8xf32, #tpu.memory_space<vmem_shared>>
      %dma_start3A_37 = arith.constant 0 : i32
      %dma_start3A_38 = tpu.memref_slice %arg9[%mul3A_8, %dma_start3A_37] : memref<10240x8xf32, #tpu.memory_space<vmem_shared>> -> memref<640x8xf32, #tpu.memory_space<vmem_shared>>
      tpu.enqueue_dma source(%arg8 : memref<640x8xf32, #tpu.memory_space<vmem>>) target(%dma_start3A_38 : memref<640x8xf32, #tpu.memory_space<vmem_shared>>) target_semaphore(%run_scoped3A_35 : memref<!tpu.dma_semaphore, #tpu.memory_space<semaphore_mem>>)
      %dma_wait3A = arith.constant 0 : i32
      %dma_wait3A_39 = tpu.memref_slice %arg9[%mul3A_8, %dma_wait3A] : memref<10240x8xf32, #tpu.memory_space<vmem_shared>> -> memref<640x8xf32, #tpu.memory_space<vmem_shared>>
      %dma_wait3A_40 = arith.constant 0 : i32
      %dma_wait3A_41 = tpu.memref_slice %arg9[%mul3A_8, %dma_wait3A_40] : memref<10240x8xf32, #tpu.memory_space<vmem_shared>> -> memref<640x8xf32, #tpu.memory_space<vmem_shared>>
      tpu.wait_dma2 semaphore(%run_scoped3A_35 : memref<!tpu.dma_semaphore, #tpu.memory_space<semaphore_mem>>) src(%arg8 : memref<640x8xf32, #tpu.memory_space<vmem>>) dst(%dma_wait3A_41 : memref<640x8xf32, #tpu.memory_space<vmem_shared>>)
      tpu.yield
    }) : () -> ()
    %barrier3A = arith.constant 0 : index
    tpu.barrier barrier_id(%barrier3A)
    %scan3A = arith.constant 0 : i32
    %scan3A_9 = arith.constant 0 : i32
    %scan3A_10 = arith.constant 78 : i32
    %scan3A_11 = arith.addi %scan3A_9, %scan3A_10 : i32
    %scan3A_12 = arith.constant 1 : i32
    scf.for %scan3A_35 = %scan3A_9 to %scan3A_11 step %scan3A_12  : i32 {
      %dma_start3A = arith.constant 0 : i32
      %dma_start3A_36 = tpu.memref_slice %arg6[%scan3A_35, %dma_start3A] : memref<79x128xi32, #tpu.memory_space<vmem>> -> memref<1x128xi32, #tpu.memory_space<vmem>>
      %dma_start3A_37 = tpu.memref_squeeze %dma_start3A_36 : memref<1x128xi32, #tpu.memory_space<vmem>> -> memref<128xi32, #tpu.memory_space<vmem>>
      %dma_start3A_38 = arith.constant 0 : i32
      %dma_start3A_39 = arith.constant 0 : i32
      %dma_start3A_40 = tpu.memref_slice %arg9[%dma_start3A_38, %dma_start3A_39] : memref<10240x8xf32, #tpu.memory_space<vmem_shared>> -> memref<10240x8xf32, #tpu.memory_space<vmem_shared>>
      tpu.enqueue_indirect_dma source(%arg7 : memref<128x8xf32, #tpu.memory_space<vmem>>) target(%dma_start3A_40 : memref<10240x8xf32, #tpu.memory_space<vmem_shared>>) offsets(%dma_start3A_37 : memref<128xi32, #tpu.memory_space<vmem>>) semaphore(%arg11 : memref<!tpu.dma_semaphore, #tpu.memory_space<semaphore_mem>>) {add = true}
    }
    %scan3A_13 = arith.constant 78 : i32
    %lt3A_14 = arith.constant 4 : i32
    %lt3A_15 = arith.cmpi slt, %add3A, %lt3A_14 : i32
    %convert_element_type3A_16 = arith.extui %lt3A_15 : i1 to i32
    %cond3A_17 = arith.constant 0 : i32
    %cond3A_18 = arith.cmpi ne, %convert_element_type3A_16, %cond3A_17 : i32
    scf.if %cond3A_18 {
      %dma_start3A = arith.constant 78 : i32
      %dma_start3A_35 = arith.constant 0 : i32
      %dma_start3A_36 = tpu.memref_slice %arg6[%dma_start3A, %dma_start3A_35] : memref<79x128xi32, #tpu.memory_space<vmem>> -> memref<1x128xi32, #tpu.memory_space<vmem>>
      %dma_start3A_37 = tpu.memref_squeeze %dma_start3A_36 : memref<1x128xi32, #tpu.memory_space<vmem>> -> memref<128xi32, #tpu.memory_space<vmem>>
      %dma_start3A_38 = arith.constant 0 : i32
      %dma_start3A_39 = arith.constant 0 : i32
      %dma_start3A_40 = tpu.memref_slice %arg9[%dma_start3A_38, %dma_start3A_39] : memref<10240x8xf32, #tpu.memory_space<vmem_shared>> -> memref<10240x8xf32, #tpu.memory_space<vmem_shared>>
      tpu.enqueue_indirect_dma source(%arg7 : memref<128x8xf32, #tpu.memory_space<vmem>>) target(%dma_start3A_40 : memref<10240x8xf32, #tpu.memory_space<vmem_shared>>) offsets(%dma_start3A_37 : memref<128xi32, #tpu.memory_space<vmem>>) semaphore(%arg11 : memref<!tpu.dma_semaphore, #tpu.memory_space<semaphore_mem>>) {add = true}
    } else {
    }
    %scan3A_19 = arith.constant 0 : i32
    %scan3A_20 = arith.constant 0 : i32
    %scan3A_21 = arith.constant 78 : i32
    %scan3A_22 = arith.addi %scan3A_20, %scan3A_21 : i32
    %scan3A_23 = arith.constant 1 : i32
    scf.for %scan3A_35 = %scan3A_20 to %scan3A_22 step %scan3A_23  : i32 {
      %dma_wait3A = arith.constant 0 : i32
      %dma_wait3A_36 = tpu.memref_slice %arg6[%scan3A_35, %dma_wait3A] : memref<79x128xi32, #tpu.memory_space<vmem>> -> memref<1x128xi32, #tpu.memory_space<vmem>>
      %dma_wait3A_37 = tpu.memref_squeeze %dma_wait3A_36 : memref<1x128xi32, #tpu.memory_space<vmem>> -> memref<128xi32, #tpu.memory_space<vmem>>
      %dma_wait3A_38 = arith.constant 0 : i32
      %dma_wait3A_39 = arith.constant 0 : i32
      %dma_wait3A_40 = tpu.memref_slice %arg9[%dma_wait3A_38, %dma_wait3A_39] : memref<10240x8xf32, #tpu.memory_space<vmem_shared>> -> memref<10240x8xf32, #tpu.memory_space<vmem_shared>>
      tpu.wait_indirect_dma semaphore(%arg11 : memref<!tpu.dma_semaphore, #tpu.memory_space<semaphore_mem>>) src(%arg7 : memref<128x8xf32, #tpu.memory_space<vmem>>) dst(%dma_wait3A_40 : memref<10240x8xf32, #tpu.memory_space<vmem_shared>>)
    }
    %scan3A_24 = arith.constant 78 : i32
    %lt3A_25 = arith.constant 4 : i32
    %lt3A_26 = arith.cmpi slt, %add3A, %lt3A_25 : i32
    %convert_element_type3A_27 = arith.extui %lt3A_26 : i1 to i32
    %cond3A_28 = arith.constant 0 : i32
    %cond3A_29 = arith.cmpi ne, %convert_element_type3A_27, %cond3A_28 : i32
    scf.if %cond3A_29 {
      %dma_wait3A = arith.constant 78 : i32
      %dma_wait3A_35 = arith.constant 0 : i32
      %dma_wait3A_36 = tpu.memref_slice %arg6[%dma_wait3A, %dma_wait3A_35] : memref<79x128xi32, #tpu.memory_space<vmem>> -> memref<1x128xi32, #tpu.memory_space<vmem>>
      %dma_wait3A_37 = tpu.memref_squeeze %dma_wait3A_36 : memref<1x128xi32, #tpu.memory_space<vmem>> -> memref<128xi32, #tpu.memory_space<vmem>>
      %dma_wait3A_38 = arith.constant 0 : i32
      %dma_wait3A_39 = arith.constant 0 : i32
      %dma_wait3A_40 = tpu.memref_slice %arg9[%dma_wait3A_38, %dma_wait3A_39] : memref<10240x8xf32, #tpu.memory_space<vmem_shared>> -> memref<10240x8xf32, #tpu.memory_space<vmem_shared>>
      tpu.wait_indirect_dma semaphore(%arg11 : memref<!tpu.dma_semaphore, #tpu.memory_space<semaphore_mem>>) src(%arg7 : memref<128x8xf32, #tpu.memory_space<vmem>>) dst(%dma_wait3A_40 : memref<10240x8xf32, #tpu.memory_space<vmem_shared>>)
    } else {
    }
    %barrier3A_30 = arith.constant 0 : index
    tpu.barrier barrier_id(%barrier3A_30)
    %mul3A_31 = arith.constant 640 : i32
    %mul3A_32 = arith.muli %arg1, %mul3A_31 : i32
    "tpu.region"() ({
      %run_scoped3A_35 = tpu.sem_alloc : memref<!tpu.dma_semaphore, #tpu.memory_space<semaphore_mem>>
      %dma_start3A = arith.constant 0 : i32
      %dma_start3A_36 = tpu.memref_slice %arg9[%mul3A_32, %dma_start3A] : memref<10240x8xf32, #tpu.memory_space<vmem_shared>> -> memref<640x8xf32, #tpu.memory_space<vmem_shared>>
      %dma_start3A_37 = arith.constant 0 : i32
      %dma_start3A_38 = tpu.memref_slice %arg9[%mul3A_32, %dma_start3A_37] : memref<10240x8xf32, #tpu.memory_space<vmem_shared>> -> memref<640x8xf32, #tpu.memory_space<vmem_shared>>
      tpu.enqueue_dma source(%dma_start3A_38 : memref<640x8xf32, #tpu.memory_space<vmem_shared>>) target(%arg8 : memref<640x8xf32, #tpu.memory_space<vmem>>) target_semaphore(%run_scoped3A_35 : memref<!tpu.dma_semaphore, #tpu.memory_space<semaphore_mem>>)
      %dma_wait3A = arith.constant 0 : i32
      %dma_wait3A_39 = tpu.memref_slice %arg9[%mul3A_32, %dma_wait3A] : memref<10240x8xf32, #tpu.memory_space<vmem_shared>> -> memref<640x8xf32, #tpu.memory_space<vmem_shared>>
      %dma_wait3A_40 = arith.constant 0 : i32
      %dma_wait3A_41 = tpu.memref_slice %arg9[%mul3A_32, %dma_wait3A_40] : memref<10240x8xf32, #tpu.memory_space<vmem_shared>> -> memref<640x8xf32, #tpu.memory_space<vmem_shared>>
      tpu.wait_dma2 semaphore(%run_scoped3A_35 : memref<!tpu.dma_semaphore, #tpu.memory_space<semaphore_mem>>) src(%dma_wait3A_41 : memref<640x8xf32, #tpu.memory_space<vmem_shared>>) dst(%arg8 : memref<640x8xf32, #tpu.memory_space<vmem>>)
      tpu.yield
    }) : () -> ()
    %mul3A_33 = arith.constant 640 : i32
    %mul3A_34 = arith.muli %arg1, %mul3A_33 : i32
    "tpu.region"() ({
      %run_scoped3A_35 = tpu.sem_alloc : memref<!tpu.dma_semaphore, #tpu.memory_space<semaphore_mem>>
      %dma_start3A = arith.constant 0 : i32
      %dma_start3A_36 = tpu.memref_slice %arg5[%arg0, %mul3A_34, %dma_start3A] : memref<2x10240x8xf32, #tpu.memory_space<hbm>> -> memref<1x640x8xf32, #tpu.memory_space<hbm>>
      %dma_start3A_37 = tpu.memref_squeeze %dma_start3A_36 : memref<1x640x8xf32, #tpu.memory_space<hbm>> -> memref<640x8xf32, #tpu.memory_space<hbm>>
      %dma_start3A_38 = arith.constant 0 : i32
      %dma_start3A_39 = tpu.memref_slice %arg5[%arg0, %mul3A_34, %dma_start3A_38] : memref<2x10240x8xf32, #tpu.memory_space<hbm>> -> memref<1x640x8xf32, #tpu.memory_space<hbm>>
      %dma_start3A_40 = tpu.memref_squeeze %dma_start3A_39 : memref<1x640x8xf32, #tpu.memory_space<hbm>> -> memref<640x8xf32, #tpu.memory_space<hbm>>
      tpu.enqueue_dma source(%arg8 : memref<640x8xf32, #tpu.memory_space<vmem>>) target(%dma_start3A_40 : memref<640x8xf32, #tpu.memory_space<hbm>>) target_semaphore(%run_scoped3A_35 : memref<!tpu.dma_semaphore, #tpu.memory_space<semaphore_mem>>)
      %dma_wait3A = arith.constant 0 : i32
      %dma_wait3A_41 = tpu.memref_slice %arg5[%arg0, %mul3A_34, %dma_wait3A] : memref<2x10240x8xf32, #tpu.memory_space<hbm>> -> memref<1x640x8xf32, #tpu.memory_space<hbm>>
      %dma_wait3A_42 = tpu.memref_squeeze %dma_wait3A_41 : memref<1x640x8xf32, #tpu.memory_space<hbm>> -> memref<640x8xf32, #tpu.memory_space<hbm>>
      %dma_wait3A_43 = arith.constant 0 : i32
      %dma_wait3A_44 = tpu.memref_slice %arg5[%arg0, %mul3A_34, %dma_wait3A_43] : memref<2x10240x8xf32, #tpu.memory_space<hbm>> -> memref<1x640x8xf32, #tpu.memory_space<hbm>>
      %dma_wait3A_45 = tpu.memref_squeeze %dma_wait3A_44 : memref<1x640x8xf32, #tpu.memory_space<hbm>> -> memref<640x8xf32, #tpu.memory_space<hbm>>
      tpu.wait_dma2 semaphore(%run_scoped3A_35 : memref<!tpu.dma_semaphore, #tpu.memory_space<semaphore_mem>>) src(%arg8 : memref<640x8xf32, #tpu.memory_space<vmem>>) dst(%dma_wait3A_45 : memref<640x8xf32, #tpu.memory_space<hbm>>)
      tpu.yield
    }) : () -> ()
    return
  }
}

#map = affine_map<(d0, d1) -> (0, 0, 0)>
module attributes {stable_mosaic.version = 14 : i64} {
  func.func @scat_kernel(%arg0: i32, %arg1: i32, %arg2: memref<2x2500x128xi32, #tpu.memory_space<hbm>>, %arg3: memref<2x10240x24xf32, #tpu.memory_space<hbm>>, %arg4: memref<2x10240x24xf32, #tpu.memory_space<hbm>>, %arg5: memref<157x128xi32, #tpu.memory_space<vmem>>, %arg6: memref<157x128xi32, #tpu.memory_space<vmem>>, %arg7: memref<4x128x24xf32, #tpu.memory_space<vmem>>, %arg8: memref<320x24xf32, #tpu.memory_space<vmem>>, %arg9: memref<10240x24xf32, #tpu.memory_space<vmem_shared>>, %arg10: memref<10240x24xf32, #tpu.memory_space<vmem_shared>>, %arg11: memref<!tpu.dma_semaphore, #tpu.memory_space<semaphore_mem>>, %arg12: memref<!tpu.dma_semaphore, #tpu.memory_space<semaphore_mem>>, %arg13: memref<!tpu.dma_semaphore, #tpu.memory_space<semaphore_mem>>, %arg14: memref<!tpu.dma_semaphore, #tpu.memory_space<semaphore_mem>>) attributes {dimension_semantics = [#tpu.dimension_semantics<core_parallel>, #tpu.dimension_semantics<subcore_parallel>], iteration_bounds = array<i64: 2, 16>, scalar_prefetch = 0 : i64, scratch_operands = 10 : i64, tpu.core_type = #tpu.core_type<sc_vector_subcore>, window_params = [{transform_indices = #map}, {transform_indices = #map}, {transform_indices = #map}]} {
    %mul3A = arith.constant 640 : i32
    %mul3A_0 = arith.muli %arg1, %mul3A : i32
    %mul3A_1 = arith.constant 640 : i32
    %mul3A_2 = arith.muli %arg1, %mul3A_1 : i32
    "tpu.region"() ({
      %run_scoped3A_97 = tpu.sem_alloc : memref<!tpu.dma_semaphore, #tpu.memory_space<semaphore_mem>>
      %dma_start3A_98 = arith.constant 0 : i32
      %dma_start3A_99 = tpu.memref_slice %arg9[%mul3A_2, %dma_start3A_98] : memref<10240x24xf32, #tpu.memory_space<vmem_shared>> -> memref<640x24xf32, #tpu.memory_space<vmem_shared>>
      %dma_start3A_100 = arith.constant 0 : i32
      %dma_start3A_101 = tpu.memref_slice %arg3[%arg0, %mul3A_0, %dma_start3A_100] : memref<2x10240x24xf32, #tpu.memory_space<hbm>> -> memref<1x640x24xf32, #tpu.memory_space<hbm>>
      %dma_start3A_102 = tpu.memref_squeeze %dma_start3A_101 : memref<1x640x24xf32, #tpu.memory_space<hbm>> -> memref<640x24xf32, #tpu.memory_space<hbm>>
      tpu.enqueue_dma source(%dma_start3A_102 : memref<640x24xf32, #tpu.memory_space<hbm>>) target(%dma_start3A_99 : memref<640x24xf32, #tpu.memory_space<vmem_shared>>) target_semaphore(%run_scoped3A_97 : memref<!tpu.dma_semaphore, #tpu.memory_space<semaphore_mem>>)
      %dma_wait3A = arith.constant 0 : i32
      %dma_wait3A_103 = tpu.memref_slice %arg9[%mul3A_2, %dma_wait3A] : memref<10240x24xf32, #tpu.memory_space<vmem_shared>> -> memref<640x24xf32, #tpu.memory_space<vmem_shared>>
      %dma_wait3A_104 = arith.constant 0 : i32
      %dma_wait3A_105 = tpu.memref_slice %arg3[%arg0, %mul3A_0, %dma_wait3A_104] : memref<2x10240x24xf32, #tpu.memory_space<hbm>> -> memref<1x640x24xf32, #tpu.memory_space<hbm>>
      %dma_wait3A_106 = tpu.memref_squeeze %dma_wait3A_105 : memref<1x640x24xf32, #tpu.memory_space<hbm>> -> memref<640x24xf32, #tpu.memory_space<hbm>>
      tpu.wait_dma2 semaphore(%run_scoped3A_97 : memref<!tpu.dma_semaphore, #tpu.memory_space<semaphore_mem>>) src(%dma_wait3A_106 : memref<640x24xf32, #tpu.memory_space<hbm>>) dst(%dma_wait3A_103 : memref<640x24xf32, #tpu.memory_space<vmem_shared>>)
      tpu.yield
    }) : () -> ()
    %scan3A = arith.constant 0 : i32
    %scan3A_3 = arith.constant 0 : i32
    %scan3A_4 = arith.constant 320 : i32
    %scan3A_5 = arith.addi %scan3A_3, %scan3A_4 : i32
    %scan3A_6 = arith.constant 1 : i32
    scf.for %scan3A_97 = %scan3A_3 to %scan3A_5 step %scan3A_6  : i32 {
      %broadcast_in_dim3A = arith.constant 0.000000e+00 : f32
      %broadcast_in_dim3A_98 = vector.broadcast %broadcast_in_dim3A : f32 to vector<16xf32>
      %swap3A = arith.index_cast %scan3A_97 : i32 to index
      %swap3A_99 = arith.constant 0 : index
      %swap3A_100 = tpu.vector_load %arg8[%swap3A, %swap3A_99] {strides = array<i32>} : memref<320x24xf32, #tpu.memory_space<vmem>>, vector<1x16xf32>,
      %swap3A_101 = vector.shape_cast %swap3A_100 : vector<1x16xf32> to vector<16xf32>
      %swap3A_102 = vector.shape_cast %broadcast_in_dim3A_98 : vector<16xf32> to vector<1x16xf32>
      tpu.vector_store %arg8[%swap3A, %swap3A_99], %swap3A_102 {strides = array<i32>} : memref<320x24xf32, #tpu.memory_space<vmem>>, vector<1x16xf32>,
      %broadcast_in_dim3A_103 = arith.constant 0.000000e+00 : f32
      %broadcast_in_dim3A_104 = vector.broadcast %broadcast_in_dim3A_103 : f32 to vector<16xf32>
      %swap3A_105 = arith.index_cast %scan3A_97 : i32 to index
      %swap3A_106 = arith.constant 8 : index
      %swap3A_107 = tpu.vector_load %arg8[%swap3A_105, %swap3A_106] {strides = array<i32>} : memref<320x24xf32, #tpu.memory_space<vmem>>, vector<1x16xf32>,
      %swap3A_108 = vector.shape_cast %swap3A_107 : vector<1x16xf32> to vector<16xf32>
      %swap3A_109 = vector.shape_cast %broadcast_in_dim3A_104 : vector<16xf32> to vector<1x16xf32>
      tpu.vector_store %arg8[%swap3A_105, %swap3A_106], %swap3A_109 {strides = array<i32>} : memref<320x24xf32, #tpu.memory_space<vmem>>, vector<1x16xf32>,
    }
    %scan3A_7 = arith.constant 320 : i32
    %mul3A_8 = arith.constant 640 : i32
    %mul3A_9 = arith.muli %arg1, %mul3A_8 : i32
    %add3A = arith.constant 0 : i32
    %add3A_10 = arith.addi %mul3A_9, %add3A : i32
    "tpu.region"() ({
      %run_scoped3A_97 = tpu.sem_alloc : memref<!tpu.dma_semaphore, #tpu.memory_space<semaphore_mem>>
      %dma_start3A_98 = arith.constant 0 : i32
      %dma_start3A_99 = tpu.memref_slice %arg10[%add3A_10, %dma_start3A_98] : memref<10240x24xf32, #tpu.memory_space<vmem_shared>> -> memref<320x24xf32, #tpu.memory_space<vmem_shared>>
      %dma_start3A_100 = arith.constant 0 : i32
      %dma_start3A_101 = tpu.memref_slice %arg10[%add3A_10, %dma_start3A_100] : memref<10240x24xf32, #tpu.memory_space<vmem_shared>> -> memref<320x24xf32, #tpu.memory_space<vmem_shared>>
      tpu.enqueue_dma source(%arg8 : memref<320x24xf32, #tpu.memory_space<vmem>>) target(%dma_start3A_101 : memref<320x24xf32, #tpu.memory_space<vmem_shared>>) target_semaphore(%run_scoped3A_97 : memref<!tpu.dma_semaphore, #tpu.memory_space<semaphore_mem>>)
      %dma_wait3A = arith.constant 0 : i32
      %dma_wait3A_102 = tpu.memref_slice %arg10[%add3A_10, %dma_wait3A] : memref<10240x24xf32, #tpu.memory_space<vmem_shared>> -> memref<320x24xf32, #tpu.memory_space<vmem_shared>>
      %dma_wait3A_103 = arith.constant 0 : i32
      %dma_wait3A_104 = tpu.memref_slice %arg10[%add3A_10, %dma_wait3A_103] : memref<10240x24xf32, #tpu.memory_space<vmem_shared>> -> memref<320x24xf32, #tpu.memory_space<vmem_shared>>
      tpu.wait_dma2 semaphore(%run_scoped3A_97 : memref<!tpu.dma_semaphore, #tpu.memory_space<semaphore_mem>>) src(%arg8 : memref<320x24xf32, #tpu.memory_space<vmem>>) dst(%dma_wait3A_104 : memref<320x24xf32, #tpu.memory_space<vmem_shared>>)
      tpu.yield
    }) : () -> ()
    %mul3A_11 = arith.constant 640 : i32
    %mul3A_12 = arith.muli %arg1, %mul3A_11 : i32
    %add3A_13 = arith.constant 320 : i32
    %add3A_14 = arith.addi %mul3A_12, %add3A_13 : i32
    "tpu.region"() ({
      %run_scoped3A_97 = tpu.sem_alloc : memref<!tpu.dma_semaphore, #tpu.memory_space<semaphore_mem>>
      %dma_start3A_98 = arith.constant 0 : i32
      %dma_start3A_99 = tpu.memref_slice %arg10[%add3A_14, %dma_start3A_98] : memref<10240x24xf32, #tpu.memory_space<vmem_shared>> -> memref<320x24xf32, #tpu.memory_space<vmem_shared>>
      %dma_start3A_100 = arith.constant 0 : i32
      %dma_start3A_101 = tpu.memref_slice %arg10[%add3A_14, %dma_start3A_100] : memref<10240x24xf32, #tpu.memory_space<vmem_shared>> -> memref<320x24xf32, #tpu.memory_space<vmem_shared>>
      tpu.enqueue_dma source(%arg8 : memref<320x24xf32, #tpu.memory_space<vmem>>) target(%dma_start3A_101 : memref<320x24xf32, #tpu.memory_space<vmem_shared>>) target_semaphore(%run_scoped3A_97 : memref<!tpu.dma_semaphore, #tpu.memory_space<semaphore_mem>>)
      %dma_wait3A = arith.constant 0 : i32
      %dma_wait3A_102 = tpu.memref_slice %arg10[%add3A_14, %dma_wait3A] : memref<10240x24xf32, #tpu.memory_space<vmem_shared>> -> memref<320x24xf32, #tpu.memory_space<vmem_shared>>
      %dma_wait3A_103 = arith.constant 0 : i32
      %dma_wait3A_104 = tpu.memref_slice %arg10[%add3A_14, %dma_wait3A_103] : memref<10240x24xf32, #tpu.memory_space<vmem_shared>> -> memref<320x24xf32, #tpu.memory_space<vmem_shared>>
      tpu.wait_dma2 semaphore(%run_scoped3A_97 : memref<!tpu.dma_semaphore, #tpu.memory_space<semaphore_mem>>) src(%arg8 : memref<320x24xf32, #tpu.memory_space<vmem>>) dst(%dma_wait3A_104 : memref<320x24xf32, #tpu.memory_space<vmem_shared>>)
      tpu.yield
    }) : () -> ()
    %mul3A_15 = arith.constant 156 : i32
    %mul3A_16 = arith.muli %arg1, %mul3A_15 : i32
    %min3A = arith.constant 4 : i32
    %min3A_17 = arith.minsi %arg1, %min3A : i32
    %add3A_18 = arith.addi %mul3A_16, %min3A_17 : i32
    %run_scoped3A = arith.constant 0 : i32
    "tpu.region"() ({
      %run_scoped3A_97 = tpu.sem_alloc : memref<!tpu.dma_semaphore, #tpu.memory_space<semaphore_mem>>
      %dma_start3A_98 = arith.constant 0 : i32
      %dma_start3A_99 = arith.constant 0 : i32
      %dma_start3A_100 = tpu.memref_slice %arg5[%dma_start3A_98, %dma_start3A_99] : memref<157x128xi32, #tpu.memory_space<vmem>> -> memref<156x128xi32, #tpu.memory_space<vmem>>
      %dma_start3A_101 = arith.constant 0 : i32
      %dma_start3A_102 = tpu.memref_slice %arg2[%run_scoped3A, %add3A_18, %dma_start3A_101] : memref<2x2500x128xi32, #tpu.memory_space<hbm>> -> memref<1x156x128xi32, #tpu.memory_space<hbm>>
      %dma_start3A_103 = tpu.memref_squeeze %dma_start3A_102 : memref<1x156x128xi32, #tpu.memory_space<hbm>> -> memref<156x128xi32, #tpu.memory_space<hbm>>
      %dma_start3A_104 = arith.constant 0 : i32
      %dma_start3A_105 = arith.constant 0 : i32
      %dma_start3A_106 = tpu.memref_slice %arg5[%dma_start3A_104, %dma_start3A_105] : memref<157x128xi32, #tpu.memory_space<vmem>> -> memref<156x128xi32, #tpu.memory_space<vmem>>
      %dma_start3A_107 = arith.constant 0 : i32
      %dma_start3A_108 = tpu.memref_slice %arg2[%run_scoped3A, %add3A_18, %dma_start3A_107] : memref<2x2500x128xi32, #tpu.memory_space<hbm>> -> memref<1x156x128xi32, #tpu.memory_space<hbm>>
      %dma_start3A_109 = tpu.memref_squeeze %dma_start3A_108 : memref<1x156x128xi32, #tpu.memory_space<hbm>> -> memref<156x128xi32, #tpu.memory_space<hbm>>
      tpu.enqueue_dma source(%dma_start3A_109 : memref<156x128xi32, #tpu.memory_space<hbm>>) target(%dma_start3A_106 : memref<156x128xi32, #tpu.memory_space<vmem>>) target_semaphore(%run_scoped3A_97 : memref<!tpu.dma_semaphore, #tpu.memory_space<semaphore_mem>>)
      %dma_wait3A = arith.constant 0 : i32
      %dma_wait3A_110 = arith.constant 0 : i32
      %dma_wait3A_111 = tpu.memref_slice %arg5[%dma_wait3A, %dma_wait3A_110] : memref<157x128xi32, #tpu.memory_space<vmem>> -> memref<156x128xi32, #tpu.memory_space<vmem>>
      %dma_wait3A_112 = arith.constant 0 : i32
      %dma_wait3A_113 = tpu.memref_slice %arg2[%run_scoped3A, %add3A_18, %dma_wait3A_112] : memref<2x2500x128xi32, #tpu.memory_space<hbm>> -> memref<1x156x128xi32, #tpu.memory_space<hbm>>
      %dma_wait3A_114 = tpu.memref_squeeze %dma_wait3A_113 : memref<1x156x128xi32, #tpu.memory_space<hbm>> -> memref<156x128xi32, #tpu.memory_space<hbm>>
      %dma_wait3A_115 = arith.constant 0 : i32
      %dma_wait3A_116 = arith.constant 0 : i32
      %dma_wait3A_117 = tpu.memref_slice %arg5[%dma_wait3A_115, %dma_wait3A_116] : memref<157x128xi32, #tpu.memory_space<vmem>> -> memref<156x128xi32, #tpu.memory_space<vmem>>
      %dma_wait3A_118 = arith.constant 0 : i32
      %dma_wait3A_119 = tpu.memref_slice %arg2[%run_scoped3A, %add3A_18, %dma_wait3A_118] : memref<2x2500x128xi32, #tpu.memory_space<hbm>> -> memref<1x156x128xi32, #tpu.memory_space<hbm>>
      %dma_wait3A_120 = tpu.memref_squeeze %dma_wait3A_119 : memref<1x156x128xi32, #tpu.memory_space<hbm>> -> memref<156x128xi32, #tpu.memory_space<hbm>>
      tpu.wait_dma2 semaphore(%run_scoped3A_97 : memref<!tpu.dma_semaphore, #tpu.memory_space<semaphore_mem>>) src(%dma_wait3A_120 : memref<156x128xi32, #tpu.memory_space<hbm>>) dst(%dma_wait3A_117 : memref<156x128xi32, #tpu.memory_space<vmem>>)
      tpu.yield
    }) : () -> ()
    %run_scoped3A_19 = arith.constant 1 : i32
    "tpu.region"() ({
      %run_scoped3A_97 = tpu.sem_alloc : memref<!tpu.dma_semaphore, #tpu.memory_space<semaphore_mem>>
      %dma_start3A_98 = arith.constant 0 : i32
      %dma_start3A_99 = arith.constant 0 : i32
      %dma_start3A_100 = tpu.memref_slice %arg6[%dma_start3A_98, %dma_start3A_99] : memref<157x128xi32, #tpu.memory_space<vmem>> -> memref<156x128xi32, #tpu.memory_space<vmem>>
      %dma_start3A_101 = arith.constant 0 : i32
      %dma_start3A_102 = tpu.memref_slice %arg2[%run_scoped3A_19, %add3A_18, %dma_start3A_101] : memref<2x2500x128xi32, #tpu.memory_space<hbm>> -> memref<1x156x128xi32, #tpu.memory_space<hbm>>
      %dma_start3A_103 = tpu.memref_squeeze %dma_start3A_102 : memref<1x156x128xi32, #tpu.memory_space<hbm>> -> memref<156x128xi32, #tpu.memory_space<hbm>>
      %dma_start3A_104 = arith.constant 0 : i32
      %dma_start3A_105 = arith.constant 0 : i32
      %dma_start3A_106 = tpu.memref_slice %arg6[%dma_start3A_104, %dma_start3A_105] : memref<157x128xi32, #tpu.memory_space<vmem>> -> memref<156x128xi32, #tpu.memory_space<vmem>>
      %dma_start3A_107 = arith.constant 0 : i32
      %dma_start3A_108 = tpu.memref_slice %arg2[%run_scoped3A_19, %add3A_18, %dma_start3A_107] : memref<2x2500x128xi32, #tpu.memory_space<hbm>> -> memref<1x156x128xi32, #tpu.memory_space<hbm>>
      %dma_start3A_109 = tpu.memref_squeeze %dma_start3A_108 : memref<1x156x128xi32, #tpu.memory_space<hbm>> -> memref<156x128xi32, #tpu.memory_space<hbm>>
      tpu.enqueue_dma source(%dma_start3A_109 : memref<156x128xi32, #tpu.memory_space<hbm>>) target(%dma_start3A_106 : memref<156x128xi32, #tpu.memory_space<vmem>>) target_semaphore(%run_scoped3A_97 : memref<!tpu.dma_semaphore, #tpu.memory_space<semaphore_mem>>)
      %dma_wait3A = arith.constant 0 : i32
      %dma_wait3A_110 = arith.constant 0 : i32
      %dma_wait3A_111 = tpu.memref_slice %arg6[%dma_wait3A, %dma_wait3A_110] : memref<157x128xi32, #tpu.memory_space<vmem>> -> memref<156x128xi32, #tpu.memory_space<vmem>>
      %dma_wait3A_112 = arith.constant 0 : i32
      %dma_wait3A_113 = tpu.memref_slice %arg2[%run_scoped3A_19, %add3A_18, %dma_wait3A_112] : memref<2x2500x128xi32, #tpu.memory_space<hbm>> -> memref<1x156x128xi32, #tpu.memory_space<hbm>>
      %dma_wait3A_114 = tpu.memref_squeeze %dma_wait3A_113 : memref<1x156x128xi32, #tpu.memory_space<hbm>> -> memref<156x128xi32, #tpu.memory_space<hbm>>
      %dma_wait3A_115 = arith.constant 0 : i32
      %dma_wait3A_116 = arith.constant 0 : i32
      %dma_wait3A_117 = tpu.memref_slice %arg6[%dma_wait3A_115, %dma_wait3A_116] : memref<157x128xi32, #tpu.memory_space<vmem>> -> memref<156x128xi32, #tpu.memory_space<vmem>>
      %dma_wait3A_118 = arith.constant 0 : i32
      %dma_wait3A_119 = tpu.memref_slice %arg2[%run_scoped3A_19, %add3A_18, %dma_wait3A_118] : memref<2x2500x128xi32, #tpu.memory_space<hbm>> -> memref<1x156x128xi32, #tpu.memory_space<hbm>>
      %dma_wait3A_120 = tpu.memref_squeeze %dma_wait3A_119 : memref<1x156x128xi32, #tpu.memory_space<hbm>> -> memref<156x128xi32, #tpu.memory_space<hbm>>
      tpu.wait_dma2 semaphore(%run_scoped3A_97 : memref<!tpu.dma_semaphore, #tpu.memory_space<semaphore_mem>>) src(%dma_wait3A_120 : memref<156x128xi32, #tpu.memory_space<hbm>>) dst(%dma_wait3A_117 : memref<156x128xi32, #tpu.memory_space<vmem>>)
      tpu.yield
    }) : () -> ()
    %lt3A = arith.constant 4 : i32
    %lt3A_20 = arith.cmpi slt, %arg1, %lt3A : i32
    %convert_element_type3A = arith.extui %lt3A_20 : i1 to i32
    %cond3A = arith.constant 0 : i32
    %cond3A_21 = arith.cmpi ne, %convert_element_type3A, %cond3A : i32
    scf.if %cond3A_21 {
      %add3A_97 = arith.constant 156 : i32
      %add3A_98 = arith.addi %add3A_18, %add3A_97 : i32
      %run_scoped3A_99 = arith.constant 0 : i32
      "tpu.region"() ({
        %run_scoped3A_103 = tpu.sem_alloc : memref<!tpu.dma_semaphore, #tpu.memory_space<semaphore_mem>>
        %dma_start3A_104 = arith.constant 156 : i32
        %dma_start3A_105 = arith.constant 0 : i32
        %dma_start3A_106 = tpu.memref_slice %arg5[%dma_start3A_104, %dma_start3A_105] : memref<157x128xi32, #tpu.memory_space<vmem>> -> memref<1x128xi32, #tpu.memory_space<vmem>>
        %dma_start3A_107 = arith.constant 0 : i32
        %dma_start3A_108 = tpu.memref_slice %arg2[%run_scoped3A_99, %add3A_98, %dma_start3A_107] : memref<2x2500x128xi32, #tpu.memory_space<hbm>> -> memref<1x1x128xi32, #tpu.memory_space<hbm>>
        %dma_start3A_109 = tpu.memref_squeeze %dma_start3A_108 : memref<1x1x128xi32, #tpu.memory_space<hbm>> -> memref<1x128xi32, #tpu.memory_space<hbm>>
        %dma_start3A_110 = arith.constant 156 : i32
        %dma_start3A_111 = arith.constant 0 : i32
        %dma_start3A_112 = tpu.memref_slice %arg5[%dma_start3A_110, %dma_start3A_111] : memref<157x128xi32, #tpu.memory_space<vmem>> -> memref<1x128xi32, #tpu.memory_space<vmem>>
        %dma_start3A_113 = arith.constant 0 : i32
        %dma_start3A_114 = tpu.memref_slice %arg2[%run_scoped3A_99, %add3A_98, %dma_start3A_113] : memref<2x2500x128xi32, #tpu.memory_space<hbm>> -> memref<1x1x128xi32, #tpu.memory_space<hbm>>
        %dma_start3A_115 = tpu.memref_squeeze %dma_start3A_114 : memref<1x1x128xi32, #tpu.memory_space<hbm>> -> memref<1x128xi32, #tpu.memory_space<hbm>>
        tpu.enqueue_dma source(%dma_start3A_115 : memref<1x128xi32, #tpu.memory_space<hbm>>) target(%dma_start3A_112 : memref<1x128xi32, #tpu.memory_space<vmem>>) target_semaphore(%run_scoped3A_103 : memref<!tpu.dma_semaphore, #tpu.memory_space<semaphore_mem>>)
        %dma_wait3A = arith.constant 156 : i32
        %dma_wait3A_116 = arith.constant 0 : i32
        %dma_wait3A_117 = tpu.memref_slice %arg5[%dma_wait3A, %dma_wait3A_116] : memref<157x128xi32, #tpu.memory_space<vmem>> -> memref<1x128xi32, #tpu.memory_space<vmem>>
        %dma_wait3A_118 = arith.constant 0 : i32
        %dma_wait3A_119 = tpu.memref_slice %arg2[%run_scoped3A_99, %add3A_98, %dma_wait3A_118] : memref<2x2500x128xi32, #tpu.memory_space<hbm>> -> memref<1x1x128xi32, #tpu.memory_space<hbm>>
        %dma_wait3A_120 = tpu.memref_squeeze %dma_wait3A_119 : memref<1x1x128xi32, #tpu.memory_space<hbm>> -> memref<1x128xi32, #tpu.memory_space<hbm>>
        %dma_wait3A_121 = arith.constant 156 : i32
        %dma_wait3A_122 = arith.constant 0 : i32
        %dma_wait3A_123 = tpu.memref_slice %arg5[%dma_wait3A_121, %dma_wait3A_122] : memref<157x128xi32, #tpu.memory_space<vmem>> -> memref<1x128xi32, #tpu.memory_space<vmem>>
        %dma_wait3A_124 = arith.constant 0 : i32
        %dma_wait3A_125 = tpu.memref_slice %arg2[%run_scoped3A_99, %add3A_98, %dma_wait3A_124] : memref<2x2500x128xi32, #tpu.memory_space<hbm>> -> memref<1x1x128xi32, #tpu.memory_space<hbm>>
        %dma_wait3A_126 = tpu.memref_squeeze %dma_wait3A_125 : memref<1x1x128xi32, #tpu.memory_space<hbm>> -> memref<1x128xi32, #tpu.memory_space<hbm>>
        tpu.wait_dma2 semaphore(%run_scoped3A_103 : memref<!tpu.dma_semaphore, #tpu.memory_space<semaphore_mem>>) src(%dma_wait3A_126 : memref<1x128xi32, #tpu.memory_space<hbm>>) dst(%dma_wait3A_123 : memref<1x128xi32, #tpu.memory_space<vmem>>)
        tpu.yield
      }) : () -> ()
      %add3A_100 = arith.constant 156 : i32
      %add3A_101 = arith.addi %add3A_18, %add3A_100 : i32
      %run_scoped3A_102 = arith.constant 1 : i32
      "tpu.region"() ({
        %run_scoped3A_103 = tpu.sem_alloc : memref<!tpu.dma_semaphore, #tpu.memory_space<semaphore_mem>>
        %dma_start3A_104 = arith.constant 156 : i32
        %dma_start3A_105 = arith.constant 0 : i32
        %dma_start3A_106 = tpu.memref_slice %arg6[%dma_start3A_104, %dma_start3A_105] : memref<157x128xi32, #tpu.memory_space<vmem>> -> memref<1x128xi32, #tpu.memory_space<vmem>>
        %dma_start3A_107 = arith.constant 0 : i32
        %dma_start3A_108 = tpu.memref_slice %arg2[%run_scoped3A_102, %add3A_101, %dma_start3A_107] : memref<2x2500x128xi32, #tpu.memory_space<hbm>> -> memref<1x1x128xi32, #tpu.memory_space<hbm>>
        %dma_start3A_109 = tpu.memref_squeeze %dma_start3A_108 : memref<1x1x128xi32, #tpu.memory_space<hbm>> -> memref<1x128xi32, #tpu.memory_space<hbm>>
        %dma_start3A_110 = arith.constant 156 : i32
        %dma_start3A_111 = arith.constant 0 : i32
        %dma_start3A_112 = tpu.memref_slice %arg6[%dma_start3A_110, %dma_start3A_111] : memref<157x128xi32, #tpu.memory_space<vmem>> -> memref<1x128xi32, #tpu.memory_space<vmem>>
        %dma_start3A_113 = arith.constant 0 : i32
        %dma_start3A_114 = tpu.memref_slice %arg2[%run_scoped3A_102, %add3A_101, %dma_start3A_113] : memref<2x2500x128xi32, #tpu.memory_space<hbm>> -> memref<1x1x128xi32, #tpu.memory_space<hbm>>
        %dma_start3A_115 = tpu.memref_squeeze %dma_start3A_114 : memref<1x1x128xi32, #tpu.memory_space<hbm>> -> memref<1x128xi32, #tpu.memory_space<hbm>>
        tpu.enqueue_dma source(%dma_start3A_115 : memref<1x128xi32, #tpu.memory_space<hbm>>) target(%dma_start3A_112 : memref<1x128xi32, #tpu.memory_space<vmem>>) target_semaphore(%run_scoped3A_103 : memref<!tpu.dma_semaphore, #tpu.memory_space<semaphore_mem>>)
        %dma_wait3A = arith.constant 156 : i32
        %dma_wait3A_116 = arith.constant 0 : i32
        %dma_wait3A_117 = tpu.memref_slice %arg6[%dma_wait3A, %dma_wait3A_116] : memref<157x128xi32, #tpu.memory_space<vmem>> -> memref<1x128xi32, #tpu.memory_space<vmem>>
        %dma_wait3A_118 = arith.constant 0 : i32
        %dma_wait3A_119 = tpu.memref_slice %arg2[%run_scoped3A_102, %add3A_101, %dma_wait3A_118] : memref<2x2500x128xi32, #tpu.memory_space<hbm>> -> memref<1x1x128xi32, #tpu.memory_space<hbm>>
        %dma_wait3A_120 = tpu.memref_squeeze %dma_wait3A_119 : memref<1x1x128xi32, #tpu.memory_space<hbm>> -> memref<1x128xi32, #tpu.memory_space<hbm>>
        %dma_wait3A_121 = arith.constant 156 : i32
        %dma_wait3A_122 = arith.constant 0 : i32
        %dma_wait3A_123 = tpu.memref_slice %arg6[%dma_wait3A_121, %dma_wait3A_122] : memref<157x128xi32, #tpu.memory_space<vmem>> -> memref<1x128xi32, #tpu.memory_space<vmem>>
        %dma_wait3A_124 = arith.constant 0 : i32
        %dma_wait3A_125 = tpu.memref_slice %arg2[%run_scoped3A_102, %add3A_101, %dma_wait3A_124] : memref<2x2500x128xi32, #tpu.memory_space<hbm>> -> memref<1x1x128xi32, #tpu.memory_space<hbm>>
        %dma_wait3A_126 = tpu.memref_squeeze %dma_wait3A_125 : memref<1x1x128xi32, #tpu.memory_space<hbm>> -> memref<1x128xi32, #tpu.memory_space<hbm>>
        tpu.wait_dma2 semaphore(%run_scoped3A_103 : memref<!tpu.dma_semaphore, #tpu.memory_space<semaphore_mem>>) src(%dma_wait3A_126 : memref<1x128xi32, #tpu.memory_space<hbm>>) dst(%dma_wait3A_123 : memref<1x128xi32, #tpu.memory_space<vmem>>)
        tpu.yield
      }) : () -> ()
    } else {
    }
    %barrier3A = arith.constant 0 : index
    tpu.barrier barrier_id(%barrier3A)
    %dma_start3A = arith.constant 0 : i32
    %dma_start3A_22 = arith.constant 0 : i32
    %dma_start3A_23 = arith.constant 0 : i32
    %dma_start3A_24 = arith.constant 0 : i32
    %dma_start3A_25 = tpu.memref_slice %arg7[%dma_start3A_22, %dma_start3A_23, %dma_start3A_24] : memref<4x128x24xf32, #tpu.memory_space<vmem>> -> memref<1x128x24xf32, #tpu.memory_space<vmem>>
    %dma_start3A_26 = tpu.memref_squeeze %dma_start3A_25 : memref<1x128x24xf32, #tpu.memory_space<vmem>> -> memref<128x24xf32, #tpu.memory_space<vmem>>
    %dma_start3A_27 = arith.constant 0 : i32
    %dma_start3A_28 = tpu.memref_slice %arg5[%dma_start3A, %dma_start3A_27] : memref<157x128xi32, #tpu.memory_space<vmem>> -> memref<1x128xi32, #tpu.memory_space<vmem>>
    %dma_start3A_29 = tpu.memref_squeeze %dma_start3A_28 : memref<1x128xi32, #tpu.memory_space<vmem>> -> memref<128xi32, #tpu.memory_space<vmem>>
    %dma_start3A_30 = arith.constant 0 : i32
    %dma_start3A_31 = arith.constant 0 : i32
    %dma_start3A_32 = tpu.memref_slice %arg9[%dma_start3A_30, %dma_start3A_31] : memref<10240x24xf32, #tpu.memory_space<vmem_shared>> -> memref<10240x24xf32, #tpu.memory_space<vmem_shared>>
    tpu.enqueue_indirect_dma source(%dma_start3A_32 : memref<10240x24xf32, #tpu.memory_space<vmem_shared>>) target(%dma_start3A_26 : memref<128x24xf32, #tpu.memory_space<vmem>>) offsets(%dma_start3A_29 : memref<128xi32, #tpu.memory_space<vmem>>) semaphore(%arg11 : memref<!tpu.dma_semaphore, #tpu.memory_space<semaphore_mem>>)
    %dma_start3A_33 = arith.constant 1 : i32
    %dma_start3A_34 = arith.constant 1 : i32
    %dma_start3A_35 = arith.constant 0 : i32
    %dma_start3A_36 = arith.constant 0 : i32
    %dma_start3A_37 = tpu.memref_slice %arg7[%dma_start3A_34, %dma_start3A_35, %dma_start3A_36] : memref<4x128x24xf32, #tpu.memory_space<vmem>> -> memref<1x128x24xf32, #tpu.memory_space<vmem>>
    %dma_start3A_38 = tpu.memref_squeeze %dma_start3A_37 : memref<1x128x24xf32, #tpu.memory_space<vmem>> -> memref<128x24xf32, #tpu.memory_space<vmem>>
    %dma_start3A_39 = arith.constant 0 : i32
    %dma_start3A_40 = tpu.memref_slice %arg5[%dma_start3A_33, %dma_start3A_39] : memref<157x128xi32, #tpu.memory_space<vmem>> -> memref<1x128xi32, #tpu.memory_space<vmem>>
    %dma_start3A_41 = tpu.memref_squeeze %dma_start3A_40 : memref<1x128xi32, #tpu.memory_space<vmem>> -> memref<128xi32, #tpu.memory_space<vmem>>
    %dma_start3A_42 = arith.constant 0 : i32
    %dma_start3A_43 = arith.constant 0 : i32
    %dma_start3A_44 = tpu.memref_slice %arg9[%dma_start3A_42, %dma_start3A_43] : memref<10240x24xf32, #tpu.memory_space<vmem_shared>> -> memref<10240x24xf32, #tpu.memory_space<vmem_shared>>
    tpu.enqueue_indirect_dma source(%dma_start3A_44 : memref<10240x24xf32, #tpu.memory_space<vmem_shared>>) target(%dma_start3A_38 : memref<128x24xf32, #tpu.memory_space<vmem>>) offsets(%dma_start3A_41 : memref<128xi32, #tpu.memory_space<vmem>>) semaphore(%arg12 : memref<!tpu.dma_semaphore, #tpu.memory_space<semaphore_mem>>)
    %dma_start3A_45 = arith.constant 2 : i32
    %dma_start3A_46 = arith.constant 2 : i32
    %dma_start3A_47 = arith.constant 0 : i32
    %dma_start3A_48 = arith.constant 0 : i32
    %dma_start3A_49 = tpu.memref_slice %arg7[%dma_start3A_46, %dma_start3A_47, %dma_start3A_48] : memref<4x128x24xf32, #tpu.memory_space<vmem>> -> memref<1x128x24xf32, #tpu.memory_space<vmem>>
    %dma_start3A_50 = tpu.memref_squeeze %dma_start3A_49 : memref<1x128x24xf32, #tpu.memory_space<vmem>> -> memref<128x24xf32, #tpu.memory_space<vmem>>
    %dma_start3A_51 = arith.constant 0 : i32
    %dma_start3A_52 = tpu.memref_slice %arg5[%dma_start3A_45, %dma_start3A_51] : memref<157x128xi32, #tpu.memory_space<vmem>> -> memref<1x128xi32, #tpu.memory_space<vmem>>
    %dma_start3A_53 = tpu.memref_squeeze %dma_start3A_52 : memref<1x128xi32, #tpu.memory_space<vmem>> -> memref<128xi32, #tpu.memory_space<vmem>>
    %dma_start3A_54 = arith.constant 0 : i32
    %dma_start3A_55 = arith.constant 0 : i32
    %dma_start3A_56 = tpu.memref_slice %arg9[%dma_start3A_54, %dma_start3A_55] : memref<10240x24xf32, #tpu.memory_space<vmem_shared>> -> memref<10240x24xf32, #tpu.memory_space<vmem_shared>>
    tpu.enqueue_indirect_dma source(%dma_start3A_56 : memref<10240x24xf32, #tpu.memory_space<vmem_shared>>) target(%dma_start3A_50 : memref<128x24xf32, #tpu.memory_space<vmem>>) offsets(%dma_start3A_53 : memref<128xi32, #tpu.memory_space<vmem>>) semaphore(%arg13 : memref<!tpu.dma_semaphore, #tpu.memory_space<semaphore_mem>>)
    %dma_start3A_57 = arith.constant 3 : i32
    %dma_start3A_58 = arith.constant 3 : i32
    %dma_start3A_59 = arith.constant 0 : i32
    %dma_start3A_60 = arith.constant 0 : i32
    %dma_start3A_61 = tpu.memref_slice %arg7[%dma_start3A_58, %dma_start3A_59, %dma_start3A_60] : memref<4x128x24xf32, #tpu.memory_space<vmem>> -> memref<1x128x24xf32, #tpu.memory_space<vmem>>
    %dma_start3A_62 = tpu.memref_squeeze %dma_start3A_61 : memref<1x128x24xf32, #tpu.memory_space<vmem>> -> memref<128x24xf32, #tpu.memory_space<vmem>>
    %dma_start3A_63 = arith.constant 0 : i32
    %dma_start3A_64 = tpu.memref_slice %arg5[%dma_start3A_57, %dma_start3A_63] : memref<157x128xi32, #tpu.memory_space<vmem>> -> memref<1x128xi32, #tpu.memory_space<vmem>>
    %dma_start3A_65 = tpu.memref_squeeze %dma_start3A_64 : memref<1x128xi32, #tpu.memory_space<vmem>> -> memref<128xi32, #tpu.memory_space<vmem>>
    %dma_start3A_66 = arith.constant 0 : i32
    %dma_start3A_67 = arith.constant 0 : i32
    %dma_start3A_68 = tpu.memref_slice %arg9[%dma_start3A_66, %dma_start3A_67] : memref<10240x24xf32, #tpu.memory_space<vmem_shared>> -> memref<10240x24xf32, #tpu.memory_space<vmem_shared>>
    tpu.enqueue_indirect_dma source(%dma_start3A_68 : memref<10240x24xf32, #tpu.memory_space<vmem_shared>>) target(%dma_start3A_62 : memref<128x24xf32, #tpu.memory_space<vmem>>) offsets(%dma_start3A_65 : memref<128xi32, #tpu.memory_space<vmem>>) semaphore(%arg14 : memref<!tpu.dma_semaphore, #tpu.memory_space<semaphore_mem>>)
    %scan3A_69 = arith.constant 0 : i32
    %scan3A_70 = arith.constant 0 : i32
    %scan3A_71 = arith.constant 39 : i32
    %scan3A_72 = arith.addi %scan3A_70, %scan3A_71 : i32
    %scan3A_73 = arith.constant 1 : i32
    scf.for %scan3A_97 = %scan3A_70 to %scan3A_72 step %scan3A_73  : i32 {
      %mul3A_98 = arith.constant 4 : i32
      %mul3A_99 = arith.muli %scan3A_97, %mul3A_98 : i32
      %add3A_100 = arith.constant 0 : i32
      %add3A_101 = arith.addi %mul3A_99, %add3A_100 : i32
      %dma_wait3A = arith.constant 0 : i32
      %dma_wait3A_102 = arith.constant 0 : i32
      %dma_wait3A_103 = arith.constant 0 : i32
      %dma_wait3A_104 = tpu.memref_slice %arg7[%dma_wait3A, %dma_wait3A_102, %dma_wait3A_103] : memref<4x128x24xf32, #tpu.memory_space<vmem>> -> memref<1x128x24xf32, #tpu.memory_space<vmem>>
      %dma_wait3A_105 = tpu.memref_squeeze %dma_wait3A_104 : memref<1x128x24xf32, #tpu.memory_space<vmem>> -> memref<128x24xf32, #tpu.memory_space<vmem>>
      %dma_wait3A_106 = arith.constant 0 : i32
      %dma_wait3A_107 = tpu.memref_slice %arg5[%add3A_101, %dma_wait3A_106] : memref<157x128xi32, #tpu.memory_space<vmem>> -> memref<1x128xi32, #tpu.memory_space<vmem>>
      %dma_wait3A_108 = tpu.memref_squeeze %dma_wait3A_107 : memref<1x128xi32, #tpu.memory_space<vmem>> -> memref<128xi32, #tpu.memory_space<vmem>>
      %dma_wait3A_109 = arith.constant 0 : i32
      %dma_wait3A_110 = arith.constant 0 : i32
      %dma_wait3A_111 = tpu.memref_slice %arg9[%dma_wait3A_109, %dma_wait3A_110] : memref<10240x24xf32, #tpu.memory_space<vmem_shared>> -> memref<10240x24xf32, #tpu.memory_space<vmem_shared>>
      tpu.wait_indirect_dma semaphore(%arg11 : memref<!tpu.dma_semaphore, #tpu.memory_space<semaphore_mem>>) src(%dma_wait3A_111 : memref<10240x24xf32, #tpu.memory_space<vmem_shared>>) dst(%dma_wait3A_105 : memref<128x24xf32, #tpu.memory_space<vmem>>)
      %run_scoped3A_112 = arith.constant 0 : i32
      "tpu.region"() ({
        %run_scoped3A_181 = tpu.sem_alloc : memref<!tpu.dma_semaphore, #tpu.memory_space<semaphore_mem>>
        %dma_start3A_182 = arith.constant 0 : i32
        %dma_start3A_183 = arith.constant 0 : i32
        %dma_start3A_184 = tpu.memref_slice %arg7[%run_scoped3A_112, %dma_start3A_182, %dma_start3A_183] : memref<4x128x24xf32, #tpu.memory_space<vmem>> -> memref<1x128x24xf32, #tpu.memory_space<vmem>>
        %dma_start3A_185 = tpu.memref_squeeze %dma_start3A_184 : memref<1x128x24xf32, #tpu.memory_space<vmem>> -> memref<128x24xf32, #tpu.memory_space<vmem>>
        %dma_start3A_186 = arith.constant 0 : i32
        %dma_start3A_187 = tpu.memref_slice %arg6[%add3A_101, %dma_start3A_186] : memref<157x128xi32, #tpu.memory_space<vmem>> -> memref<1x128xi32, #tpu.memory_space<vmem>>
        %dma_start3A_188 = tpu.memref_squeeze %dma_start3A_187 : memref<1x128xi32, #tpu.memory_space<vmem>> -> memref<128xi32, #tpu.memory_space<vmem>>
        %dma_start3A_189 = arith.constant 0 : i32
        %dma_start3A_190 = arith.constant 0 : i32
        %dma_start3A_191 = tpu.memref_slice %arg10[%dma_start3A_189, %dma_start3A_190] : memref<10240x24xf32, #tpu.memory_space<vmem_shared>> -> memref<10240x24xf32, #tpu.memory_space<vmem_shared>>
        tpu.enqueue_indirect_dma source(%dma_start3A_185 : memref<128x24xf32, #tpu.memory_space<vmem>>) target(%dma_start3A_191 : memref<10240x24xf32, #tpu.memory_space<vmem_shared>>) offsets(%dma_start3A_188 : memref<128xi32, #tpu.memory_space<vmem>>) semaphore(%run_scoped3A_181 : memref<!tpu.dma_semaphore, #tpu.memory_space<semaphore_mem>>) {add = true}
        %dma_wait3A_192 = arith.constant 0 : i32
        %dma_wait3A_193 = arith.constant 0 : i32
        %dma_wait3A_194 = tpu.memref_slice %arg7[%run_scoped3A_112, %dma_wait3A_192, %dma_wait3A_193] : memref<4x128x24xf32, #tpu.memory_space<vmem>> -> memref<1x128x24xf32, #tpu.memory_space<vmem>>
        %dma_wait3A_195 = tpu.memref_squeeze %dma_wait3A_194 : memref<1x128x24xf32, #tpu.memory_space<vmem>> -> memref<128x24xf32, #tpu.memory_space<vmem>>
        %dma_wait3A_196 = arith.constant 0 : i32
        %dma_wait3A_197 = tpu.memref_slice %arg6[%add3A_101, %dma_wait3A_196] : memref<157x128xi32, #tpu.memory_space<vmem>> -> memref<1x128xi32, #tpu.memory_space<vmem>>
        %dma_wait3A_198 = tpu.memref_squeeze %dma_wait3A_197 : memref<1x128xi32, #tpu.memory_space<vmem>> -> memref<128xi32, #tpu.memory_space<vmem>>
        %dma_wait3A_199 = arith.constant 0 : i32
        %dma_wait3A_200 = arith.constant 0 : i32
        %dma_wait3A_201 = tpu.memref_slice %arg10[%dma_wait3A_199, %dma_wait3A_200] : memref<10240x24xf32, #tpu.memory_space<vmem_shared>> -> memref<10240x24xf32, #tpu.memory_space<vmem_shared>>
        tpu.wait_indirect_dma semaphore(%run_scoped3A_181 : memref<!tpu.dma_semaphore, #tpu.memory_space<semaphore_mem>>) src(%dma_wait3A_195 : memref<128x24xf32, #tpu.memory_space<vmem>>) dst(%dma_wait3A_201 : memref<10240x24xf32, #tpu.memory_space<vmem_shared>>)
        tpu.yield
      }) : () -> ()
      %lt3A_113 = arith.constant 38 : i32
      %lt3A_114 = arith.cmpi slt, %scan3A_97, %lt3A_113 : i32
      %convert_element_type3A_115 = arith.extui %lt3A_114 : i1 to i32
      %cond3A_116 = arith.constant 0 : i32
      %cond3A_117 = arith.cmpi ne, %convert_element_type3A_115, %cond3A_116 : i32
      scf.if %cond3A_117 {
        %add3A_181 = arith.constant 4 : i32
        %add3A_182 = arith.addi %add3A_101, %add3A_181 : i32
        %dma_start3A_183 = arith.constant 0 : i32
        %dma_start3A_184 = arith.constant 0 : i32
        %dma_start3A_185 = arith.constant 0 : i32
        %dma_start3A_186 = tpu.memref_slice %arg7[%dma_start3A_183, %dma_start3A_184, %dma_start3A_185] : memref<4x128x24xf32, #tpu.memory_space<vmem>> -> memref<1x128x24xf32, #tpu.memory_space<vmem>>
        %dma_start3A_187 = tpu.memref_squeeze %dma_start3A_186 : memref<1x128x24xf32, #tpu.memory_space<vmem>> -> memref<128x24xf32, #tpu.memory_space<vmem>>
        %dma_start3A_188 = arith.constant 0 : i32
        %dma_start3A_189 = tpu.memref_slice %arg5[%add3A_182, %dma_start3A_188] : memref<157x128xi32, #tpu.memory_space<vmem>> -> memref<1x128xi32, #tpu.memory_space<vmem>>
        %dma_start3A_190 = tpu.memref_squeeze %dma_start3A_189 : memref<1x128xi32, #tpu.memory_space<vmem>> -> memref<128xi32, #tpu.memory_space<vmem>>
        %dma_start3A_191 = arith.constant 0 : i32
        %dma_start3A_192 = arith.constant 0 : i32
        %dma_start3A_193 = tpu.memref_slice %arg9[%dma_start3A_191, %dma_start3A_192] : memref<10240x24xf32, #tpu.memory_space<vmem_shared>> -> memref<10240x24xf32, #tpu.memory_space<vmem_shared>>
        tpu.enqueue_indirect_dma source(%dma_start3A_193 : memref<10240x24xf32, #tpu.memory_space<vmem_shared>>) target(%dma_start3A_187 : memref<128x24xf32, #tpu.memory_space<vmem>>) offsets(%dma_start3A_190 : memref<128xi32, #tpu.memory_space<vmem>>) semaphore(%arg11 : memref<!tpu.dma_semaphore, #tpu.memory_space<semaphore_mem>>)
      } else {
      }
      %mul3A_118 = arith.constant 4 : i32
      %mul3A_119 = arith.muli %scan3A_97, %mul3A_118 : i32
      %add3A_120 = arith.constant 1 : i32
      %add3A_121 = arith.addi %mul3A_119, %add3A_120 : i32
      %dma_wait3A_122 = arith.constant 1 : i32
      %dma_wait3A_123 = arith.constant 0 : i32
      %dma_wait3A_124 = arith.constant 0 : i32
      %dma_wait3A_125 = tpu.memref_slice %arg7[%dma_wait3A_122, %dma_wait3A_123, %dma_wait3A_124] : memref<4x128x24xf32, #tpu.memory_space<vmem>> -> memref<1x128x24xf32, #tpu.memory_space<vmem>>
      %dma_wait3A_126 = tpu.memref_squeeze %dma_wait3A_125 : memref<1x128x24xf32, #tpu.memory_space<vmem>> -> memref<128x24xf32, #tpu.memory_space<vmem>>
      %dma_wait3A_127 = arith.constant 0 : i32
      %dma_wait3A_128 = tpu.memref_slice %arg5[%add3A_121, %dma_wait3A_127] : memref<157x128xi32, #tpu.memory_space<vmem>> -> memref<1x128xi32, #tpu.memory_space<vmem>>
      %dma_wait3A_129 = tpu.memref_squeeze %dma_wait3A_128 : memref<1x128xi32, #tpu.memory_space<vmem>> -> memref<128xi32, #tpu.memory_space<vmem>>
      %dma_wait3A_130 = arith.constant 0 : i32
      %dma_wait3A_131 = arith.constant 0 : i32
      %dma_wait3A_132 = tpu.memref_slice %arg9[%dma_wait3A_130, %dma_wait3A_131] : memref<10240x24xf32, #tpu.memory_space<vmem_shared>> -> memref<10240x24xf32, #tpu.memory_space<vmem_shared>>
      tpu.wait_indirect_dma semaphore(%arg12 : memref<!tpu.dma_semaphore, #tpu.memory_space<semaphore_mem>>) src(%dma_wait3A_132 : memref<10240x24xf32, #tpu.memory_space<vmem_shared>>) dst(%dma_wait3A_126 : memref<128x24xf32, #tpu.memory_space<vmem>>)
      %run_scoped3A_133 = arith.constant 1 : i32
      "tpu.region"() ({
        %run_scoped3A_181 = tpu.sem_alloc : memref<!tpu.dma_semaphore, #tpu.memory_space<semaphore_mem>>
        %dma_start3A_182 = arith.constant 0 : i32
        %dma_start3A_183 = arith.constant 0 : i32
        %dma_start3A_184 = tpu.memref_slice %arg7[%run_scoped3A_133, %dma_start3A_182, %dma_start3A_183] : memref<4x128x24xf32, #tpu.memory_space<vmem>> -> memref<1x128x24xf32, #tpu.memory_space<vmem>>
        %dma_start3A_185 = tpu.memref_squeeze %dma_start3A_184 : memref<1x128x24xf32, #tpu.memory_space<vmem>> -> memref<128x24xf32, #tpu.memory_space<vmem>>
        %dma_start3A_186 = arith.constant 0 : i32
        %dma_start3A_187 = tpu.memref_slice %arg6[%add3A_121, %dma_start3A_186] : memref<157x128xi32, #tpu.memory_space<vmem>> -> memref<1x128xi32, #tpu.memory_space<vmem>>
        %dma_start3A_188 = tpu.memref_squeeze %dma_start3A_187 : memref<1x128xi32, #tpu.memory_space<vmem>> -> memref<128xi32, #tpu.memory_space<vmem>>
        %dma_start3A_189 = arith.constant 0 : i32
        %dma_start3A_190 = arith.constant 0 : i32
        %dma_start3A_191 = tpu.memref_slice %arg10[%dma_start3A_189, %dma_start3A_190] : memref<10240x24xf32, #tpu.memory_space<vmem_shared>> -> memref<10240x24xf32, #tpu.memory_space<vmem_shared>>
        tpu.enqueue_indirect_dma source(%dma_start3A_185 : memref<128x24xf32, #tpu.memory_space<vmem>>) target(%dma_start3A_191 : memref<10240x24xf32, #tpu.memory_space<vmem_shared>>) offsets(%dma_start3A_188 : memref<128xi32, #tpu.memory_space<vmem>>) semaphore(%run_scoped3A_181 : memref<!tpu.dma_semaphore, #tpu.memory_space<semaphore_mem>>) {add = true}
        %dma_wait3A_192 = arith.constant 0 : i32
        %dma_wait3A_193 = arith.constant 0 : i32
        %dma_wait3A_194 = tpu.memref_slice %arg7[%run_scoped3A_133, %dma_wait3A_192, %dma_wait3A_193] : memref<4x128x24xf32, #tpu.memory_space<vmem>> -> memref<1x128x24xf32, #tpu.memory_space<vmem>>
        %dma_wait3A_195 = tpu.memref_squeeze %dma_wait3A_194 : memref<1x128x24xf32, #tpu.memory_space<vmem>> -> memref<128x24xf32, #tpu.memory_space<vmem>>
        %dma_wait3A_196 = arith.constant 0 : i32
        %dma_wait3A_197 = tpu.memref_slice %arg6[%add3A_121, %dma_wait3A_196] : memref<157x128xi32, #tpu.memory_space<vmem>> -> memref<1x128xi32, #tpu.memory_space<vmem>>
        %dma_wait3A_198 = tpu.memref_squeeze %dma_wait3A_197 : memref<1x128xi32, #tpu.memory_space<vmem>> -> memref<128xi32, #tpu.memory_space<vmem>>
        %dma_wait3A_199 = arith.constant 0 : i32
        %dma_wait3A_200 = arith.constant 0 : i32
        %dma_wait3A_201 = tpu.memref_slice %arg10[%dma_wait3A_199, %dma_wait3A_200] : memref<10240x24xf32, #tpu.memory_space<vmem_shared>> -> memref<10240x24xf32, #tpu.memory_space<vmem_shared>>
        tpu.wait_indirect_dma semaphore(%run_scoped3A_181 : memref<!tpu.dma_semaphore, #tpu.memory_space<semaphore_mem>>) src(%dma_wait3A_195 : memref<128x24xf32, #tpu.memory_space<vmem>>) dst(%dma_wait3A_201 : memref<10240x24xf32, #tpu.memory_space<vmem_shared>>)
        tpu.yield
      }) : () -> ()
      %lt3A_134 = arith.constant 38 : i32
      %lt3A_135 = arith.cmpi slt, %scan3A_97, %lt3A_134 : i32
      %convert_element_type3A_136 = arith.extui %lt3A_135 : i1 to i32
      %cond3A_137 = arith.constant 0 : i32
      %cond3A_138 = arith.cmpi ne, %convert_element_type3A_136, %cond3A_137 : i32
      scf.if %cond3A_138 {
        %add3A_181 = arith.constant 4 : i32
        %add3A_182 = arith.addi %add3A_121, %add3A_181 : i32
        %dma_start3A_183 = arith.constant 1 : i32
        %dma_start3A_184 = arith.constant 0 : i32
        %dma_start3A_185 = arith.constant 0 : i32
        %dma_start3A_186 = tpu.memref_slice %arg7[%dma_start3A_183, %dma_start3A_184, %dma_start3A_185] : memref<4x128x24xf32, #tpu.memory_space<vmem>> -> memref<1x128x24xf32, #tpu.memory_space<vmem>>
        %dma_start3A_187 = tpu.memref_squeeze %dma_start3A_186 : memref<1x128x24xf32, #tpu.memory_space<vmem>> -> memref<128x24xf32, #tpu.memory_space<vmem>>
        %dma_start3A_188 = arith.constant 0 : i32
        %dma_start3A_189 = tpu.memref_slice %arg5[%add3A_182, %dma_start3A_188] : memref<157x128xi32, #tpu.memory_space<vmem>> -> memref<1x128xi32, #tpu.memory_space<vmem>>
        %dma_start3A_190 = tpu.memref_squeeze %dma_start3A_189 : memref<1x128xi32, #tpu.memory_space<vmem>> -> memref<128xi32, #tpu.memory_space<vmem>>
        %dma_start3A_191 = arith.constant 0 : i32
        %dma_start3A_192 = arith.constant 0 : i32
        %dma_start3A_193 = tpu.memref_slice %arg9[%dma_start3A_191, %dma_start3A_192] : memref<10240x24xf32, #tpu.memory_space<vmem_shared>> -> memref<10240x24xf32, #tpu.memory_space<vmem_shared>>
        tpu.enqueue_indirect_dma source(%dma_start3A_193 : memref<10240x24xf32, #tpu.memory_space<vmem_shared>>) target(%dma_start3A_187 : memref<128x24xf32, #tpu.memory_space<vmem>>) offsets(%dma_start3A_190 : memref<128xi32, #tpu.memory_space<vmem>>) semaphore(%arg12 : memref<!tpu.dma_semaphore, #tpu.memory_space<semaphore_mem>>)
      } else {
      }
      %mul3A_139 = arith.constant 4 : i32
      %mul3A_140 = arith.muli %scan3A_97, %mul3A_139 : i32
      %add3A_141 = arith.constant 2 : i32
      %add3A_142 = arith.addi %mul3A_140, %add3A_141 : i32
      %dma_wait3A_143 = arith.constant 2 : i32
      %dma_wait3A_144 = arith.constant 0 : i32
      %dma_wait3A_145 = arith.constant 0 : i32
      %dma_wait3A_146 = tpu.memref_slice %arg7[%dma_wait3A_143, %dma_wait3A_144, %dma_wait3A_145] : memref<4x128x24xf32, #tpu.memory_space<vmem>> -> memref<1x128x24xf32, #tpu.memory_space<vmem>>
      %dma_wait3A_147 = tpu.memref_squeeze %dma_wait3A_146 : memref<1x128x24xf32, #tpu.memory_space<vmem>> -> memref<128x24xf32, #tpu.memory_space<vmem>>
      %dma_wait3A_148 = arith.constant 0 : i32
      %dma_wait3A_149 = tpu.memref_slice %arg5[%add3A_142, %dma_wait3A_148] : memref<157x128xi32, #tpu.memory_space<vmem>> -> memref<1x128xi32, #tpu.memory_space<vmem>>
      %dma_wait3A_150 = tpu.memref_squeeze %dma_wait3A_149 : memref<1x128xi32, #tpu.memory_space<vmem>> -> memref<128xi32, #tpu.memory_space<vmem>>
      %dma_wait3A_151 = arith.constant 0 : i32
      %dma_wait3A_152 = arith.constant 0 : i32
      %dma_wait3A_153 = tpu.memref_slice %arg9[%dma_wait3A_151, %dma_wait3A_152] : memref<10240x24xf32, #tpu.memory_space<vmem_shared>> -> memref<10240x24xf32, #tpu.memory_space<vmem_shared>>
      tpu.wait_indirect_dma semaphore(%arg13 : memref<!tpu.dma_semaphore, #tpu.memory_space<semaphore_mem>>) src(%dma_wait3A_153 : memref<10240x24xf32, #tpu.memory_space<vmem_shared>>) dst(%dma_wait3A_147 : memref<128x24xf32, #tpu.memory_space<vmem>>)
      %run_scoped3A_154 = arith.constant 2 : i32
      "tpu.region"() ({
        %run_scoped3A_181 = tpu.sem_alloc : memref<!tpu.dma_semaphore, #tpu.memory_space<semaphore_mem>>
        %dma_start3A_182 = arith.constant 0 : i32
        %dma_start3A_183 = arith.constant 0 : i32
        %dma_start3A_184 = tpu.memref_slice %arg7[%run_scoped3A_154, %dma_start3A_182, %dma_start3A_183] : memref<4x128x24xf32, #tpu.memory_space<vmem>> -> memref<1x128x24xf32, #tpu.memory_space<vmem>>
        %dma_start3A_185 = tpu.memref_squeeze %dma_start3A_184 : memref<1x128x24xf32, #tpu.memory_space<vmem>> -> memref<128x24xf32, #tpu.memory_space<vmem>>
        %dma_start3A_186 = arith.constant 0 : i32
        %dma_start3A_187 = tpu.memref_slice %arg6[%add3A_142, %dma_start3A_186] : memref<157x128xi32, #tpu.memory_space<vmem>> -> memref<1x128xi32, #tpu.memory_space<vmem>>
        %dma_start3A_188 = tpu.memref_squeeze %dma_start3A_187 : memref<1x128xi32, #tpu.memory_space<vmem>> -> memref<128xi32, #tpu.memory_space<vmem>>
        %dma_start3A_189 = arith.constant 0 : i32
        %dma_start3A_190 = arith.constant 0 : i32
        %dma_start3A_191 = tpu.memref_slice %arg10[%dma_start3A_189, %dma_start3A_190] : memref<10240x24xf32, #tpu.memory_space<vmem_shared>> -> memref<10240x24xf32, #tpu.memory_space<vmem_shared>>
        tpu.enqueue_indirect_dma source(%dma_start3A_185 : memref<128x24xf32, #tpu.memory_space<vmem>>) target(%dma_start3A_191 : memref<10240x24xf32, #tpu.memory_space<vmem_shared>>) offsets(%dma_start3A_188 : memref<128xi32, #tpu.memory_space<vmem>>) semaphore(%run_scoped3A_181 : memref<!tpu.dma_semaphore, #tpu.memory_space<semaphore_mem>>) {add = true}
        %dma_wait3A_192 = arith.constant 0 : i32
        %dma_wait3A_193 = arith.constant 0 : i32
        %dma_wait3A_194 = tpu.memref_slice %arg7[%run_scoped3A_154, %dma_wait3A_192, %dma_wait3A_193] : memref<4x128x24xf32, #tpu.memory_space<vmem>> -> memref<1x128x24xf32, #tpu.memory_space<vmem>>
        %dma_wait3A_195 = tpu.memref_squeeze %dma_wait3A_194 : memref<1x128x24xf32, #tpu.memory_space<vmem>> -> memref<128x24xf32, #tpu.memory_space<vmem>>
        %dma_wait3A_196 = arith.constant 0 : i32
        %dma_wait3A_197 = tpu.memref_slice %arg6[%add3A_142, %dma_wait3A_196] : memref<157x128xi32, #tpu.memory_space<vmem>> -> memref<1x128xi32, #tpu.memory_space<vmem>>
        %dma_wait3A_198 = tpu.memref_squeeze %dma_wait3A_197 : memref<1x128xi32, #tpu.memory_space<vmem>> -> memref<128xi32, #tpu.memory_space<vmem>>
        %dma_wait3A_199 = arith.constant 0 : i32
        %dma_wait3A_200 = arith.constant 0 : i32
        %dma_wait3A_201 = tpu.memref_slice %arg10[%dma_wait3A_199, %dma_wait3A_200] : memref<10240x24xf32, #tpu.memory_space<vmem_shared>> -> memref<10240x24xf32, #tpu.memory_space<vmem_shared>>
        tpu.wait_indirect_dma semaphore(%run_scoped3A_181 : memref<!tpu.dma_semaphore, #tpu.memory_space<semaphore_mem>>) src(%dma_wait3A_195 : memref<128x24xf32, #tpu.memory_space<vmem>>) dst(%dma_wait3A_201 : memref<10240x24xf32, #tpu.memory_space<vmem_shared>>)
        tpu.yield
      }) : () -> ()
      %lt3A_155 = arith.constant 38 : i32
      %lt3A_156 = arith.cmpi slt, %scan3A_97, %lt3A_155 : i32
      %convert_element_type3A_157 = arith.extui %lt3A_156 : i1 to i32
      %cond3A_158 = arith.constant 0 : i32
      %cond3A_159 = arith.cmpi ne, %convert_element_type3A_157, %cond3A_158 : i32
      scf.if %cond3A_159 {
        %add3A_181 = arith.constant 4 : i32
        %add3A_182 = arith.addi %add3A_142, %add3A_181 : i32
        %dma_start3A_183 = arith.constant 2 : i32
        %dma_start3A_184 = arith.constant 0 : i32
        %dma_start3A_185 = arith.constant 0 : i32
        %dma_start3A_186 = tpu.memref_slice %arg7[%dma_start3A_183, %dma_start3A_184, %dma_start3A_185] : memref<4x128x24xf32, #tpu.memory_space<vmem>> -> memref<1x128x24xf32, #tpu.memory_space<vmem>>
        %dma_start3A_187 = tpu.memref_squeeze %dma_start3A_186 : memref<1x128x24xf32, #tpu.memory_space<vmem>> -> memref<128x24xf32, #tpu.memory_space<vmem>>
        %dma_start3A_188 = arith.constant 0 : i32
        %dma_start3A_189 = tpu.memref_slice %arg5[%add3A_182, %dma_start3A_188] : memref<157x128xi32, #tpu.memory_space<vmem>> -> memref<1x128xi32, #tpu.memory_space<vmem>>
        %dma_start3A_190 = tpu.memref_squeeze %dma_start3A_189 : memref<1x128xi32, #tpu.memory_space<vmem>> -> memref<128xi32, #tpu.memory_space<vmem>>
        %dma_start3A_191 = arith.constant 0 : i32
        %dma_start3A_192 = arith.constant 0 : i32
        %dma_start3A_193 = tpu.memref_slice %arg9[%dma_start3A_191, %dma_start3A_192] : memref<10240x24xf32, #tpu.memory_space<vmem_shared>> -> memref<10240x24xf32, #tpu.memory_space<vmem_shared>>
        tpu.enqueue_indirect_dma source(%dma_start3A_193 : memref<10240x24xf32, #tpu.memory_space<vmem_shared>>) target(%dma_start3A_187 : memref<128x24xf32, #tpu.memory_space<vmem>>) offsets(%dma_start3A_190 : memref<128xi32, #tpu.memory_space<vmem>>) semaphore(%arg13 : memref<!tpu.dma_semaphore, #tpu.memory_space<semaphore_mem>>)
      } else {
      }
      %mul3A_160 = arith.constant 4 : i32
      %mul3A_161 = arith.muli %scan3A_97, %mul3A_160 : i32
      %add3A_162 = arith.constant 3 : i32
      %add3A_163 = arith.addi %mul3A_161, %add3A_162 : i32
      %dma_wait3A_164 = arith.constant 3 : i32
      %dma_wait3A_165 = arith.constant 0 : i32
      %dma_wait3A_166 = arith.constant 0 : i32
      %dma_wait3A_167 = tpu.memref_slice %arg7[%dma_wait3A_164, %dma_wait3A_165, %dma_wait3A_166] : memref<4x128x24xf32, #tpu.memory_space<vmem>> -> memref<1x128x24xf32, #tpu.memory_space<vmem>>
      %dma_wait3A_168 = tpu.memref_squeeze %dma_wait3A_167 : memref<1x128x24xf32, #tpu.memory_space<vmem>> -> memref<128x24xf32, #tpu.memory_space<vmem>>
      %dma_wait3A_169 = arith.constant 0 : i32
      %dma_wait3A_170 = tpu.memref_slice %arg5[%add3A_163, %dma_wait3A_169] : memref<157x128xi32, #tpu.memory_space<vmem>> -> memref<1x128xi32, #tpu.memory_space<vmem>>
      %dma_wait3A_171 = tpu.memref_squeeze %dma_wait3A_170 : memref<1x128xi32, #tpu.memory_space<vmem>> -> memref<128xi32, #tpu.memory_space<vmem>>
      %dma_wait3A_172 = arith.constant 0 : i32
      %dma_wait3A_173 = arith.constant 0 : i32
      %dma_wait3A_174 = tpu.memref_slice %arg9[%dma_wait3A_172, %dma_wait3A_173] : memref<10240x24xf32, #tpu.memory_space<vmem_shared>> -> memref<10240x24xf32, #tpu.memory_space<vmem_shared>>
      tpu.wait_indirect_dma semaphore(%arg14 : memref<!tpu.dma_semaphore, #tpu.memory_space<semaphore_mem>>) src(%dma_wait3A_174 : memref<10240x24xf32, #tpu.memory_space<vmem_shared>>) dst(%dma_wait3A_168 : memref<128x24xf32, #tpu.memory_space<vmem>>)
      %run_scoped3A_175 = arith.constant 3 : i32
      "tpu.region"() ({
        %run_scoped3A_181 = tpu.sem_alloc : memref<!tpu.dma_semaphore, #tpu.memory_space<semaphore_mem>>
        %dma_start3A_182 = arith.constant 0 : i32
        %dma_start3A_183 = arith.constant 0 : i32
        %dma_start3A_184 = tpu.memref_slice %arg7[%run_scoped3A_175, %dma_start3A_182, %dma_start3A_183] : memref<4x128x24xf32, #tpu.memory_space<vmem>> -> memref<1x128x24xf32, #tpu.memory_space<vmem>>
        %dma_start3A_185 = tpu.memref_squeeze %dma_start3A_184 : memref<1x128x24xf32, #tpu.memory_space<vmem>> -> memref<128x24xf32, #tpu.memory_space<vmem>>
        %dma_start3A_186 = arith.constant 0 : i32
        %dma_start3A_187 = tpu.memref_slice %arg6[%add3A_163, %dma_start3A_186] : memref<157x128xi32, #tpu.memory_space<vmem>> -> memref<1x128xi32, #tpu.memory_space<vmem>>
        %dma_start3A_188 = tpu.memref_squeeze %dma_start3A_187 : memref<1x128xi32, #tpu.memory_space<vmem>> -> memref<128xi32, #tpu.memory_space<vmem>>
        %dma_start3A_189 = arith.constant 0 : i32
        %dma_start3A_190 = arith.constant 0 : i32
        %dma_start3A_191 = tpu.memref_slice %arg10[%dma_start3A_189, %dma_start3A_190] : memref<10240x24xf32, #tpu.memory_space<vmem_shared>> -> memref<10240x24xf32, #tpu.memory_space<vmem_shared>>
        tpu.enqueue_indirect_dma source(%dma_start3A_185 : memref<128x24xf32, #tpu.memory_space<vmem>>) target(%dma_start3A_191 : memref<10240x24xf32, #tpu.memory_space<vmem_shared>>) offsets(%dma_start3A_188 : memref<128xi32, #tpu.memory_space<vmem>>) semaphore(%run_scoped3A_181 : memref<!tpu.dma_semaphore, #tpu.memory_space<semaphore_mem>>) {add = true}
        %dma_wait3A_192 = arith.constant 0 : i32
        %dma_wait3A_193 = arith.constant 0 : i32
        %dma_wait3A_194 = tpu.memref_slice %arg7[%run_scoped3A_175, %dma_wait3A_192, %dma_wait3A_193] : memref<4x128x24xf32, #tpu.memory_space<vmem>> -> memref<1x128x24xf32, #tpu.memory_space<vmem>>
        %dma_wait3A_195 = tpu.memref_squeeze %dma_wait3A_194 : memref<1x128x24xf32, #tpu.memory_space<vmem>> -> memref<128x24xf32, #tpu.memory_space<vmem>>
        %dma_wait3A_196 = arith.constant 0 : i32
        %dma_wait3A_197 = tpu.memref_slice %arg6[%add3A_163, %dma_wait3A_196] : memref<157x128xi32, #tpu.memory_space<vmem>> -> memref<1x128xi32, #tpu.memory_space<vmem>>
        %dma_wait3A_198 = tpu.memref_squeeze %dma_wait3A_197 : memref<1x128xi32, #tpu.memory_space<vmem>> -> memref<128xi32, #tpu.memory_space<vmem>>
        %dma_wait3A_199 = arith.constant 0 : i32
        %dma_wait3A_200 = arith.constant 0 : i32
        %dma_wait3A_201 = tpu.memref_slice %arg10[%dma_wait3A_199, %dma_wait3A_200] : memref<10240x24xf32, #tpu.memory_space<vmem_shared>> -> memref<10240x24xf32, #tpu.memory_space<vmem_shared>>
        tpu.wait_indirect_dma semaphore(%run_scoped3A_181 : memref<!tpu.dma_semaphore, #tpu.memory_space<semaphore_mem>>) src(%dma_wait3A_195 : memref<128x24xf32, #tpu.memory_space<vmem>>) dst(%dma_wait3A_201 : memref<10240x24xf32, #tpu.memory_space<vmem_shared>>)
        tpu.yield
      }) : () -> ()
      %lt3A_176 = arith.constant 38 : i32
      %lt3A_177 = arith.cmpi slt, %scan3A_97, %lt3A_176 : i32
      %convert_element_type3A_178 = arith.extui %lt3A_177 : i1 to i32
      %cond3A_179 = arith.constant 0 : i32
      %cond3A_180 = arith.cmpi ne, %convert_element_type3A_178, %cond3A_179 : i32
      scf.if %cond3A_180 {
        %add3A_181 = arith.constant 4 : i32
        %add3A_182 = arith.addi %add3A_163, %add3A_181 : i32
        %dma_start3A_183 = arith.constant 3 : i32
        %dma_start3A_184 = arith.constant 0 : i32
        %dma_start3A_185 = arith.constant 0 : i32
        %dma_start3A_186 = tpu.memref_slice %arg7[%dma_start3A_183, %dma_start3A_184, %dma_start3A_185] : memref<4x128x24xf32, #tpu.memory_space<vmem>> -> memref<1x128x24xf32, #tpu.memory_space<vmem>>
        %dma_start3A_187 = tpu.memref_squeeze %dma_start3A_186 : memref<1x128x24xf32, #tpu.memory_space<vmem>> -> memref<128x24xf32, #tpu.memory_space<vmem>>
        %dma_start3A_188 = arith.constant 0 : i32
        %dma_start3A_189 = tpu.memref_slice %arg5[%add3A_182, %dma_start3A_188] : memref<157x128xi32, #tpu.memory_space<vmem>> -> memref<1x128xi32, #tpu.memory_space<vmem>>
        %dma_start3A_190 = tpu.memref_squeeze %dma_start3A_189 : memref<1x128xi32, #tpu.memory_space<vmem>> -> memref<128xi32, #tpu.memory_space<vmem>>
        %dma_start3A_191 = arith.constant 0 : i32
        %dma_start3A_192 = arith.constant 0 : i32
        %dma_start3A_193 = tpu.memref_slice %arg9[%dma_start3A_191, %dma_start3A_192] : memref<10240x24xf32, #tpu.memory_space<vmem_shared>> -> memref<10240x24xf32, #tpu.memory_space<vmem_shared>>
        tpu.enqueue_indirect_dma source(%dma_start3A_193 : memref<10240x24xf32, #tpu.memory_space<vmem_shared>>) target(%dma_start3A_187 : memref<128x24xf32, #tpu.memory_space<vmem>>) offsets(%dma_start3A_190 : memref<128xi32, #tpu.memory_space<vmem>>) semaphore(%arg14 : memref<!tpu.dma_semaphore, #tpu.memory_space<semaphore_mem>>)
      } else {
      }
    }
    %scan3A_74 = arith.constant 39 : i32
    %lt3A_75 = arith.constant 4 : i32
    %lt3A_76 = arith.cmpi slt, %arg1, %lt3A_75 : i32
    %convert_element_type3A_77 = arith.extui %lt3A_76 : i1 to i32
    %cond3A_78 = arith.constant 0 : i32
    %cond3A_79 = arith.cmpi ne, %convert_element_type3A_77, %cond3A_78 : i32
    scf.if %cond3A_79 {
      %dma_start3A_97 = arith.constant 156 : i32
      %dma_start3A_98 = arith.constant 0 : i32
      %dma_start3A_99 = arith.constant 0 : i32
      %dma_start3A_100 = arith.constant 0 : i32
      %dma_start3A_101 = tpu.memref_slice %arg7[%dma_start3A_98, %dma_start3A_99, %dma_start3A_100] : memref<4x128x24xf32, #tpu.memory_space<vmem>> -> memref<1x128x24xf32, #tpu.memory_space<vmem>>
      %dma_start3A_102 = tpu.memref_squeeze %dma_start3A_101 : memref<1x128x24xf32, #tpu.memory_space<vmem>> -> memref<128x24xf32, #tpu.memory_space<vmem>>
      %dma_start3A_103 = arith.constant 0 : i32
      %dma_start3A_104 = tpu.memref_slice %arg5[%dma_start3A_97, %dma_start3A_103] : memref<157x128xi32, #tpu.memory_space<vmem>> -> memref<1x128xi32, #tpu.memory_space<vmem>>
      %dma_start3A_105 = tpu.memref_squeeze %dma_start3A_104 : memref<1x128xi32, #tpu.memory_space<vmem>> -> memref<128xi32, #tpu.memory_space<vmem>>
      %dma_start3A_106 = arith.constant 0 : i32
      %dma_start3A_107 = arith.constant 0 : i32
      %dma_start3A_108 = tpu.memref_slice %arg9[%dma_start3A_106, %dma_start3A_107] : memref<10240x24xf32, #tpu.memory_space<vmem_shared>> -> memref<10240x24xf32, #tpu.memory_space<vmem_shared>>
      tpu.enqueue_indirect_dma source(%dma_start3A_108 : memref<10240x24xf32, #tpu.memory_space<vmem_shared>>) target(%dma_start3A_102 : memref<128x24xf32, #tpu.memory_space<vmem>>) offsets(%dma_start3A_105 : memref<128xi32, #tpu.memory_space<vmem>>) semaphore(%arg11 : memref<!tpu.dma_semaphore, #tpu.memory_space<semaphore_mem>>)
      %dma_wait3A = arith.constant 156 : i32
      %dma_wait3A_109 = arith.constant 0 : i32
      %dma_wait3A_110 = arith.constant 0 : i32
      %dma_wait3A_111 = arith.constant 0 : i32
      %dma_wait3A_112 = tpu.memref_slice %arg7[%dma_wait3A_109, %dma_wait3A_110, %dma_wait3A_111] : memref<4x128x24xf32, #tpu.memory_space<vmem>> -> memref<1x128x24xf32, #tpu.memory_space<vmem>>
      %dma_wait3A_113 = tpu.memref_squeeze %dma_wait3A_112 : memref<1x128x24xf32, #tpu.memory_space<vmem>> -> memref<128x24xf32, #tpu.memory_space<vmem>>
      %dma_wait3A_114 = arith.constant 0 : i32
      %dma_wait3A_115 = tpu.memref_slice %arg5[%dma_wait3A, %dma_wait3A_114] : memref<157x128xi32, #tpu.memory_space<vmem>> -> memref<1x128xi32, #tpu.memory_space<vmem>>
      %dma_wait3A_116 = tpu.memref_squeeze %dma_wait3A_115 : memref<1x128xi32, #tpu.memory_space<vmem>> -> memref<128xi32, #tpu.memory_space<vmem>>
      %dma_wait3A_117 = arith.constant 0 : i32
      %dma_wait3A_118 = arith.constant 0 : i32
      %dma_wait3A_119 = tpu.memref_slice %arg9[%dma_wait3A_117, %dma_wait3A_118] : memref<10240x24xf32, #tpu.memory_space<vmem_shared>> -> memref<10240x24xf32, #tpu.memory_space<vmem_shared>>
      tpu.wait_indirect_dma semaphore(%arg11 : memref<!tpu.dma_semaphore, #tpu.memory_space<semaphore_mem>>) src(%dma_wait3A_119 : memref<10240x24xf32, #tpu.memory_space<vmem_shared>>) dst(%dma_wait3A_113 : memref<128x24xf32, #tpu.memory_space<vmem>>)
      %run_scoped3A_120 = arith.constant 0 : i32
      %run_scoped3A_121 = arith.constant 156 : i32
      "tpu.region"() ({
        %run_scoped3A_122 = tpu.sem_alloc : memref<!tpu.dma_semaphore, #tpu.memory_space<semaphore_mem>>
        %dma_start3A_123 = arith.constant 0 : i32
        %dma_start3A_124 = arith.constant 0 : i32
        %dma_start3A_125 = tpu.memref_slice %arg7[%run_scoped3A_120, %dma_start3A_123, %dma_start3A_124] : memref<4x128x24xf32, #tpu.memory_space<vmem>> -> memref<1x128x24xf32, #tpu.memory_space<vmem>>
        %dma_start3A_126 = tpu.memref_squeeze %dma_start3A_125 : memref<1x128x24xf32, #tpu.memory_space<vmem>> -> memref<128x24xf32, #tpu.memory_space<vmem>>
        %dma_start3A_127 = arith.constant 0 : i32
        %dma_start3A_128 = tpu.memref_slice %arg6[%run_scoped3A_121, %dma_start3A_127] : memref<157x128xi32, #tpu.memory_space<vmem>> -> memref<1x128xi32, #tpu.memory_space<vmem>>
        %dma_start3A_129 = tpu.memref_squeeze %dma_start3A_128 : memref<1x128xi32, #tpu.memory_space<vmem>> -> memref<128xi32, #tpu.memory_space<vmem>>
        %dma_start3A_130 = arith.constant 0 : i32
        %dma_start3A_131 = arith.constant 0 : i32
        %dma_start3A_132 = tpu.memref_slice %arg10[%dma_start3A_130, %dma_start3A_131] : memref<10240x24xf32, #tpu.memory_space<vmem_shared>> -> memref<10240x24xf32, #tpu.memory_space<vmem_shared>>
        tpu.enqueue_indirect_dma source(%dma_start3A_126 : memref<128x24xf32, #tpu.memory_space<vmem>>) target(%dma_start3A_132 : memref<10240x24xf32, #tpu.memory_space<vmem_shared>>) offsets(%dma_start3A_129 : memref<128xi32, #tpu.memory_space<vmem>>) semaphore(%run_scoped3A_122 : memref<!tpu.dma_semaphore, #tpu.memory_space<semaphore_mem>>) {add = true}
        %dma_wait3A_133 = arith.constant 0 : i32
        %dma_wait3A_134 = arith.constant 0 : i32
        %dma_wait3A_135 = tpu.memref_slice %arg7[%run_scoped3A_120, %dma_wait3A_133, %dma_wait3A_134] : memref<4x128x24xf32, #tpu.memory_space<vmem>> -> memref<1x128x24xf32, #tpu.memory_space<vmem>>
        %dma_wait3A_136 = tpu.memref_squeeze %dma_wait3A_135 : memref<1x128x24xf32, #tpu.memory_space<vmem>> -> memref<128x24xf32, #tpu.memory_space<vmem>>
        %dma_wait3A_137 = arith.constant 0 : i32
        %dma_wait3A_138 = tpu.memref_slice %arg6[%run_scoped3A_121, %dma_wait3A_137] : memref<157x128xi32, #tpu.memory_space<vmem>> -> memref<1x128xi32, #tpu.memory_space<vmem>>
        %dma_wait3A_139 = tpu.memref_squeeze %dma_wait3A_138 : memref<1x128xi32, #tpu.memory_space<vmem>> -> memref<128xi32, #tpu.memory_space<vmem>>
        %dma_wait3A_140 = arith.constant 0 : i32
        %dma_wait3A_141 = arith.constant 0 : i32
        %dma_wait3A_142 = tpu.memref_slice %arg10[%dma_wait3A_140, %dma_wait3A_141] : memref<10240x24xf32, #tpu.memory_space<vmem_shared>> -> memref<10240x24xf32, #tpu.memory_space<vmem_shared>>
        tpu.wait_indirect_dma semaphore(%run_scoped3A_122 : memref<!tpu.dma_semaphore, #tpu.memory_space<semaphore_mem>>) src(%dma_wait3A_136 : memref<128x24xf32, #tpu.memory_space<vmem>>) dst(%dma_wait3A_142 : memref<10240x24xf32, #tpu.memory_space<vmem_shared>>)
        tpu.yield
      }) : () -> ()
    } else {
    }
    %barrier3A_80 = arith.constant 0 : index
    tpu.barrier barrier_id(%barrier3A_80)
    %mul3A_81 = arith.constant 640 : i32
    %mul3A_82 = arith.muli %arg1, %mul3A_81 : i32
    %add3A_83 = arith.constant 0 : i32
    %add3A_84 = arith.addi %mul3A_82, %add3A_83 : i32
    "tpu.region"() ({
      %run_scoped3A_97 = tpu.sem_alloc : memref<!tpu.dma_semaphore, #tpu.memory_space<semaphore_mem>>
      %dma_start3A_98 = arith.constant 0 : i32
      %dma_start3A_99 = tpu.memref_slice %arg10[%add3A_84, %dma_start3A_98] : memref<10240x24xf32, #tpu.memory_space<vmem_shared>> -> memref<320x24xf32, #tpu.memory_space<vmem_shared>>
      %dma_start3A_100 = arith.constant 0 : i32
      %dma_start3A_101 = tpu.memref_slice %arg10[%add3A_84, %dma_start3A_100] : memref<10240x24xf32, #tpu.memory_space<vmem_shared>> -> memref<320x24xf32, #tpu.memory_space<vmem_shared>>
      tpu.enqueue_dma source(%dma_start3A_101 : memref<320x24xf32, #tpu.memory_space<vmem_shared>>) target(%arg8 : memref<320x24xf32, #tpu.memory_space<vmem>>) target_semaphore(%run_scoped3A_97 : memref<!tpu.dma_semaphore, #tpu.memory_space<semaphore_mem>>)
      %dma_wait3A = arith.constant 0 : i32
      %dma_wait3A_102 = tpu.memref_slice %arg10[%add3A_84, %dma_wait3A] : memref<10240x24xf32, #tpu.memory_space<vmem_shared>> -> memref<320x24xf32, #tpu.memory_space<vmem_shared>>
      %dma_wait3A_103 = arith.constant 0 : i32
      %dma_wait3A_104 = tpu.memref_slice %arg10[%add3A_84, %dma_wait3A_103] : memref<10240x24xf32, #tpu.memory_space<vmem_shared>> -> memref<320x24xf32, #tpu.memory_space<vmem_shared>>
      tpu.wait_dma2 semaphore(%run_scoped3A_97 : memref<!tpu.dma_semaphore, #tpu.memory_space<semaphore_mem>>) src(%dma_wait3A_104 : memref<320x24xf32, #tpu.memory_space<vmem_shared>>) dst(%arg8 : memref<320x24xf32, #tpu.memory_space<vmem>>)
      tpu.yield
    }) : () -> ()
    %mul3A_85 = arith.constant 640 : i32
    %mul3A_86 = arith.muli %arg1, %mul3A_85 : i32
    %add3A_87 = arith.constant 0 : i32
    %add3A_88 = arith.addi %mul3A_86, %add3A_87 : i32
    "tpu.region"() ({
      %run_scoped3A_97 = tpu.sem_alloc : memref<!tpu.dma_semaphore, #tpu.memory_space<semaphore_mem>>
      %dma_start3A_98 = arith.constant 0 : i32
      %dma_start3A_99 = tpu.memref_slice %arg4[%arg0, %add3A_88, %dma_start3A_98] : memref<2x10240x24xf32, #tpu.memory_space<hbm>> -> memref<1x320x24xf32, #tpu.memory_space<hbm>>
      %dma_start3A_100 = tpu.memref_squeeze %dma_start3A_99 : memref<1x320x24xf32, #tpu.memory_space<hbm>> -> memref<320x24xf32, #tpu.memory_space<hbm>>
      %dma_start3A_101 = arith.constant 0 : i32
      %dma_start3A_102 = tpu.memref_slice %arg4[%arg0, %add3A_88, %dma_start3A_101] : memref<2x10240x24xf32, #tpu.memory_space<hbm>> -> memref<1x320x24xf32, #tpu.memory_space<hbm>>
      %dma_start3A_103 = tpu.memref_squeeze %dma_start3A_102 : memref<1x320x24xf32, #tpu.memory_space<hbm>> -> memref<320x24xf32, #tpu.memory_space<hbm>>
      tpu.enqueue_dma source(%arg8 : memref<320x24xf32, #tpu.memory_space<vmem>>) target(%dma_start3A_103 : memref<320x24xf32, #tpu.memory_space<hbm>>) target_semaphore(%run_scoped3A_97 : memref<!tpu.dma_semaphore, #tpu.memory_space<semaphore_mem>>)
      %dma_wait3A = arith.constant 0 : i32
      %dma_wait3A_104 = tpu.memref_slice %arg4[%arg0, %add3A_88, %dma_wait3A] : memref<2x10240x24xf32, #tpu.memory_space<hbm>> -> memref<1x320x24xf32, #tpu.memory_space<hbm>>
      %dma_wait3A_105 = tpu.memref_squeeze %dma_wait3A_104 : memref<1x320x24xf32, #tpu.memory_space<hbm>> -> memref<320x24xf32, #tpu.memory_space<hbm>>
      %dma_wait3A_106 = arith.constant 0 : i32
      %dma_wait3A_107 = tpu.memref_slice %arg4[%arg0, %add3A_88, %dma_wait3A_106] : memref<2x10240x24xf32, #tpu.memory_space<hbm>> -> memref<1x320x24xf32, #tpu.memory_space<hbm>>
      %dma_wait3A_108 = tpu.memref_squeeze %dma_wait3A_107 : memref<1x320x24xf32, #tpu.memory_space<hbm>> -> memref<320x24xf32, #tpu.memory_space<hbm>>
      tpu.wait_dma2 semaphore(%run_scoped3A_97 : memref<!tpu.dma_semaphore, #tpu.memory_space<semaphore_mem>>) src(%arg8 : memref<320x24xf32, #tpu.memory_space<vmem>>) dst(%dma_wait3A_108 : memref<320x24xf32, #tpu.memory_space<hbm>>)
      tpu.yield
    }) : () -> ()
    %mul3A_89 = arith.constant 640 : i32
    %mul3A_90 = arith.muli %arg1, %mul3A_89 : i32
    %add3A_91 = arith.constant 320 : i32
    %add3A_92 = arith.addi %mul3A_90, %add3A_91 : i32
    "tpu.region"() ({
      %run_scoped3A_97 = tpu.sem_alloc : memref<!tpu.dma_semaphore, #tpu.memory_space<semaphore_mem>>
      %dma_start3A_98 = arith.constant 0 : i32
      %dma_start3A_99 = tpu.memref_slice %arg10[%add3A_92, %dma_start3A_98] : memref<10240x24xf32, #tpu.memory_space<vmem_shared>> -> memref<320x24xf32, #tpu.memory_space<vmem_shared>>
      %dma_start3A_100 = arith.constant 0 : i32
      %dma_start3A_101 = tpu.memref_slice %arg10[%add3A_92, %dma_start3A_100] : memref<10240x24xf32, #tpu.memory_space<vmem_shared>> -> memref<320x24xf32, #tpu.memory_space<vmem_shared>>
      tpu.enqueue_dma source(%dma_start3A_101 : memref<320x24xf32, #tpu.memory_space<vmem_shared>>) target(%arg8 : memref<320x24xf32, #tpu.memory_space<vmem>>) target_semaphore(%run_scoped3A_97 : memref<!tpu.dma_semaphore, #tpu.memory_space<semaphore_mem>>)
      %dma_wait3A = arith.constant 0 : i32
      %dma_wait3A_102 = tpu.memref_slice %arg10[%add3A_92, %dma_wait3A] : memref<10240x24xf32, #tpu.memory_space<vmem_shared>> -> memref<320x24xf32, #tpu.memory_space<vmem_shared>>
      %dma_wait3A_103 = arith.constant 0 : i32
      %dma_wait3A_104 = tpu.memref_slice %arg10[%add3A_92, %dma_wait3A_103] : memref<10240x24xf32, #tpu.memory_space<vmem_shared>> -> memref<320x24xf32, #tpu.memory_space<vmem_shared>>
      tpu.wait_dma2 semaphore(%run_scoped3A_97 : memref<!tpu.dma_semaphore, #tpu.memory_space<semaphore_mem>>) src(%dma_wait3A_104 : memref<320x24xf32, #tpu.memory_space<vmem_shared>>) dst(%arg8 : memref<320x24xf32, #tpu.memory_space<vmem>>)
      tpu.yield
    }) : () -> ()
    %mul3A_93 = arith.constant 640 : i32
    %mul3A_94 = arith.muli %arg1, %mul3A_93 : i32
    %add3A_95 = arith.constant 320 : i32
    %add3A_96 = arith.addi %mul3A_94, %add3A_95 : i32
    "tpu.region"() ({
      %run_scoped3A_97 = tpu.sem_alloc : memref<!tpu.dma_semaphore, #tpu.memory_space<semaphore_mem>>
      %dma_start3A_98 = arith.constant 0 : i32
      %dma_start3A_99 = tpu.memref_slice %arg4[%arg0, %add3A_96, %dma_start3A_98] : memref<2x10240x24xf32, #tpu.memory_space<hbm>> -> memref<1x320x24xf32, #tpu.memory_space<hbm>>
      %dma_start3A_100 = tpu.memref_squeeze %dma_start3A_99 : memref<1x320x24xf32, #tpu.memory_space<hbm>> -> memref<320x24xf32, #tpu.memory_space<hbm>>
      %dma_start3A_101 = arith.constant 0 : i32
      %dma_start3A_102 = tpu.memref_slice %arg4[%arg0, %add3A_96, %dma_start3A_101] : memref<2x10240x24xf32, #tpu.memory_space<hbm>> -> memref<1x320x24xf32, #tpu.memory_space<hbm>>
      %dma_start3A_103 = tpu.memref_squeeze %dma_start3A_102 : memref<1x320x24xf32, #tpu.memory_space<hbm>> -> memref<320x24xf32, #tpu.memory_space<hbm>>
      tpu.enqueue_dma source(%arg8 : memref<320x24xf32, #tpu.memory_space<vmem>>) target(%dma_start3A_103 : memref<320x24xf32, #tpu.memory_space<hbm>>) target_semaphore(%run_scoped3A_97 : memref<!tpu.dma_semaphore, #tpu.memory_space<semaphore_mem>>)
      %dma_wait3A = arith.constant 0 : i32
      %dma_wait3A_104 = tpu.memref_slice %arg4[%arg0, %add3A_96, %dma_wait3A] : memref<2x10240x24xf32, #tpu.memory_space<hbm>> -> memref<1x320x24xf32, #tpu.memory_space<hbm>>
      %dma_wait3A_105 = tpu.memref_squeeze %dma_wait3A_104 : memref<1x320x24xf32, #tpu.memory_space<hbm>> -> memref<320x24xf32, #tpu.memory_space<hbm>>
      %dma_wait3A_106 = arith.constant 0 : i32
      %dma_wait3A_107 = tpu.memref_slice %arg4[%arg0, %add3A_96, %dma_wait3A_106] : memref<2x10240x24xf32, #tpu.memory_space<hbm>> -> memref<1x320x24xf32, #tpu.memory_space<hbm>>
      %dma_wait3A_108 = tpu.memref_squeeze %dma_wait3A_107 : memref<1x320x24xf32, #tpu.memory_space<hbm>> -> memref<320x24xf32, #tpu.memory_space<hbm>>
      tpu.wait_dma2 semaphore(%run_scoped3A_97 : memref<!tpu.dma_semaphore, #tpu.memory_space<semaphore_mem>>) src(%arg8 : memref<320x24xf32, #tpu.memory_space<vmem>>) dst(%dma_wait3A_108 : memref<320x24xf32, #tpu.memory_space<hbm>>)
      tpu.yield
    }) : () -> ()
    return
  }
}

#map = affine_map<(d0, d1) -> (0, 0, 0)>
module attributes {stable_mosaic.version = 14 : i64} {
  func.func @scat_kernel(%arg0: i32, %arg1: i32, %arg2: memref<2x2500x128xi32, #tpu.memory_space<hbm>>, %arg3: memref<2x10240x32xf32, #tpu.memory_space<hbm>>, %arg4: memref<2x10240x32xf32, #tpu.memory_space<hbm>>, %arg5: memref<157x128xi32, #tpu.memory_space<vmem>>, %arg6: memref<157x128xi32, #tpu.memory_space<vmem>>, %arg7: memref<4x128x32xf32, #tpu.memory_space<vmem>>, %arg8: memref<320x32xf32, #tpu.memory_space<vmem>>, %arg9: memref<10240x32xf32, #tpu.memory_space<vmem_shared>>, %arg10: memref<10240x32xf32, #tpu.memory_space<vmem_shared>>, %arg11: memref<!tpu.dma_semaphore, #tpu.memory_space<semaphore_mem>>, %arg12: memref<!tpu.dma_semaphore, #tpu.memory_space<semaphore_mem>>, %arg13: memref<!tpu.dma_semaphore, #tpu.memory_space<semaphore_mem>>, %arg14: memref<!tpu.dma_semaphore, #tpu.memory_space<semaphore_mem>>) attributes {dimension_semantics = [#tpu.dimension_semantics<core_parallel>, #tpu.dimension_semantics<subcore_parallel>], iteration_bounds = array<i64: 2, 16>, scalar_prefetch = 0 : i64, scratch_operands = 10 : i64, tpu.core_type = #tpu.core_type<sc_vector_subcore>, window_params = [{transform_indices = #map}, {transform_indices = #map}, {transform_indices = #map}]} {
    %mul3A = arith.constant 640 : i32
    %mul3A_0 = arith.muli %arg1, %mul3A : i32
    %mul3A_1 = arith.constant 640 : i32
    %mul3A_2 = arith.muli %arg1, %mul3A_1 : i32
    "tpu.region"() ({
      %run_scoped3A_97 = tpu.sem_alloc : memref<!tpu.dma_semaphore, #tpu.memory_space<semaphore_mem>>
      %dma_start3A_98 = arith.constant 0 : i32
      %dma_start3A_99 = tpu.memref_slice %arg9[%mul3A_2, %dma_start3A_98] : memref<10240x32xf32, #tpu.memory_space<vmem_shared>> -> memref<640x32xf32, #tpu.memory_space<vmem_shared>>
      %dma_start3A_100 = arith.constant 0 : i32
      %dma_start3A_101 = tpu.memref_slice %arg3[%arg0, %mul3A_0, %dma_start3A_100] : memref<2x10240x32xf32, #tpu.memory_space<hbm>> -> memref<1x640x32xf32, #tpu.memory_space<hbm>>
      %dma_start3A_102 = tpu.memref_squeeze %dma_start3A_101 : memref<1x640x32xf32, #tpu.memory_space<hbm>> -> memref<640x32xf32, #tpu.memory_space<hbm>>
      tpu.enqueue_dma source(%dma_start3A_102 : memref<640x32xf32, #tpu.memory_space<hbm>>) target(%dma_start3A_99 : memref<640x32xf32, #tpu.memory_space<vmem_shared>>) target_semaphore(%run_scoped3A_97 : memref<!tpu.dma_semaphore, #tpu.memory_space<semaphore_mem>>)
      %dma_wait3A = arith.constant 0 : i32
      %dma_wait3A_103 = tpu.memref_slice %arg9[%mul3A_2, %dma_wait3A] : memref<10240x32xf32, #tpu.memory_space<vmem_shared>> -> memref<640x32xf32, #tpu.memory_space<vmem_shared>>
      %dma_wait3A_104 = arith.constant 0 : i32
      %dma_wait3A_105 = tpu.memref_slice %arg3[%arg0, %mul3A_0, %dma_wait3A_104] : memref<2x10240x32xf32, #tpu.memory_space<hbm>> -> memref<1x640x32xf32, #tpu.memory_space<hbm>>
      %dma_wait3A_106 = tpu.memref_squeeze %dma_wait3A_105 : memref<1x640x32xf32, #tpu.memory_space<hbm>> -> memref<640x32xf32, #tpu.memory_space<hbm>>
      tpu.wait_dma2 semaphore(%run_scoped3A_97 : memref<!tpu.dma_semaphore, #tpu.memory_space<semaphore_mem>>) src(%dma_wait3A_106 : memref<640x32xf32, #tpu.memory_space<hbm>>) dst(%dma_wait3A_103 : memref<640x32xf32, #tpu.memory_space<vmem_shared>>)
      tpu.yield
    }) : () -> ()
    %scan3A = arith.constant 0 : i32
    %scan3A_3 = arith.constant 0 : i32
    %scan3A_4 = arith.constant 320 : i32
    %scan3A_5 = arith.addi %scan3A_3, %scan3A_4 : i32
    %scan3A_6 = arith.constant 1 : i32
    scf.for %scan3A_97 = %scan3A_3 to %scan3A_5 step %scan3A_6  : i32 {
      %broadcast_in_dim3A = arith.constant 0.000000e+00 : f32
      %broadcast_in_dim3A_98 = vector.broadcast %broadcast_in_dim3A : f32 to vector<16xf32>
      %swap3A = arith.index_cast %scan3A_97 : i32 to index
      %swap3A_99 = arith.constant 0 : index
      %swap3A_100 = tpu.vector_load %arg8[%swap3A, %swap3A_99] {strides = array<i32>} : memref<320x32xf32, #tpu.memory_space<vmem>>, vector<1x16xf32>,
      %swap3A_101 = vector.shape_cast %swap3A_100 : vector<1x16xf32> to vector<16xf32>
      %swap3A_102 = vector.shape_cast %broadcast_in_dim3A_98 : vector<16xf32> to vector<1x16xf32>
      tpu.vector_store %arg8[%swap3A, %swap3A_99], %swap3A_102 {strides = array<i32>} : memref<320x32xf32, #tpu.memory_space<vmem>>, vector<1x16xf32>,
      %broadcast_in_dim3A_103 = arith.constant 0.000000e+00 : f32
      %broadcast_in_dim3A_104 = vector.broadcast %broadcast_in_dim3A_103 : f32 to vector<16xf32>
      %swap3A_105 = arith.index_cast %scan3A_97 : i32 to index
      %swap3A_106 = arith.constant 16 : index
      %swap3A_107 = tpu.vector_load %arg8[%swap3A_105, %swap3A_106] {strides = array<i32>} : memref<320x32xf32, #tpu.memory_space<vmem>>, vector<1x16xf32>,
      %swap3A_108 = vector.shape_cast %swap3A_107 : vector<1x16xf32> to vector<16xf32>
      %swap3A_109 = vector.shape_cast %broadcast_in_dim3A_104 : vector<16xf32> to vector<1x16xf32>
      tpu.vector_store %arg8[%swap3A_105, %swap3A_106], %swap3A_109 {strides = array<i32>} : memref<320x32xf32, #tpu.memory_space<vmem>>, vector<1x16xf32>,
    }
    %scan3A_7 = arith.constant 320 : i32
    %mul3A_8 = arith.constant 640 : i32
    %mul3A_9 = arith.muli %arg1, %mul3A_8 : i32
    %add3A = arith.constant 0 : i32
    %add3A_10 = arith.addi %mul3A_9, %add3A : i32
    "tpu.region"() ({
      %run_scoped3A_97 = tpu.sem_alloc : memref<!tpu.dma_semaphore, #tpu.memory_space<semaphore_mem>>
      %dma_start3A_98 = arith.constant 0 : i32
      %dma_start3A_99 = tpu.memref_slice %arg10[%add3A_10, %dma_start3A_98] : memref<10240x32xf32, #tpu.memory_space<vmem_shared>> -> memref<320x32xf32, #tpu.memory_space<vmem_shared>>
      %dma_start3A_100 = arith.constant 0 : i32
      %dma_start3A_101 = tpu.memref_slice %arg10[%add3A_10, %dma_start3A_100] : memref<10240x32xf32, #tpu.memory_space<vmem_shared>> -> memref<320x32xf32, #tpu.memory_space<vmem_shared>>
      tpu.enqueue_dma source(%arg8 : memref<320x32xf32, #tpu.memory_space<vmem>>) target(%dma_start3A_101 : memref<320x32xf32, #tpu.memory_space<vmem_shared>>) target_semaphore(%run_scoped3A_97 : memref<!tpu.dma_semaphore, #tpu.memory_space<semaphore_mem>>)
      %dma_wait3A = arith.constant 0 : i32
      %dma_wait3A_102 = tpu.memref_slice %arg10[%add3A_10, %dma_wait3A] : memref<10240x32xf32, #tpu.memory_space<vmem_shared>> -> memref<320x32xf32, #tpu.memory_space<vmem_shared>>
      %dma_wait3A_103 = arith.constant 0 : i32
      %dma_wait3A_104 = tpu.memref_slice %arg10[%add3A_10, %dma_wait3A_103] : memref<10240x32xf32, #tpu.memory_space<vmem_shared>> -> memref<320x32xf32, #tpu.memory_space<vmem_shared>>
      tpu.wait_dma2 semaphore(%run_scoped3A_97 : memref<!tpu.dma_semaphore, #tpu.memory_space<semaphore_mem>>) src(%arg8 : memref<320x32xf32, #tpu.memory_space<vmem>>) dst(%dma_wait3A_104 : memref<320x32xf32, #tpu.memory_space<vmem_shared>>)
      tpu.yield
    }) : () -> ()
    %mul3A_11 = arith.constant 640 : i32
    %mul3A_12 = arith.muli %arg1, %mul3A_11 : i32
    %add3A_13 = arith.constant 320 : i32
    %add3A_14 = arith.addi %mul3A_12, %add3A_13 : i32
    "tpu.region"() ({
      %run_scoped3A_97 = tpu.sem_alloc : memref<!tpu.dma_semaphore, #tpu.memory_space<semaphore_mem>>
      %dma_start3A_98 = arith.constant 0 : i32
      %dma_start3A_99 = tpu.memref_slice %arg10[%add3A_14, %dma_start3A_98] : memref<10240x32xf32, #tpu.memory_space<vmem_shared>> -> memref<320x32xf32, #tpu.memory_space<vmem_shared>>
      %dma_start3A_100 = arith.constant 0 : i32
      %dma_start3A_101 = tpu.memref_slice %arg10[%add3A_14, %dma_start3A_100] : memref<10240x32xf32, #tpu.memory_space<vmem_shared>> -> memref<320x32xf32, #tpu.memory_space<vmem_shared>>
      tpu.enqueue_dma source(%arg8 : memref<320x32xf32, #tpu.memory_space<vmem>>) target(%dma_start3A_101 : memref<320x32xf32, #tpu.memory_space<vmem_shared>>) target_semaphore(%run_scoped3A_97 : memref<!tpu.dma_semaphore, #tpu.memory_space<semaphore_mem>>)
      %dma_wait3A = arith.constant 0 : i32
      %dma_wait3A_102 = tpu.memref_slice %arg10[%add3A_14, %dma_wait3A] : memref<10240x32xf32, #tpu.memory_space<vmem_shared>> -> memref<320x32xf32, #tpu.memory_space<vmem_shared>>
      %dma_wait3A_103 = arith.constant 0 : i32
      %dma_wait3A_104 = tpu.memref_slice %arg10[%add3A_14, %dma_wait3A_103] : memref<10240x32xf32, #tpu.memory_space<vmem_shared>> -> memref<320x32xf32, #tpu.memory_space<vmem_shared>>
      tpu.wait_dma2 semaphore(%run_scoped3A_97 : memref<!tpu.dma_semaphore, #tpu.memory_space<semaphore_mem>>) src(%arg8 : memref<320x32xf32, #tpu.memory_space<vmem>>) dst(%dma_wait3A_104 : memref<320x32xf32, #tpu.memory_space<vmem_shared>>)
      tpu.yield
    }) : () -> ()
    %mul3A_15 = arith.constant 156 : i32
    %mul3A_16 = arith.muli %arg1, %mul3A_15 : i32
    %min3A = arith.constant 4 : i32
    %min3A_17 = arith.minsi %arg1, %min3A : i32
    %add3A_18 = arith.addi %mul3A_16, %min3A_17 : i32
    %run_scoped3A = arith.constant 0 : i32
    "tpu.region"() ({
      %run_scoped3A_97 = tpu.sem_alloc : memref<!tpu.dma_semaphore, #tpu.memory_space<semaphore_mem>>
      %dma_start3A_98 = arith.constant 0 : i32
      %dma_start3A_99 = arith.constant 0 : i32
      %dma_start3A_100 = tpu.memref_slice %arg5[%dma_start3A_98, %dma_start3A_99] : memref<157x128xi32, #tpu.memory_space<vmem>> -> memref<156x128xi32, #tpu.memory_space<vmem>>
      %dma_start3A_101 = arith.constant 0 : i32
      %dma_start3A_102 = tpu.memref_slice %arg2[%run_scoped3A, %add3A_18, %dma_start3A_101] : memref<2x2500x128xi32, #tpu.memory_space<hbm>> -> memref<1x156x128xi32, #tpu.memory_space<hbm>>
      %dma_start3A_103 = tpu.memref_squeeze %dma_start3A_102 : memref<1x156x128xi32, #tpu.memory_space<hbm>> -> memref<156x128xi32, #tpu.memory_space<hbm>>
      %dma_start3A_104 = arith.constant 0 : i32
      %dma_start3A_105 = arith.constant 0 : i32
      %dma_start3A_106 = tpu.memref_slice %arg5[%dma_start3A_104, %dma_start3A_105] : memref<157x128xi32, #tpu.memory_space<vmem>> -> memref<156x128xi32, #tpu.memory_space<vmem>>
      %dma_start3A_107 = arith.constant 0 : i32
      %dma_start3A_108 = tpu.memref_slice %arg2[%run_scoped3A, %add3A_18, %dma_start3A_107] : memref<2x2500x128xi32, #tpu.memory_space<hbm>> -> memref<1x156x128xi32, #tpu.memory_space<hbm>>
      %dma_start3A_109 = tpu.memref_squeeze %dma_start3A_108 : memref<1x156x128xi32, #tpu.memory_space<hbm>> -> memref<156x128xi32, #tpu.memory_space<hbm>>
      tpu.enqueue_dma source(%dma_start3A_109 : memref<156x128xi32, #tpu.memory_space<hbm>>) target(%dma_start3A_106 : memref<156x128xi32, #tpu.memory_space<vmem>>) target_semaphore(%run_scoped3A_97 : memref<!tpu.dma_semaphore, #tpu.memory_space<semaphore_mem>>)
      %dma_wait3A = arith.constant 0 : i32
      %dma_wait3A_110 = arith.constant 0 : i32
      %dma_wait3A_111 = tpu.memref_slice %arg5[%dma_wait3A, %dma_wait3A_110] : memref<157x128xi32, #tpu.memory_space<vmem>> -> memref<156x128xi32, #tpu.memory_space<vmem>>
      %dma_wait3A_112 = arith.constant 0 : i32
      %dma_wait3A_113 = tpu.memref_slice %arg2[%run_scoped3A, %add3A_18, %dma_wait3A_112] : memref<2x2500x128xi32, #tpu.memory_space<hbm>> -> memref<1x156x128xi32, #tpu.memory_space<hbm>>
      %dma_wait3A_114 = tpu.memref_squeeze %dma_wait3A_113 : memref<1x156x128xi32, #tpu.memory_space<hbm>> -> memref<156x128xi32, #tpu.memory_space<hbm>>
      %dma_wait3A_115 = arith.constant 0 : i32
      %dma_wait3A_116 = arith.constant 0 : i32
      %dma_wait3A_117 = tpu.memref_slice %arg5[%dma_wait3A_115, %dma_wait3A_116] : memref<157x128xi32, #tpu.memory_space<vmem>> -> memref<156x128xi32, #tpu.memory_space<vmem>>
      %dma_wait3A_118 = arith.constant 0 : i32
      %dma_wait3A_119 = tpu.memref_slice %arg2[%run_scoped3A, %add3A_18, %dma_wait3A_118] : memref<2x2500x128xi32, #tpu.memory_space<hbm>> -> memref<1x156x128xi32, #tpu.memory_space<hbm>>
      %dma_wait3A_120 = tpu.memref_squeeze %dma_wait3A_119 : memref<1x156x128xi32, #tpu.memory_space<hbm>> -> memref<156x128xi32, #tpu.memory_space<hbm>>
      tpu.wait_dma2 semaphore(%run_scoped3A_97 : memref<!tpu.dma_semaphore, #tpu.memory_space<semaphore_mem>>) src(%dma_wait3A_120 : memref<156x128xi32, #tpu.memory_space<hbm>>) dst(%dma_wait3A_117 : memref<156x128xi32, #tpu.memory_space<vmem>>)
      tpu.yield
    }) : () -> ()
    %run_scoped3A_19 = arith.constant 1 : i32
    "tpu.region"() ({
      %run_scoped3A_97 = tpu.sem_alloc : memref<!tpu.dma_semaphore, #tpu.memory_space<semaphore_mem>>
      %dma_start3A_98 = arith.constant 0 : i32
      %dma_start3A_99 = arith.constant 0 : i32
      %dma_start3A_100 = tpu.memref_slice %arg6[%dma_start3A_98, %dma_start3A_99] : memref<157x128xi32, #tpu.memory_space<vmem>> -> memref<156x128xi32, #tpu.memory_space<vmem>>
      %dma_start3A_101 = arith.constant 0 : i32
      %dma_start3A_102 = tpu.memref_slice %arg2[%run_scoped3A_19, %add3A_18, %dma_start3A_101] : memref<2x2500x128xi32, #tpu.memory_space<hbm>> -> memref<1x156x128xi32, #tpu.memory_space<hbm>>
      %dma_start3A_103 = tpu.memref_squeeze %dma_start3A_102 : memref<1x156x128xi32, #tpu.memory_space<hbm>> -> memref<156x128xi32, #tpu.memory_space<hbm>>
      %dma_start3A_104 = arith.constant 0 : i32
      %dma_start3A_105 = arith.constant 0 : i32
      %dma_start3A_106 = tpu.memref_slice %arg6[%dma_start3A_104, %dma_start3A_105] : memref<157x128xi32, #tpu.memory_space<vmem>> -> memref<156x128xi32, #tpu.memory_space<vmem>>
      %dma_start3A_107 = arith.constant 0 : i32
      %dma_start3A_108 = tpu.memref_slice %arg2[%run_scoped3A_19, %add3A_18, %dma_start3A_107] : memref<2x2500x128xi32, #tpu.memory_space<hbm>> -> memref<1x156x128xi32, #tpu.memory_space<hbm>>
      %dma_start3A_109 = tpu.memref_squeeze %dma_start3A_108 : memref<1x156x128xi32, #tpu.memory_space<hbm>> -> memref<156x128xi32, #tpu.memory_space<hbm>>
      tpu.enqueue_dma source(%dma_start3A_109 : memref<156x128xi32, #tpu.memory_space<hbm>>) target(%dma_start3A_106 : memref<156x128xi32, #tpu.memory_space<vmem>>) target_semaphore(%run_scoped3A_97 : memref<!tpu.dma_semaphore, #tpu.memory_space<semaphore_mem>>)
      %dma_wait3A = arith.constant 0 : i32
      %dma_wait3A_110 = arith.constant 0 : i32
      %dma_wait3A_111 = tpu.memref_slice %arg6[%dma_wait3A, %dma_wait3A_110] : memref<157x128xi32, #tpu.memory_space<vmem>> -> memref<156x128xi32, #tpu.memory_space<vmem>>
      %dma_wait3A_112 = arith.constant 0 : i32
      %dma_wait3A_113 = tpu.memref_slice %arg2[%run_scoped3A_19, %add3A_18, %dma_wait3A_112] : memref<2x2500x128xi32, #tpu.memory_space<hbm>> -> memref<1x156x128xi32, #tpu.memory_space<hbm>>
      %dma_wait3A_114 = tpu.memref_squeeze %dma_wait3A_113 : memref<1x156x128xi32, #tpu.memory_space<hbm>> -> memref<156x128xi32, #tpu.memory_space<hbm>>
      %dma_wait3A_115 = arith.constant 0 : i32
      %dma_wait3A_116 = arith.constant 0 : i32
      %dma_wait3A_117 = tpu.memref_slice %arg6[%dma_wait3A_115, %dma_wait3A_116] : memref<157x128xi32, #tpu.memory_space<vmem>> -> memref<156x128xi32, #tpu.memory_space<vmem>>
      %dma_wait3A_118 = arith.constant 0 : i32
      %dma_wait3A_119 = tpu.memref_slice %arg2[%run_scoped3A_19, %add3A_18, %dma_wait3A_118] : memref<2x2500x128xi32, #tpu.memory_space<hbm>> -> memref<1x156x128xi32, #tpu.memory_space<hbm>>
      %dma_wait3A_120 = tpu.memref_squeeze %dma_wait3A_119 : memref<1x156x128xi32, #tpu.memory_space<hbm>> -> memref<156x128xi32, #tpu.memory_space<hbm>>
      tpu.wait_dma2 semaphore(%run_scoped3A_97 : memref<!tpu.dma_semaphore, #tpu.memory_space<semaphore_mem>>) src(%dma_wait3A_120 : memref<156x128xi32, #tpu.memory_space<hbm>>) dst(%dma_wait3A_117 : memref<156x128xi32, #tpu.memory_space<vmem>>)
      tpu.yield
    }) : () -> ()
    %lt3A = arith.constant 4 : i32
    %lt3A_20 = arith.cmpi slt, %arg1, %lt3A : i32
    %convert_element_type3A = arith.extui %lt3A_20 : i1 to i32
    %cond3A = arith.constant 0 : i32
    %cond3A_21 = arith.cmpi ne, %convert_element_type3A, %cond3A : i32
    scf.if %cond3A_21 {
      %add3A_97 = arith.constant 156 : i32
      %add3A_98 = arith.addi %add3A_18, %add3A_97 : i32
      %run_scoped3A_99 = arith.constant 0 : i32
      "tpu.region"() ({
        %run_scoped3A_103 = tpu.sem_alloc : memref<!tpu.dma_semaphore, #tpu.memory_space<semaphore_mem>>
        %dma_start3A_104 = arith.constant 156 : i32
        %dma_start3A_105 = arith.constant 0 : i32
        %dma_start3A_106 = tpu.memref_slice %arg5[%dma_start3A_104, %dma_start3A_105] : memref<157x128xi32, #tpu.memory_space<vmem>> -> memref<1x128xi32, #tpu.memory_space<vmem>>
        %dma_start3A_107 = arith.constant 0 : i32
        %dma_start3A_108 = tpu.memref_slice %arg2[%run_scoped3A_99, %add3A_98, %dma_start3A_107] : memref<2x2500x128xi32, #tpu.memory_space<hbm>> -> memref<1x1x128xi32, #tpu.memory_space<hbm>>
        %dma_start3A_109 = tpu.memref_squeeze %dma_start3A_108 : memref<1x1x128xi32, #tpu.memory_space<hbm>> -> memref<1x128xi32, #tpu.memory_space<hbm>>
        %dma_start3A_110 = arith.constant 156 : i32
        %dma_start3A_111 = arith.constant 0 : i32
        %dma_start3A_112 = tpu.memref_slice %arg5[%dma_start3A_110, %dma_start3A_111] : memref<157x128xi32, #tpu.memory_space<vmem>> -> memref<1x128xi32, #tpu.memory_space<vmem>>
        %dma_start3A_113 = arith.constant 0 : i32
        %dma_start3A_114 = tpu.memref_slice %arg2[%run_scoped3A_99, %add3A_98, %dma_start3A_113] : memref<2x2500x128xi32, #tpu.memory_space<hbm>> -> memref<1x1x128xi32, #tpu.memory_space<hbm>>
        %dma_start3A_115 = tpu.memref_squeeze %dma_start3A_114 : memref<1x1x128xi32, #tpu.memory_space<hbm>> -> memref<1x128xi32, #tpu.memory_space<hbm>>
        tpu.enqueue_dma source(%dma_start3A_115 : memref<1x128xi32, #tpu.memory_space<hbm>>) target(%dma_start3A_112 : memref<1x128xi32, #tpu.memory_space<vmem>>) target_semaphore(%run_scoped3A_103 : memref<!tpu.dma_semaphore, #tpu.memory_space<semaphore_mem>>)
        %dma_wait3A = arith.constant 156 : i32
        %dma_wait3A_116 = arith.constant 0 : i32
        %dma_wait3A_117 = tpu.memref_slice %arg5[%dma_wait3A, %dma_wait3A_116] : memref<157x128xi32, #tpu.memory_space<vmem>> -> memref<1x128xi32, #tpu.memory_space<vmem>>
        %dma_wait3A_118 = arith.constant 0 : i32
        %dma_wait3A_119 = tpu.memref_slice %arg2[%run_scoped3A_99, %add3A_98, %dma_wait3A_118] : memref<2x2500x128xi32, #tpu.memory_space<hbm>> -> memref<1x1x128xi32, #tpu.memory_space<hbm>>
        %dma_wait3A_120 = tpu.memref_squeeze %dma_wait3A_119 : memref<1x1x128xi32, #tpu.memory_space<hbm>> -> memref<1x128xi32, #tpu.memory_space<hbm>>
        %dma_wait3A_121 = arith.constant 156 : i32
        %dma_wait3A_122 = arith.constant 0 : i32
        %dma_wait3A_123 = tpu.memref_slice %arg5[%dma_wait3A_121, %dma_wait3A_122] : memref<157x128xi32, #tpu.memory_space<vmem>> -> memref<1x128xi32, #tpu.memory_space<vmem>>
        %dma_wait3A_124 = arith.constant 0 : i32
        %dma_wait3A_125 = tpu.memref_slice %arg2[%run_scoped3A_99, %add3A_98, %dma_wait3A_124] : memref<2x2500x128xi32, #tpu.memory_space<hbm>> -> memref<1x1x128xi32, #tpu.memory_space<hbm>>
        %dma_wait3A_126 = tpu.memref_squeeze %dma_wait3A_125 : memref<1x1x128xi32, #tpu.memory_space<hbm>> -> memref<1x128xi32, #tpu.memory_space<hbm>>
        tpu.wait_dma2 semaphore(%run_scoped3A_103 : memref<!tpu.dma_semaphore, #tpu.memory_space<semaphore_mem>>) src(%dma_wait3A_126 : memref<1x128xi32, #tpu.memory_space<hbm>>) dst(%dma_wait3A_123 : memref<1x128xi32, #tpu.memory_space<vmem>>)
        tpu.yield
      }) : () -> ()
      %add3A_100 = arith.constant 156 : i32
      %add3A_101 = arith.addi %add3A_18, %add3A_100 : i32
      %run_scoped3A_102 = arith.constant 1 : i32
      "tpu.region"() ({
        %run_scoped3A_103 = tpu.sem_alloc : memref<!tpu.dma_semaphore, #tpu.memory_space<semaphore_mem>>
        %dma_start3A_104 = arith.constant 156 : i32
        %dma_start3A_105 = arith.constant 0 : i32
        %dma_start3A_106 = tpu.memref_slice %arg6[%dma_start3A_104, %dma_start3A_105] : memref<157x128xi32, #tpu.memory_space<vmem>> -> memref<1x128xi32, #tpu.memory_space<vmem>>
        %dma_start3A_107 = arith.constant 0 : i32
        %dma_start3A_108 = tpu.memref_slice %arg2[%run_scoped3A_102, %add3A_101, %dma_start3A_107] : memref<2x2500x128xi32, #tpu.memory_space<hbm>> -> memref<1x1x128xi32, #tpu.memory_space<hbm>>
        %dma_start3A_109 = tpu.memref_squeeze %dma_start3A_108 : memref<1x1x128xi32, #tpu.memory_space<hbm>> -> memref<1x128xi32, #tpu.memory_space<hbm>>
        %dma_start3A_110 = arith.constant 156 : i32
        %dma_start3A_111 = arith.constant 0 : i32
        %dma_start3A_112 = tpu.memref_slice %arg6[%dma_start3A_110, %dma_start3A_111] : memref<157x128xi32, #tpu.memory_space<vmem>> -> memref<1x128xi32, #tpu.memory_space<vmem>>
        %dma_start3A_113 = arith.constant 0 : i32
        %dma_start3A_114 = tpu.memref_slice %arg2[%run_scoped3A_102, %add3A_101, %dma_start3A_113] : memref<2x2500x128xi32, #tpu.memory_space<hbm>> -> memref<1x1x128xi32, #tpu.memory_space<hbm>>
        %dma_start3A_115 = tpu.memref_squeeze %dma_start3A_114 : memref<1x1x128xi32, #tpu.memory_space<hbm>> -> memref<1x128xi32, #tpu.memory_space<hbm>>
        tpu.enqueue_dma source(%dma_start3A_115 : memref<1x128xi32, #tpu.memory_space<hbm>>) target(%dma_start3A_112 : memref<1x128xi32, #tpu.memory_space<vmem>>) target_semaphore(%run_scoped3A_103 : memref<!tpu.dma_semaphore, #tpu.memory_space<semaphore_mem>>)
        %dma_wait3A = arith.constant 156 : i32
        %dma_wait3A_116 = arith.constant 0 : i32
        %dma_wait3A_117 = tpu.memref_slice %arg6[%dma_wait3A, %dma_wait3A_116] : memref<157x128xi32, #tpu.memory_space<vmem>> -> memref<1x128xi32, #tpu.memory_space<vmem>>
        %dma_wait3A_118 = arith.constant 0 : i32
        %dma_wait3A_119 = tpu.memref_slice %arg2[%run_scoped3A_102, %add3A_101, %dma_wait3A_118] : memref<2x2500x128xi32, #tpu.memory_space<hbm>> -> memref<1x1x128xi32, #tpu.memory_space<hbm>>
        %dma_wait3A_120 = tpu.memref_squeeze %dma_wait3A_119 : memref<1x1x128xi32, #tpu.memory_space<hbm>> -> memref<1x128xi32, #tpu.memory_space<hbm>>
        %dma_wait3A_121 = arith.constant 156 : i32
        %dma_wait3A_122 = arith.constant 0 : i32
        %dma_wait3A_123 = tpu.memref_slice %arg6[%dma_wait3A_121, %dma_wait3A_122] : memref<157x128xi32, #tpu.memory_space<vmem>> -> memref<1x128xi32, #tpu.memory_space<vmem>>
        %dma_wait3A_124 = arith.constant 0 : i32
        %dma_wait3A_125 = tpu.memref_slice %arg2[%run_scoped3A_102, %add3A_101, %dma_wait3A_124] : memref<2x2500x128xi32, #tpu.memory_space<hbm>> -> memref<1x1x128xi32, #tpu.memory_space<hbm>>
        %dma_wait3A_126 = tpu.memref_squeeze %dma_wait3A_125 : memref<1x1x128xi32, #tpu.memory_space<hbm>> -> memref<1x128xi32, #tpu.memory_space<hbm>>
        tpu.wait_dma2 semaphore(%run_scoped3A_103 : memref<!tpu.dma_semaphore, #tpu.memory_space<semaphore_mem>>) src(%dma_wait3A_126 : memref<1x128xi32, #tpu.memory_space<hbm>>) dst(%dma_wait3A_123 : memref<1x128xi32, #tpu.memory_space<vmem>>)
        tpu.yield
      }) : () -> ()
    } else {
    }
    %barrier3A = arith.constant 0 : index
    tpu.barrier barrier_id(%barrier3A)
    %dma_start3A = arith.constant 0 : i32
    %dma_start3A_22 = arith.constant 0 : i32
    %dma_start3A_23 = arith.constant 0 : i32
    %dma_start3A_24 = arith.constant 0 : i32
    %dma_start3A_25 = tpu.memref_slice %arg7[%dma_start3A_22, %dma_start3A_23, %dma_start3A_24] : memref<4x128x32xf32, #tpu.memory_space<vmem>> -> memref<1x128x32xf32, #tpu.memory_space<vmem>>
    %dma_start3A_26 = tpu.memref_squeeze %dma_start3A_25 : memref<1x128x32xf32, #tpu.memory_space<vmem>> -> memref<128x32xf32, #tpu.memory_space<vmem>>
    %dma_start3A_27 = arith.constant 0 : i32
    %dma_start3A_28 = tpu.memref_slice %arg5[%dma_start3A, %dma_start3A_27] : memref<157x128xi32, #tpu.memory_space<vmem>> -> memref<1x128xi32, #tpu.memory_space<vmem>>
    %dma_start3A_29 = tpu.memref_squeeze %dma_start3A_28 : memref<1x128xi32, #tpu.memory_space<vmem>> -> memref<128xi32, #tpu.memory_space<vmem>>
    %dma_start3A_30 = arith.constant 0 : i32
    %dma_start3A_31 = arith.constant 0 : i32
    %dma_start3A_32 = tpu.memref_slice %arg9[%dma_start3A_30, %dma_start3A_31] : memref<10240x32xf32, #tpu.memory_space<vmem_shared>> -> memref<10240x32xf32, #tpu.memory_space<vmem_shared>>
    tpu.enqueue_indirect_dma source(%dma_start3A_32 : memref<10240x32xf32, #tpu.memory_space<vmem_shared>>) target(%dma_start3A_26 : memref<128x32xf32, #tpu.memory_space<vmem>>) offsets(%dma_start3A_29 : memref<128xi32, #tpu.memory_space<vmem>>) semaphore(%arg11 : memref<!tpu.dma_semaphore, #tpu.memory_space<semaphore_mem>>)
    %dma_start3A_33 = arith.constant 1 : i32
    %dma_start3A_34 = arith.constant 1 : i32
    %dma_start3A_35 = arith.constant 0 : i32
    %dma_start3A_36 = arith.constant 0 : i32
    %dma_start3A_37 = tpu.memref_slice %arg7[%dma_start3A_34, %dma_start3A_35, %dma_start3A_36] : memref<4x128x32xf32, #tpu.memory_space<vmem>> -> memref<1x128x32xf32, #tpu.memory_space<vmem>>
    %dma_start3A_38 = tpu.memref_squeeze %dma_start3A_37 : memref<1x128x32xf32, #tpu.memory_space<vmem>> -> memref<128x32xf32, #tpu.memory_space<vmem>>
    %dma_start3A_39 = arith.constant 0 : i32
    %dma_start3A_40 = tpu.memref_slice %arg5[%dma_start3A_33, %dma_start3A_39] : memref<157x128xi32, #tpu.memory_space<vmem>> -> memref<1x128xi32, #tpu.memory_space<vmem>>
    %dma_start3A_41 = tpu.memref_squeeze %dma_start3A_40 : memref<1x128xi32, #tpu.memory_space<vmem>> -> memref<128xi32, #tpu.memory_space<vmem>>
    %dma_start3A_42 = arith.constant 0 : i32
    %dma_start3A_43 = arith.constant 0 : i32
    %dma_start3A_44 = tpu.memref_slice %arg9[%dma_start3A_42, %dma_start3A_43] : memref<10240x32xf32, #tpu.memory_space<vmem_shared>> -> memref<10240x32xf32, #tpu.memory_space<vmem_shared>>
    tpu.enqueue_indirect_dma source(%dma_start3A_44 : memref<10240x32xf32, #tpu.memory_space<vmem_shared>>) target(%dma_start3A_38 : memref<128x32xf32, #tpu.memory_space<vmem>>) offsets(%dma_start3A_41 : memref<128xi32, #tpu.memory_space<vmem>>) semaphore(%arg12 : memref<!tpu.dma_semaphore, #tpu.memory_space<semaphore_mem>>)
    %dma_start3A_45 = arith.constant 2 : i32
    %dma_start3A_46 = arith.constant 2 : i32
    %dma_start3A_47 = arith.constant 0 : i32
    %dma_start3A_48 = arith.constant 0 : i32
    %dma_start3A_49 = tpu.memref_slice %arg7[%dma_start3A_46, %dma_start3A_47, %dma_start3A_48] : memref<4x128x32xf32, #tpu.memory_space<vmem>> -> memref<1x128x32xf32, #tpu.memory_space<vmem>>
    %dma_start3A_50 = tpu.memref_squeeze %dma_start3A_49 : memref<1x128x32xf32, #tpu.memory_space<vmem>> -> memref<128x32xf32, #tpu.memory_space<vmem>>
    %dma_start3A_51 = arith.constant 0 : i32
    %dma_start3A_52 = tpu.memref_slice %arg5[%dma_start3A_45, %dma_start3A_51] : memref<157x128xi32, #tpu.memory_space<vmem>> -> memref<1x128xi32, #tpu.memory_space<vmem>>
    %dma_start3A_53 = tpu.memref_squeeze %dma_start3A_52 : memref<1x128xi32, #tpu.memory_space<vmem>> -> memref<128xi32, #tpu.memory_space<vmem>>
    %dma_start3A_54 = arith.constant 0 : i32
    %dma_start3A_55 = arith.constant 0 : i32
    %dma_start3A_56 = tpu.memref_slice %arg9[%dma_start3A_54, %dma_start3A_55] : memref<10240x32xf32, #tpu.memory_space<vmem_shared>> -> memref<10240x32xf32, #tpu.memory_space<vmem_shared>>
    tpu.enqueue_indirect_dma source(%dma_start3A_56 : memref<10240x32xf32, #tpu.memory_space<vmem_shared>>) target(%dma_start3A_50 : memref<128x32xf32, #tpu.memory_space<vmem>>) offsets(%dma_start3A_53 : memref<128xi32, #tpu.memory_space<vmem>>) semaphore(%arg13 : memref<!tpu.dma_semaphore, #tpu.memory_space<semaphore_mem>>)
    %dma_start3A_57 = arith.constant 3 : i32
    %dma_start3A_58 = arith.constant 3 : i32
    %dma_start3A_59 = arith.constant 0 : i32
    %dma_start3A_60 = arith.constant 0 : i32
    %dma_start3A_61 = tpu.memref_slice %arg7[%dma_start3A_58, %dma_start3A_59, %dma_start3A_60] : memref<4x128x32xf32, #tpu.memory_space<vmem>> -> memref<1x128x32xf32, #tpu.memory_space<vmem>>
    %dma_start3A_62 = tpu.memref_squeeze %dma_start3A_61 : memref<1x128x32xf32, #tpu.memory_space<vmem>> -> memref<128x32xf32, #tpu.memory_space<vmem>>
    %dma_start3A_63 = arith.constant 0 : i32
    %dma_start3A_64 = tpu.memref_slice %arg5[%dma_start3A_57, %dma_start3A_63] : memref<157x128xi32, #tpu.memory_space<vmem>> -> memref<1x128xi32, #tpu.memory_space<vmem>>
    %dma_start3A_65 = tpu.memref_squeeze %dma_start3A_64 : memref<1x128xi32, #tpu.memory_space<vmem>> -> memref<128xi32, #tpu.memory_space<vmem>>
    %dma_start3A_66 = arith.constant 0 : i32
    %dma_start3A_67 = arith.constant 0 : i32
    %dma_start3A_68 = tpu.memref_slice %arg9[%dma_start3A_66, %dma_start3A_67] : memref<10240x32xf32, #tpu.memory_space<vmem_shared>> -> memref<10240x32xf32, #tpu.memory_space<vmem_shared>>
    tpu.enqueue_indirect_dma source(%dma_start3A_68 : memref<10240x32xf32, #tpu.memory_space<vmem_shared>>) target(%dma_start3A_62 : memref<128x32xf32, #tpu.memory_space<vmem>>) offsets(%dma_start3A_65 : memref<128xi32, #tpu.memory_space<vmem>>) semaphore(%arg14 : memref<!tpu.dma_semaphore, #tpu.memory_space<semaphore_mem>>)
    %scan3A_69 = arith.constant 0 : i32
    %scan3A_70 = arith.constant 0 : i32
    %scan3A_71 = arith.constant 39 : i32
    %scan3A_72 = arith.addi %scan3A_70, %scan3A_71 : i32
    %scan3A_73 = arith.constant 1 : i32
    scf.for %scan3A_97 = %scan3A_70 to %scan3A_72 step %scan3A_73  : i32 {
      %mul3A_98 = arith.constant 4 : i32
      %mul3A_99 = arith.muli %scan3A_97, %mul3A_98 : i32
      %add3A_100 = arith.constant 0 : i32
      %add3A_101 = arith.addi %mul3A_99, %add3A_100 : i32
      %dma_wait3A = arith.constant 0 : i32
      %dma_wait3A_102 = arith.constant 0 : i32
      %dma_wait3A_103 = arith.constant 0 : i32
      %dma_wait3A_104 = tpu.memref_slice %arg7[%dma_wait3A, %dma_wait3A_102, %dma_wait3A_103] : memref<4x128x32xf32, #tpu.memory_space<vmem>> -> memref<1x128x32xf32, #tpu.memory_space<vmem>>
      %dma_wait3A_105 = tpu.memref_squeeze %dma_wait3A_104 : memref<1x128x32xf32, #tpu.memory_space<vmem>> -> memref<128x32xf32, #tpu.memory_space<vmem>>
      %dma_wait3A_106 = arith.constant 0 : i32
      %dma_wait3A_107 = tpu.memref_slice %arg5[%add3A_101, %dma_wait3A_106] : memref<157x128xi32, #tpu.memory_space<vmem>> -> memref<1x128xi32, #tpu.memory_space<vmem>>
      %dma_wait3A_108 = tpu.memref_squeeze %dma_wait3A_107 : memref<1x128xi32, #tpu.memory_space<vmem>> -> memref<128xi32, #tpu.memory_space<vmem>>
      %dma_wait3A_109 = arith.constant 0 : i32
      %dma_wait3A_110 = arith.constant 0 : i32
      %dma_wait3A_111 = tpu.memref_slice %arg9[%dma_wait3A_109, %dma_wait3A_110] : memref<10240x32xf32, #tpu.memory_space<vmem_shared>> -> memref<10240x32xf32, #tpu.memory_space<vmem_shared>>
      tpu.wait_indirect_dma semaphore(%arg11 : memref<!tpu.dma_semaphore, #tpu.memory_space<semaphore_mem>>) src(%dma_wait3A_111 : memref<10240x32xf32, #tpu.memory_space<vmem_shared>>) dst(%dma_wait3A_105 : memref<128x32xf32, #tpu.memory_space<vmem>>)
      %run_scoped3A_112 = arith.constant 0 : i32
      "tpu.region"() ({
        %run_scoped3A_181 = tpu.sem_alloc : memref<!tpu.dma_semaphore, #tpu.memory_space<semaphore_mem>>
        %dma_start3A_182 = arith.constant 0 : i32
        %dma_start3A_183 = arith.constant 0 : i32
        %dma_start3A_184 = tpu.memref_slice %arg7[%run_scoped3A_112, %dma_start3A_182, %dma_start3A_183] : memref<4x128x32xf32, #tpu.memory_space<vmem>> -> memref<1x128x32xf32, #tpu.memory_space<vmem>>
        %dma_start3A_185 = tpu.memref_squeeze %dma_start3A_184 : memref<1x128x32xf32, #tpu.memory_space<vmem>> -> memref<128x32xf32, #tpu.memory_space<vmem>>
        %dma_start3A_186 = arith.constant 0 : i32
        %dma_start3A_187 = tpu.memref_slice %arg6[%add3A_101, %dma_start3A_186] : memref<157x128xi32, #tpu.memory_space<vmem>> -> memref<1x128xi32, #tpu.memory_space<vmem>>
        %dma_start3A_188 = tpu.memref_squeeze %dma_start3A_187 : memref<1x128xi32, #tpu.memory_space<vmem>> -> memref<128xi32, #tpu.memory_space<vmem>>
        %dma_start3A_189 = arith.constant 0 : i32
        %dma_start3A_190 = arith.constant 0 : i32
        %dma_start3A_191 = tpu.memref_slice %arg10[%dma_start3A_189, %dma_start3A_190] : memref<10240x32xf32, #tpu.memory_space<vmem_shared>> -> memref<10240x32xf32, #tpu.memory_space<vmem_shared>>
        tpu.enqueue_indirect_dma source(%dma_start3A_185 : memref<128x32xf32, #tpu.memory_space<vmem>>) target(%dma_start3A_191 : memref<10240x32xf32, #tpu.memory_space<vmem_shared>>) offsets(%dma_start3A_188 : memref<128xi32, #tpu.memory_space<vmem>>) semaphore(%run_scoped3A_181 : memref<!tpu.dma_semaphore, #tpu.memory_space<semaphore_mem>>) {add = true}
        %dma_wait3A_192 = arith.constant 0 : i32
        %dma_wait3A_193 = arith.constant 0 : i32
        %dma_wait3A_194 = tpu.memref_slice %arg7[%run_scoped3A_112, %dma_wait3A_192, %dma_wait3A_193] : memref<4x128x32xf32, #tpu.memory_space<vmem>> -> memref<1x128x32xf32, #tpu.memory_space<vmem>>
        %dma_wait3A_195 = tpu.memref_squeeze %dma_wait3A_194 : memref<1x128x32xf32, #tpu.memory_space<vmem>> -> memref<128x32xf32, #tpu.memory_space<vmem>>
        %dma_wait3A_196 = arith.constant 0 : i32
        %dma_wait3A_197 = tpu.memref_slice %arg6[%add3A_101, %dma_wait3A_196] : memref<157x128xi32, #tpu.memory_space<vmem>> -> memref<1x128xi32, #tpu.memory_space<vmem>>
        %dma_wait3A_198 = tpu.memref_squeeze %dma_wait3A_197 : memref<1x128xi32, #tpu.memory_space<vmem>> -> memref<128xi32, #tpu.memory_space<vmem>>
        %dma_wait3A_199 = arith.constant 0 : i32
        %dma_wait3A_200 = arith.constant 0 : i32
        %dma_wait3A_201 = tpu.memref_slice %arg10[%dma_wait3A_199, %dma_wait3A_200] : memref<10240x32xf32, #tpu.memory_space<vmem_shared>> -> memref<10240x32xf32, #tpu.memory_space<vmem_shared>>
        tpu.wait_indirect_dma semaphore(%run_scoped3A_181 : memref<!tpu.dma_semaphore, #tpu.memory_space<semaphore_mem>>) src(%dma_wait3A_195 : memref<128x32xf32, #tpu.memory_space<vmem>>) dst(%dma_wait3A_201 : memref<10240x32xf32, #tpu.memory_space<vmem_shared>>)
        tpu.yield
      }) : () -> ()
      %lt3A_113 = arith.constant 38 : i32
      %lt3A_114 = arith.cmpi slt, %scan3A_97, %lt3A_113 : i32
      %convert_element_type3A_115 = arith.extui %lt3A_114 : i1 to i32
      %cond3A_116 = arith.constant 0 : i32
      %cond3A_117 = arith.cmpi ne, %convert_element_type3A_115, %cond3A_116 : i32
      scf.if %cond3A_117 {
        %add3A_181 = arith.constant 4 : i32
        %add3A_182 = arith.addi %add3A_101, %add3A_181 : i32
        %dma_start3A_183 = arith.constant 0 : i32
        %dma_start3A_184 = arith.constant 0 : i32
        %dma_start3A_185 = arith.constant 0 : i32
        %dma_start3A_186 = tpu.memref_slice %arg7[%dma_start3A_183, %dma_start3A_184, %dma_start3A_185] : memref<4x128x32xf32, #tpu.memory_space<vmem>> -> memref<1x128x32xf32, #tpu.memory_space<vmem>>
        %dma_start3A_187 = tpu.memref_squeeze %dma_start3A_186 : memref<1x128x32xf32, #tpu.memory_space<vmem>> -> memref<128x32xf32, #tpu.memory_space<vmem>>
        %dma_start3A_188 = arith.constant 0 : i32
        %dma_start3A_189 = tpu.memref_slice %arg5[%add3A_182, %dma_start3A_188] : memref<157x128xi32, #tpu.memory_space<vmem>> -> memref<1x128xi32, #tpu.memory_space<vmem>>
        %dma_start3A_190 = tpu.memref_squeeze %dma_start3A_189 : memref<1x128xi32, #tpu.memory_space<vmem>> -> memref<128xi32, #tpu.memory_space<vmem>>
        %dma_start3A_191 = arith.constant 0 : i32
        %dma_start3A_192 = arith.constant 0 : i32
        %dma_start3A_193 = tpu.memref_slice %arg9[%dma_start3A_191, %dma_start3A_192] : memref<10240x32xf32, #tpu.memory_space<vmem_shared>> -> memref<10240x32xf32, #tpu.memory_space<vmem_shared>>
        tpu.enqueue_indirect_dma source(%dma_start3A_193 : memref<10240x32xf32, #tpu.memory_space<vmem_shared>>) target(%dma_start3A_187 : memref<128x32xf32, #tpu.memory_space<vmem>>) offsets(%dma_start3A_190 : memref<128xi32, #tpu.memory_space<vmem>>) semaphore(%arg11 : memref<!tpu.dma_semaphore, #tpu.memory_space<semaphore_mem>>)
      } else {
      }
      %mul3A_118 = arith.constant 4 : i32
      %mul3A_119 = arith.muli %scan3A_97, %mul3A_118 : i32
      %add3A_120 = arith.constant 1 : i32
      %add3A_121 = arith.addi %mul3A_119, %add3A_120 : i32
      %dma_wait3A_122 = arith.constant 1 : i32
      %dma_wait3A_123 = arith.constant 0 : i32
      %dma_wait3A_124 = arith.constant 0 : i32
      %dma_wait3A_125 = tpu.memref_slice %arg7[%dma_wait3A_122, %dma_wait3A_123, %dma_wait3A_124] : memref<4x128x32xf32, #tpu.memory_space<vmem>> -> memref<1x128x32xf32, #tpu.memory_space<vmem>>
      %dma_wait3A_126 = tpu.memref_squeeze %dma_wait3A_125 : memref<1x128x32xf32, #tpu.memory_space<vmem>> -> memref<128x32xf32, #tpu.memory_space<vmem>>
      %dma_wait3A_127 = arith.constant 0 : i32
      %dma_wait3A_128 = tpu.memref_slice %arg5[%add3A_121, %dma_wait3A_127] : memref<157x128xi32, #tpu.memory_space<vmem>> -> memref<1x128xi32, #tpu.memory_space<vmem>>
      %dma_wait3A_129 = tpu.memref_squeeze %dma_wait3A_128 : memref<1x128xi32, #tpu.memory_space<vmem>> -> memref<128xi32, #tpu.memory_space<vmem>>
      %dma_wait3A_130 = arith.constant 0 : i32
      %dma_wait3A_131 = arith.constant 0 : i32
      %dma_wait3A_132 = tpu.memref_slice %arg9[%dma_wait3A_130, %dma_wait3A_131] : memref<10240x32xf32, #tpu.memory_space<vmem_shared>> -> memref<10240x32xf32, #tpu.memory_space<vmem_shared>>
      tpu.wait_indirect_dma semaphore(%arg12 : memref<!tpu.dma_semaphore, #tpu.memory_space<semaphore_mem>>) src(%dma_wait3A_132 : memref<10240x32xf32, #tpu.memory_space<vmem_shared>>) dst(%dma_wait3A_126 : memref<128x32xf32, #tpu.memory_space<vmem>>)
      %run_scoped3A_133 = arith.constant 1 : i32
      "tpu.region"() ({
        %run_scoped3A_181 = tpu.sem_alloc : memref<!tpu.dma_semaphore, #tpu.memory_space<semaphore_mem>>
        %dma_start3A_182 = arith.constant 0 : i32
        %dma_start3A_183 = arith.constant 0 : i32
        %dma_start3A_184 = tpu.memref_slice %arg7[%run_scoped3A_133, %dma_start3A_182, %dma_start3A_183] : memref<4x128x32xf32, #tpu.memory_space<vmem>> -> memref<1x128x32xf32, #tpu.memory_space<vmem>>
        %dma_start3A_185 = tpu.memref_squeeze %dma_start3A_184 : memref<1x128x32xf32, #tpu.memory_space<vmem>> -> memref<128x32xf32, #tpu.memory_space<vmem>>
        %dma_start3A_186 = arith.constant 0 : i32
        %dma_start3A_187 = tpu.memref_slice %arg6[%add3A_121, %dma_start3A_186] : memref<157x128xi32, #tpu.memory_space<vmem>> -> memref<1x128xi32, #tpu.memory_space<vmem>>
        %dma_start3A_188 = tpu.memref_squeeze %dma_start3A_187 : memref<1x128xi32, #tpu.memory_space<vmem>> -> memref<128xi32, #tpu.memory_space<vmem>>
        %dma_start3A_189 = arith.constant 0 : i32
        %dma_start3A_190 = arith.constant 0 : i32
        %dma_start3A_191 = tpu.memref_slice %arg10[%dma_start3A_189, %dma_start3A_190] : memref<10240x32xf32, #tpu.memory_space<vmem_shared>> -> memref<10240x32xf32, #tpu.memory_space<vmem_shared>>
        tpu.enqueue_indirect_dma source(%dma_start3A_185 : memref<128x32xf32, #tpu.memory_space<vmem>>) target(%dma_start3A_191 : memref<10240x32xf32, #tpu.memory_space<vmem_shared>>) offsets(%dma_start3A_188 : memref<128xi32, #tpu.memory_space<vmem>>) semaphore(%run_scoped3A_181 : memref<!tpu.dma_semaphore, #tpu.memory_space<semaphore_mem>>) {add = true}
        %dma_wait3A_192 = arith.constant 0 : i32
        %dma_wait3A_193 = arith.constant 0 : i32
        %dma_wait3A_194 = tpu.memref_slice %arg7[%run_scoped3A_133, %dma_wait3A_192, %dma_wait3A_193] : memref<4x128x32xf32, #tpu.memory_space<vmem>> -> memref<1x128x32xf32, #tpu.memory_space<vmem>>
        %dma_wait3A_195 = tpu.memref_squeeze %dma_wait3A_194 : memref<1x128x32xf32, #tpu.memory_space<vmem>> -> memref<128x32xf32, #tpu.memory_space<vmem>>
        %dma_wait3A_196 = arith.constant 0 : i32
        %dma_wait3A_197 = tpu.memref_slice %arg6[%add3A_121, %dma_wait3A_196] : memref<157x128xi32, #tpu.memory_space<vmem>> -> memref<1x128xi32, #tpu.memory_space<vmem>>
        %dma_wait3A_198 = tpu.memref_squeeze %dma_wait3A_197 : memref<1x128xi32, #tpu.memory_space<vmem>> -> memref<128xi32, #tpu.memory_space<vmem>>
        %dma_wait3A_199 = arith.constant 0 : i32
        %dma_wait3A_200 = arith.constant 0 : i32
        %dma_wait3A_201 = tpu.memref_slice %arg10[%dma_wait3A_199, %dma_wait3A_200] : memref<10240x32xf32, #tpu.memory_space<vmem_shared>> -> memref<10240x32xf32, #tpu.memory_space<vmem_shared>>
        tpu.wait_indirect_dma semaphore(%run_scoped3A_181 : memref<!tpu.dma_semaphore, #tpu.memory_space<semaphore_mem>>) src(%dma_wait3A_195 : memref<128x32xf32, #tpu.memory_space<vmem>>) dst(%dma_wait3A_201 : memref<10240x32xf32, #tpu.memory_space<vmem_shared>>)
        tpu.yield
      }) : () -> ()
      %lt3A_134 = arith.constant 38 : i32
      %lt3A_135 = arith.cmpi slt, %scan3A_97, %lt3A_134 : i32
      %convert_element_type3A_136 = arith.extui %lt3A_135 : i1 to i32
      %cond3A_137 = arith.constant 0 : i32
      %cond3A_138 = arith.cmpi ne, %convert_element_type3A_136, %cond3A_137 : i32
      scf.if %cond3A_138 {
        %add3A_181 = arith.constant 4 : i32
        %add3A_182 = arith.addi %add3A_121, %add3A_181 : i32
        %dma_start3A_183 = arith.constant 1 : i32
        %dma_start3A_184 = arith.constant 0 : i32
        %dma_start3A_185 = arith.constant 0 : i32
        %dma_start3A_186 = tpu.memref_slice %arg7[%dma_start3A_183, %dma_start3A_184, %dma_start3A_185] : memref<4x128x32xf32, #tpu.memory_space<vmem>> -> memref<1x128x32xf32, #tpu.memory_space<vmem>>
        %dma_start3A_187 = tpu.memref_squeeze %dma_start3A_186 : memref<1x128x32xf32, #tpu.memory_space<vmem>> -> memref<128x32xf32, #tpu.memory_space<vmem>>
        %dma_start3A_188 = arith.constant 0 : i32
        %dma_start3A_189 = tpu.memref_slice %arg5[%add3A_182, %dma_start3A_188] : memref<157x128xi32, #tpu.memory_space<vmem>> -> memref<1x128xi32, #tpu.memory_space<vmem>>
        %dma_start3A_190 = tpu.memref_squeeze %dma_start3A_189 : memref<1x128xi32, #tpu.memory_space<vmem>> -> memref<128xi32, #tpu.memory_space<vmem>>
        %dma_start3A_191 = arith.constant 0 : i32
        %dma_start3A_192 = arith.constant 0 : i32
        %dma_start3A_193 = tpu.memref_slice %arg9[%dma_start3A_191, %dma_start3A_192] : memref<10240x32xf32, #tpu.memory_space<vmem_shared>> -> memref<10240x32xf32, #tpu.memory_space<vmem_shared>>
        tpu.enqueue_indirect_dma source(%dma_start3A_193 : memref<10240x32xf32, #tpu.memory_space<vmem_shared>>) target(%dma_start3A_187 : memref<128x32xf32, #tpu.memory_space<vmem>>) offsets(%dma_start3A_190 : memref<128xi32, #tpu.memory_space<vmem>>) semaphore(%arg12 : memref<!tpu.dma_semaphore, #tpu.memory_space<semaphore_mem>>)
      } else {
      }
      %mul3A_139 = arith.constant 4 : i32
      %mul3A_140 = arith.muli %scan3A_97, %mul3A_139 : i32
      %add3A_141 = arith.constant 2 : i32
      %add3A_142 = arith.addi %mul3A_140, %add3A_141 : i32
      %dma_wait3A_143 = arith.constant 2 : i32
      %dma_wait3A_144 = arith.constant 0 : i32
      %dma_wait3A_145 = arith.constant 0 : i32
      %dma_wait3A_146 = tpu.memref_slice %arg7[%dma_wait3A_143, %dma_wait3A_144, %dma_wait3A_145] : memref<4x128x32xf32, #tpu.memory_space<vmem>> -> memref<1x128x32xf32, #tpu.memory_space<vmem>>
      %dma_wait3A_147 = tpu.memref_squeeze %dma_wait3A_146 : memref<1x128x32xf32, #tpu.memory_space<vmem>> -> memref<128x32xf32, #tpu.memory_space<vmem>>
      %dma_wait3A_148 = arith.constant 0 : i32
      %dma_wait3A_149 = tpu.memref_slice %arg5[%add3A_142, %dma_wait3A_148] : memref<157x128xi32, #tpu.memory_space<vmem>> -> memref<1x128xi32, #tpu.memory_space<vmem>>
      %dma_wait3A_150 = tpu.memref_squeeze %dma_wait3A_149 : memref<1x128xi32, #tpu.memory_space<vmem>> -> memref<128xi32, #tpu.memory_space<vmem>>
      %dma_wait3A_151 = arith.constant 0 : i32
      %dma_wait3A_152 = arith.constant 0 : i32
      %dma_wait3A_153 = tpu.memref_slice %arg9[%dma_wait3A_151, %dma_wait3A_152] : memref<10240x32xf32, #tpu.memory_space<vmem_shared>> -> memref<10240x32xf32, #tpu.memory_space<vmem_shared>>
      tpu.wait_indirect_dma semaphore(%arg13 : memref<!tpu.dma_semaphore, #tpu.memory_space<semaphore_mem>>) src(%dma_wait3A_153 : memref<10240x32xf32, #tpu.memory_space<vmem_shared>>) dst(%dma_wait3A_147 : memref<128x32xf32, #tpu.memory_space<vmem>>)
      %run_scoped3A_154 = arith.constant 2 : i32
      "tpu.region"() ({
        %run_scoped3A_181 = tpu.sem_alloc : memref<!tpu.dma_semaphore, #tpu.memory_space<semaphore_mem>>
        %dma_start3A_182 = arith.constant 0 : i32
        %dma_start3A_183 = arith.constant 0 : i32
        %dma_start3A_184 = tpu.memref_slice %arg7[%run_scoped3A_154, %dma_start3A_182, %dma_start3A_183] : memref<4x128x32xf32, #tpu.memory_space<vmem>> -> memref<1x128x32xf32, #tpu.memory_space<vmem>>
        %dma_start3A_185 = tpu.memref_squeeze %dma_start3A_184 : memref<1x128x32xf32, #tpu.memory_space<vmem>> -> memref<128x32xf32, #tpu.memory_space<vmem>>
        %dma_start3A_186 = arith.constant 0 : i32
        %dma_start3A_187 = tpu.memref_slice %arg6[%add3A_142, %dma_start3A_186] : memref<157x128xi32, #tpu.memory_space<vmem>> -> memref<1x128xi32, #tpu.memory_space<vmem>>
        %dma_start3A_188 = tpu.memref_squeeze %dma_start3A_187 : memref<1x128xi32, #tpu.memory_space<vmem>> -> memref<128xi32, #tpu.memory_space<vmem>>
        %dma_start3A_189 = arith.constant 0 : i32
        %dma_start3A_190 = arith.constant 0 : i32
        %dma_start3A_191 = tpu.memref_slice %arg10[%dma_start3A_189, %dma_start3A_190] : memref<10240x32xf32, #tpu.memory_space<vmem_shared>> -> memref<10240x32xf32, #tpu.memory_space<vmem_shared>>
        tpu.enqueue_indirect_dma source(%dma_start3A_185 : memref<128x32xf32, #tpu.memory_space<vmem>>) target(%dma_start3A_191 : memref<10240x32xf32, #tpu.memory_space<vmem_shared>>) offsets(%dma_start3A_188 : memref<128xi32, #tpu.memory_space<vmem>>) semaphore(%run_scoped3A_181 : memref<!tpu.dma_semaphore, #tpu.memory_space<semaphore_mem>>) {add = true}
        %dma_wait3A_192 = arith.constant 0 : i32
        %dma_wait3A_193 = arith.constant 0 : i32
        %dma_wait3A_194 = tpu.memref_slice %arg7[%run_scoped3A_154, %dma_wait3A_192, %dma_wait3A_193] : memref<4x128x32xf32, #tpu.memory_space<vmem>> -> memref<1x128x32xf32, #tpu.memory_space<vmem>>
        %dma_wait3A_195 = tpu.memref_squeeze %dma_wait3A_194 : memref<1x128x32xf32, #tpu.memory_space<vmem>> -> memref<128x32xf32, #tpu.memory_space<vmem>>
        %dma_wait3A_196 = arith.constant 0 : i32
        %dma_wait3A_197 = tpu.memref_slice %arg6[%add3A_142, %dma_wait3A_196] : memref<157x128xi32, #tpu.memory_space<vmem>> -> memref<1x128xi32, #tpu.memory_space<vmem>>
        %dma_wait3A_198 = tpu.memref_squeeze %dma_wait3A_197 : memref<1x128xi32, #tpu.memory_space<vmem>> -> memref<128xi32, #tpu.memory_space<vmem>>
        %dma_wait3A_199 = arith.constant 0 : i32
        %dma_wait3A_200 = arith.constant 0 : i32
        %dma_wait3A_201 = tpu.memref_slice %arg10[%dma_wait3A_199, %dma_wait3A_200] : memref<10240x32xf32, #tpu.memory_space<vmem_shared>> -> memref<10240x32xf32, #tpu.memory_space<vmem_shared>>
        tpu.wait_indirect_dma semaphore(%run_scoped3A_181 : memref<!tpu.dma_semaphore, #tpu.memory_space<semaphore_mem>>) src(%dma_wait3A_195 : memref<128x32xf32, #tpu.memory_space<vmem>>) dst(%dma_wait3A_201 : memref<10240x32xf32, #tpu.memory_space<vmem_shared>>)
        tpu.yield
      }) : () -> ()
      %lt3A_155 = arith.constant 38 : i32
      %lt3A_156 = arith.cmpi slt, %scan3A_97, %lt3A_155 : i32
      %convert_element_type3A_157 = arith.extui %lt3A_156 : i1 to i32
      %cond3A_158 = arith.constant 0 : i32
      %cond3A_159 = arith.cmpi ne, %convert_element_type3A_157, %cond3A_158 : i32
      scf.if %cond3A_159 {
        %add3A_181 = arith.constant 4 : i32
        %add3A_182 = arith.addi %add3A_142, %add3A_181 : i32
        %dma_start3A_183 = arith.constant 2 : i32
        %dma_start3A_184 = arith.constant 0 : i32
        %dma_start3A_185 = arith.constant 0 : i32
        %dma_start3A_186 = tpu.memref_slice %arg7[%dma_start3A_183, %dma_start3A_184, %dma_start3A_185] : memref<4x128x32xf32, #tpu.memory_space<vmem>> -> memref<1x128x32xf32, #tpu.memory_space<vmem>>
        %dma_start3A_187 = tpu.memref_squeeze %dma_start3A_186 : memref<1x128x32xf32, #tpu.memory_space<vmem>> -> memref<128x32xf32, #tpu.memory_space<vmem>>
        %dma_start3A_188 = arith.constant 0 : i32
        %dma_start3A_189 = tpu.memref_slice %arg5[%add3A_182, %dma_start3A_188] : memref<157x128xi32, #tpu.memory_space<vmem>> -> memref<1x128xi32, #tpu.memory_space<vmem>>
        %dma_start3A_190 = tpu.memref_squeeze %dma_start3A_189 : memref<1x128xi32, #tpu.memory_space<vmem>> -> memref<128xi32, #tpu.memory_space<vmem>>
        %dma_start3A_191 = arith.constant 0 : i32
        %dma_start3A_192 = arith.constant 0 : i32
        %dma_start3A_193 = tpu.memref_slice %arg9[%dma_start3A_191, %dma_start3A_192] : memref<10240x32xf32, #tpu.memory_space<vmem_shared>> -> memref<10240x32xf32, #tpu.memory_space<vmem_shared>>
        tpu.enqueue_indirect_dma source(%dma_start3A_193 : memref<10240x32xf32, #tpu.memory_space<vmem_shared>>) target(%dma_start3A_187 : memref<128x32xf32, #tpu.memory_space<vmem>>) offsets(%dma_start3A_190 : memref<128xi32, #tpu.memory_space<vmem>>) semaphore(%arg13 : memref<!tpu.dma_semaphore, #tpu.memory_space<semaphore_mem>>)
      } else {
      }
      %mul3A_160 = arith.constant 4 : i32
      %mul3A_161 = arith.muli %scan3A_97, %mul3A_160 : i32
      %add3A_162 = arith.constant 3 : i32
      %add3A_163 = arith.addi %mul3A_161, %add3A_162 : i32
      %dma_wait3A_164 = arith.constant 3 : i32
      %dma_wait3A_165 = arith.constant 0 : i32
      %dma_wait3A_166 = arith.constant 0 : i32
      %dma_wait3A_167 = tpu.memref_slice %arg7[%dma_wait3A_164, %dma_wait3A_165, %dma_wait3A_166] : memref<4x128x32xf32, #tpu.memory_space<vmem>> -> memref<1x128x32xf32, #tpu.memory_space<vmem>>
      %dma_wait3A_168 = tpu.memref_squeeze %dma_wait3A_167 : memref<1x128x32xf32, #tpu.memory_space<vmem>> -> memref<128x32xf32, #tpu.memory_space<vmem>>
      %dma_wait3A_169 = arith.constant 0 : i32
      %dma_wait3A_170 = tpu.memref_slice %arg5[%add3A_163, %dma_wait3A_169] : memref<157x128xi32, #tpu.memory_space<vmem>> -> memref<1x128xi32, #tpu.memory_space<vmem>>
      %dma_wait3A_171 = tpu.memref_squeeze %dma_wait3A_170 : memref<1x128xi32, #tpu.memory_space<vmem>> -> memref<128xi32, #tpu.memory_space<vmem>>
      %dma_wait3A_172 = arith.constant 0 : i32
      %dma_wait3A_173 = arith.constant 0 : i32
      %dma_wait3A_174 = tpu.memref_slice %arg9[%dma_wait3A_172, %dma_wait3A_173] : memref<10240x32xf32, #tpu.memory_space<vmem_shared>> -> memref<10240x32xf32, #tpu.memory_space<vmem_shared>>
      tpu.wait_indirect_dma semaphore(%arg14 : memref<!tpu.dma_semaphore, #tpu.memory_space<semaphore_mem>>) src(%dma_wait3A_174 : memref<10240x32xf32, #tpu.memory_space<vmem_shared>>) dst(%dma_wait3A_168 : memref<128x32xf32, #tpu.memory_space<vmem>>)
      %run_scoped3A_175 = arith.constant 3 : i32
      "tpu.region"() ({
        %run_scoped3A_181 = tpu.sem_alloc : memref<!tpu.dma_semaphore, #tpu.memory_space<semaphore_mem>>
        %dma_start3A_182 = arith.constant 0 : i32
        %dma_start3A_183 = arith.constant 0 : i32
        %dma_start3A_184 = tpu.memref_slice %arg7[%run_scoped3A_175, %dma_start3A_182, %dma_start3A_183] : memref<4x128x32xf32, #tpu.memory_space<vmem>> -> memref<1x128x32xf32, #tpu.memory_space<vmem>>
        %dma_start3A_185 = tpu.memref_squeeze %dma_start3A_184 : memref<1x128x32xf32, #tpu.memory_space<vmem>> -> memref<128x32xf32, #tpu.memory_space<vmem>>
        %dma_start3A_186 = arith.constant 0 : i32
        %dma_start3A_187 = tpu.memref_slice %arg6[%add3A_163, %dma_start3A_186] : memref<157x128xi32, #tpu.memory_space<vmem>> -> memref<1x128xi32, #tpu.memory_space<vmem>>
        %dma_start3A_188 = tpu.memref_squeeze %dma_start3A_187 : memref<1x128xi32, #tpu.memory_space<vmem>> -> memref<128xi32, #tpu.memory_space<vmem>>
        %dma_start3A_189 = arith.constant 0 : i32
        %dma_start3A_190 = arith.constant 0 : i32
        %dma_start3A_191 = tpu.memref_slice %arg10[%dma_start3A_189, %dma_start3A_190] : memref<10240x32xf32, #tpu.memory_space<vmem_shared>> -> memref<10240x32xf32, #tpu.memory_space<vmem_shared>>
        tpu.enqueue_indirect_dma source(%dma_start3A_185 : memref<128x32xf32, #tpu.memory_space<vmem>>) target(%dma_start3A_191 : memref<10240x32xf32, #tpu.memory_space<vmem_shared>>) offsets(%dma_start3A_188 : memref<128xi32, #tpu.memory_space<vmem>>) semaphore(%run_scoped3A_181 : memref<!tpu.dma_semaphore, #tpu.memory_space<semaphore_mem>>) {add = true}
        %dma_wait3A_192 = arith.constant 0 : i32
        %dma_wait3A_193 = arith.constant 0 : i32
        %dma_wait3A_194 = tpu.memref_slice %arg7[%run_scoped3A_175, %dma_wait3A_192, %dma_wait3A_193] : memref<4x128x32xf32, #tpu.memory_space<vmem>> -> memref<1x128x32xf32, #tpu.memory_space<vmem>>
        %dma_wait3A_195 = tpu.memref_squeeze %dma_wait3A_194 : memref<1x128x32xf32, #tpu.memory_space<vmem>> -> memref<128x32xf32, #tpu.memory_space<vmem>>
        %dma_wait3A_196 = arith.constant 0 : i32
        %dma_wait3A_197 = tpu.memref_slice %arg6[%add3A_163, %dma_wait3A_196] : memref<157x128xi32, #tpu.memory_space<vmem>> -> memref<1x128xi32, #tpu.memory_space<vmem>>
        %dma_wait3A_198 = tpu.memref_squeeze %dma_wait3A_197 : memref<1x128xi32, #tpu.memory_space<vmem>> -> memref<128xi32, #tpu.memory_space<vmem>>
        %dma_wait3A_199 = arith.constant 0 : i32
        %dma_wait3A_200 = arith.constant 0 : i32
        %dma_wait3A_201 = tpu.memref_slice %arg10[%dma_wait3A_199, %dma_wait3A_200] : memref<10240x32xf32, #tpu.memory_space<vmem_shared>> -> memref<10240x32xf32, #tpu.memory_space<vmem_shared>>
        tpu.wait_indirect_dma semaphore(%run_scoped3A_181 : memref<!tpu.dma_semaphore, #tpu.memory_space<semaphore_mem>>) src(%dma_wait3A_195 : memref<128x32xf32, #tpu.memory_space<vmem>>) dst(%dma_wait3A_201 : memref<10240x32xf32, #tpu.memory_space<vmem_shared>>)
        tpu.yield
      }) : () -> ()
      %lt3A_176 = arith.constant 38 : i32
      %lt3A_177 = arith.cmpi slt, %scan3A_97, %lt3A_176 : i32
      %convert_element_type3A_178 = arith.extui %lt3A_177 : i1 to i32
      %cond3A_179 = arith.constant 0 : i32
      %cond3A_180 = arith.cmpi ne, %convert_element_type3A_178, %cond3A_179 : i32
      scf.if %cond3A_180 {
        %add3A_181 = arith.constant 4 : i32
        %add3A_182 = arith.addi %add3A_163, %add3A_181 : i32
        %dma_start3A_183 = arith.constant 3 : i32
        %dma_start3A_184 = arith.constant 0 : i32
        %dma_start3A_185 = arith.constant 0 : i32
        %dma_start3A_186 = tpu.memref_slice %arg7[%dma_start3A_183, %dma_start3A_184, %dma_start3A_185] : memref<4x128x32xf32, #tpu.memory_space<vmem>> -> memref<1x128x32xf32, #tpu.memory_space<vmem>>
        %dma_start3A_187 = tpu.memref_squeeze %dma_start3A_186 : memref<1x128x32xf32, #tpu.memory_space<vmem>> -> memref<128x32xf32, #tpu.memory_space<vmem>>
        %dma_start3A_188 = arith.constant 0 : i32
        %dma_start3A_189 = tpu.memref_slice %arg5[%add3A_182, %dma_start3A_188] : memref<157x128xi32, #tpu.memory_space<vmem>> -> memref<1x128xi32, #tpu.memory_space<vmem>>
        %dma_start3A_190 = tpu.memref_squeeze %dma_start3A_189 : memref<1x128xi32, #tpu.memory_space<vmem>> -> memref<128xi32, #tpu.memory_space<vmem>>
        %dma_start3A_191 = arith.constant 0 : i32
        %dma_start3A_192 = arith.constant 0 : i32
        %dma_start3A_193 = tpu.memref_slice %arg9[%dma_start3A_191, %dma_start3A_192] : memref<10240x32xf32, #tpu.memory_space<vmem_shared>> -> memref<10240x32xf32, #tpu.memory_space<vmem_shared>>
        tpu.enqueue_indirect_dma source(%dma_start3A_193 : memref<10240x32xf32, #tpu.memory_space<vmem_shared>>) target(%dma_start3A_187 : memref<128x32xf32, #tpu.memory_space<vmem>>) offsets(%dma_start3A_190 : memref<128xi32, #tpu.memory_space<vmem>>) semaphore(%arg14 : memref<!tpu.dma_semaphore, #tpu.memory_space<semaphore_mem>>)
      } else {
      }
    }
    %scan3A_74 = arith.constant 39 : i32
    %lt3A_75 = arith.constant 4 : i32
    %lt3A_76 = arith.cmpi slt, %arg1, %lt3A_75 : i32
    %convert_element_type3A_77 = arith.extui %lt3A_76 : i1 to i32
    %cond3A_78 = arith.constant 0 : i32
    %cond3A_79 = arith.cmpi ne, %convert_element_type3A_77, %cond3A_78 : i32
    scf.if %cond3A_79 {
      %dma_start3A_97 = arith.constant 156 : i32
      %dma_start3A_98 = arith.constant 0 : i32
      %dma_start3A_99 = arith.constant 0 : i32
      %dma_start3A_100 = arith.constant 0 : i32
      %dma_start3A_101 = tpu.memref_slice %arg7[%dma_start3A_98, %dma_start3A_99, %dma_start3A_100] : memref<4x128x32xf32, #tpu.memory_space<vmem>> -> memref<1x128x32xf32, #tpu.memory_space<vmem>>
      %dma_start3A_102 = tpu.memref_squeeze %dma_start3A_101 : memref<1x128x32xf32, #tpu.memory_space<vmem>> -> memref<128x32xf32, #tpu.memory_space<vmem>>
      %dma_start3A_103 = arith.constant 0 : i32
      %dma_start3A_104 = tpu.memref_slice %arg5[%dma_start3A_97, %dma_start3A_103] : memref<157x128xi32, #tpu.memory_space<vmem>> -> memref<1x128xi32, #tpu.memory_space<vmem>>
      %dma_start3A_105 = tpu.memref_squeeze %dma_start3A_104 : memref<1x128xi32, #tpu.memory_space<vmem>> -> memref<128xi32, #tpu.memory_space<vmem>>
      %dma_start3A_106 = arith.constant 0 : i32
      %dma_start3A_107 = arith.constant 0 : i32
      %dma_start3A_108 = tpu.memref_slice %arg9[%dma_start3A_106, %dma_start3A_107] : memref<10240x32xf32, #tpu.memory_space<vmem_shared>> -> memref<10240x32xf32, #tpu.memory_space<vmem_shared>>
      tpu.enqueue_indirect_dma source(%dma_start3A_108 : memref<10240x32xf32, #tpu.memory_space<vmem_shared>>) target(%dma_start3A_102 : memref<128x32xf32, #tpu.memory_space<vmem>>) offsets(%dma_start3A_105 : memref<128xi32, #tpu.memory_space<vmem>>) semaphore(%arg11 : memref<!tpu.dma_semaphore, #tpu.memory_space<semaphore_mem>>)
      %dma_wait3A = arith.constant 156 : i32
      %dma_wait3A_109 = arith.constant 0 : i32
      %dma_wait3A_110 = arith.constant 0 : i32
      %dma_wait3A_111 = arith.constant 0 : i32
      %dma_wait3A_112 = tpu.memref_slice %arg7[%dma_wait3A_109, %dma_wait3A_110, %dma_wait3A_111] : memref<4x128x32xf32, #tpu.memory_space<vmem>> -> memref<1x128x32xf32, #tpu.memory_space<vmem>>
      %dma_wait3A_113 = tpu.memref_squeeze %dma_wait3A_112 : memref<1x128x32xf32, #tpu.memory_space<vmem>> -> memref<128x32xf32, #tpu.memory_space<vmem>>
      %dma_wait3A_114 = arith.constant 0 : i32
      %dma_wait3A_115 = tpu.memref_slice %arg5[%dma_wait3A, %dma_wait3A_114] : memref<157x128xi32, #tpu.memory_space<vmem>> -> memref<1x128xi32, #tpu.memory_space<vmem>>
      %dma_wait3A_116 = tpu.memref_squeeze %dma_wait3A_115 : memref<1x128xi32, #tpu.memory_space<vmem>> -> memref<128xi32, #tpu.memory_space<vmem>>
      %dma_wait3A_117 = arith.constant 0 : i32
      %dma_wait3A_118 = arith.constant 0 : i32
      %dma_wait3A_119 = tpu.memref_slice %arg9[%dma_wait3A_117, %dma_wait3A_118] : memref<10240x32xf32, #tpu.memory_space<vmem_shared>> -> memref<10240x32xf32, #tpu.memory_space<vmem_shared>>
      tpu.wait_indirect_dma semaphore(%arg11 : memref<!tpu.dma_semaphore, #tpu.memory_space<semaphore_mem>>) src(%dma_wait3A_119 : memref<10240x32xf32, #tpu.memory_space<vmem_shared>>) dst(%dma_wait3A_113 : memref<128x32xf32, #tpu.memory_space<vmem>>)
      %run_scoped3A_120 = arith.constant 0 : i32
      %run_scoped3A_121 = arith.constant 156 : i32
      "tpu.region"() ({
        %run_scoped3A_122 = tpu.sem_alloc : memref<!tpu.dma_semaphore, #tpu.memory_space<semaphore_mem>>
        %dma_start3A_123 = arith.constant 0 : i32
        %dma_start3A_124 = arith.constant 0 : i32
        %dma_start3A_125 = tpu.memref_slice %arg7[%run_scoped3A_120, %dma_start3A_123, %dma_start3A_124] : memref<4x128x32xf32, #tpu.memory_space<vmem>> -> memref<1x128x32xf32, #tpu.memory_space<vmem>>
        %dma_start3A_126 = tpu.memref_squeeze %dma_start3A_125 : memref<1x128x32xf32, #tpu.memory_space<vmem>> -> memref<128x32xf32, #tpu.memory_space<vmem>>
        %dma_start3A_127 = arith.constant 0 : i32
        %dma_start3A_128 = tpu.memref_slice %arg6[%run_scoped3A_121, %dma_start3A_127] : memref<157x128xi32, #tpu.memory_space<vmem>> -> memref<1x128xi32, #tpu.memory_space<vmem>>
        %dma_start3A_129 = tpu.memref_squeeze %dma_start3A_128 : memref<1x128xi32, #tpu.memory_space<vmem>> -> memref<128xi32, #tpu.memory_space<vmem>>
        %dma_start3A_130 = arith.constant 0 : i32
        %dma_start3A_131 = arith.constant 0 : i32
        %dma_start3A_132 = tpu.memref_slice %arg10[%dma_start3A_130, %dma_start3A_131] : memref<10240x32xf32, #tpu.memory_space<vmem_shared>> -> memref<10240x32xf32, #tpu.memory_space<vmem_shared>>
        tpu.enqueue_indirect_dma source(%dma_start3A_126 : memref<128x32xf32, #tpu.memory_space<vmem>>) target(%dma_start3A_132 : memref<10240x32xf32, #tpu.memory_space<vmem_shared>>) offsets(%dma_start3A_129 : memref<128xi32, #tpu.memory_space<vmem>>) semaphore(%run_scoped3A_122 : memref<!tpu.dma_semaphore, #tpu.memory_space<semaphore_mem>>) {add = true}
        %dma_wait3A_133 = arith.constant 0 : i32
        %dma_wait3A_134 = arith.constant 0 : i32
        %dma_wait3A_135 = tpu.memref_slice %arg7[%run_scoped3A_120, %dma_wait3A_133, %dma_wait3A_134] : memref<4x128x32xf32, #tpu.memory_space<vmem>> -> memref<1x128x32xf32, #tpu.memory_space<vmem>>
        %dma_wait3A_136 = tpu.memref_squeeze %dma_wait3A_135 : memref<1x128x32xf32, #tpu.memory_space<vmem>> -> memref<128x32xf32, #tpu.memory_space<vmem>>
        %dma_wait3A_137 = arith.constant 0 : i32
        %dma_wait3A_138 = tpu.memref_slice %arg6[%run_scoped3A_121, %dma_wait3A_137] : memref<157x128xi32, #tpu.memory_space<vmem>> -> memref<1x128xi32, #tpu.memory_space<vmem>>
        %dma_wait3A_139 = tpu.memref_squeeze %dma_wait3A_138 : memref<1x128xi32, #tpu.memory_space<vmem>> -> memref<128xi32, #tpu.memory_space<vmem>>
        %dma_wait3A_140 = arith.constant 0 : i32
        %dma_wait3A_141 = arith.constant 0 : i32
        %dma_wait3A_142 = tpu.memref_slice %arg10[%dma_wait3A_140, %dma_wait3A_141] : memref<10240x32xf32, #tpu.memory_space<vmem_shared>> -> memref<10240x32xf32, #tpu.memory_space<vmem_shared>>
        tpu.wait_indirect_dma semaphore(%run_scoped3A_122 : memref<!tpu.dma_semaphore, #tpu.memory_space<semaphore_mem>>) src(%dma_wait3A_136 : memref<128x32xf32, #tpu.memory_space<vmem>>) dst(%dma_wait3A_142 : memref<10240x32xf32, #tpu.memory_space<vmem_shared>>)
        tpu.yield
      }) : () -> ()
    } else {
    }
    %barrier3A_80 = arith.constant 0 : index
    tpu.barrier barrier_id(%barrier3A_80)
    %mul3A_81 = arith.constant 640 : i32
    %mul3A_82 = arith.muli %arg1, %mul3A_81 : i32
    %add3A_83 = arith.constant 0 : i32
    %add3A_84 = arith.addi %mul3A_82, %add3A_83 : i32
    "tpu.region"() ({
      %run_scoped3A_97 = tpu.sem_alloc : memref<!tpu.dma_semaphore, #tpu.memory_space<semaphore_mem>>
      %dma_start3A_98 = arith.constant 0 : i32
      %dma_start3A_99 = tpu.memref_slice %arg10[%add3A_84, %dma_start3A_98] : memref<10240x32xf32, #tpu.memory_space<vmem_shared>> -> memref<320x32xf32, #tpu.memory_space<vmem_shared>>
      %dma_start3A_100 = arith.constant 0 : i32
      %dma_start3A_101 = tpu.memref_slice %arg10[%add3A_84, %dma_start3A_100] : memref<10240x32xf32, #tpu.memory_space<vmem_shared>> -> memref<320x32xf32, #tpu.memory_space<vmem_shared>>
      tpu.enqueue_dma source(%dma_start3A_101 : memref<320x32xf32, #tpu.memory_space<vmem_shared>>) target(%arg8 : memref<320x32xf32, #tpu.memory_space<vmem>>) target_semaphore(%run_scoped3A_97 : memref<!tpu.dma_semaphore, #tpu.memory_space<semaphore_mem>>)
      %dma_wait3A = arith.constant 0 : i32
      %dma_wait3A_102 = tpu.memref_slice %arg10[%add3A_84, %dma_wait3A] : memref<10240x32xf32, #tpu.memory_space<vmem_shared>> -> memref<320x32xf32, #tpu.memory_space<vmem_shared>>
      %dma_wait3A_103 = arith.constant 0 : i32
      %dma_wait3A_104 = tpu.memref_slice %arg10[%add3A_84, %dma_wait3A_103] : memref<10240x32xf32, #tpu.memory_space<vmem_shared>> -> memref<320x32xf32, #tpu.memory_space<vmem_shared>>
      tpu.wait_dma2 semaphore(%run_scoped3A_97 : memref<!tpu.dma_semaphore, #tpu.memory_space<semaphore_mem>>) src(%dma_wait3A_104 : memref<320x32xf32, #tpu.memory_space<vmem_shared>>) dst(%arg8 : memref<320x32xf32, #tpu.memory_space<vmem>>)
      tpu.yield
    }) : () -> ()
    %mul3A_85 = arith.constant 640 : i32
    %mul3A_86 = arith.muli %arg1, %mul3A_85 : i32
    %add3A_87 = arith.constant 0 : i32
    %add3A_88 = arith.addi %mul3A_86, %add3A_87 : i32
    "tpu.region"() ({
      %run_scoped3A_97 = tpu.sem_alloc : memref<!tpu.dma_semaphore, #tpu.memory_space<semaphore_mem>>
      %dma_start3A_98 = arith.constant 0 : i32
      %dma_start3A_99 = tpu.memref_slice %arg4[%arg0, %add3A_88, %dma_start3A_98] : memref<2x10240x32xf32, #tpu.memory_space<hbm>> -> memref<1x320x32xf32, #tpu.memory_space<hbm>>
      %dma_start3A_100 = tpu.memref_squeeze %dma_start3A_99 : memref<1x320x32xf32, #tpu.memory_space<hbm>> -> memref<320x32xf32, #tpu.memory_space<hbm>>
      %dma_start3A_101 = arith.constant 0 : i32
      %dma_start3A_102 = tpu.memref_slice %arg4[%arg0, %add3A_88, %dma_start3A_101] : memref<2x10240x32xf32, #tpu.memory_space<hbm>> -> memref<1x320x32xf32, #tpu.memory_space<hbm>>
      %dma_start3A_103 = tpu.memref_squeeze %dma_start3A_102 : memref<1x320x32xf32, #tpu.memory_space<hbm>> -> memref<320x32xf32, #tpu.memory_space<hbm>>
      tpu.enqueue_dma source(%arg8 : memref<320x32xf32, #tpu.memory_space<vmem>>) target(%dma_start3A_103 : memref<320x32xf32, #tpu.memory_space<hbm>>) target_semaphore(%run_scoped3A_97 : memref<!tpu.dma_semaphore, #tpu.memory_space<semaphore_mem>>)
      %dma_wait3A = arith.constant 0 : i32
      %dma_wait3A_104 = tpu.memref_slice %arg4[%arg0, %add3A_88, %dma_wait3A] : memref<2x10240x32xf32, #tpu.memory_space<hbm>> -> memref<1x320x32xf32, #tpu.memory_space<hbm>>
      %dma_wait3A_105 = tpu.memref_squeeze %dma_wait3A_104 : memref<1x320x32xf32, #tpu.memory_space<hbm>> -> memref<320x32xf32, #tpu.memory_space<hbm>>
      %dma_wait3A_106 = arith.constant 0 : i32
      %dma_wait3A_107 = tpu.memref_slice %arg4[%arg0, %add3A_88, %dma_wait3A_106] : memref<2x10240x32xf32, #tpu.memory_space<hbm>> -> memref<1x320x32xf32, #tpu.memory_space<hbm>>
      %dma_wait3A_108 = tpu.memref_squeeze %dma_wait3A_107 : memref<1x320x32xf32, #tpu.memory_space<hbm>> -> memref<320x32xf32, #tpu.memory_space<hbm>>
      tpu.wait_dma2 semaphore(%run_scoped3A_97 : memref<!tpu.dma_semaphore, #tpu.memory_space<semaphore_mem>>) src(%arg8 : memref<320x32xf32, #tpu.memory_space<vmem>>) dst(%dma_wait3A_108 : memref<320x32xf32, #tpu.memory_space<hbm>>)
      tpu.yield
    }) : () -> ()
    %mul3A_89 = arith.constant 640 : i32
    %mul3A_90 = arith.muli %arg1, %mul3A_89 : i32
    %add3A_91 = arith.constant 320 : i32
    %add3A_92 = arith.addi %mul3A_90, %add3A_91 : i32
    "tpu.region"() ({
      %run_scoped3A_97 = tpu.sem_alloc : memref<!tpu.dma_semaphore, #tpu.memory_space<semaphore_mem>>
      %dma_start3A_98 = arith.constant 0 : i32
      %dma_start3A_99 = tpu.memref_slice %arg10[%add3A_92, %dma_start3A_98] : memref<10240x32xf32, #tpu.memory_space<vmem_shared>> -> memref<320x32xf32, #tpu.memory_space<vmem_shared>>
      %dma_start3A_100 = arith.constant 0 : i32
      %dma_start3A_101 = tpu.memref_slice %arg10[%add3A_92, %dma_start3A_100] : memref<10240x32xf32, #tpu.memory_space<vmem_shared>> -> memref<320x32xf32, #tpu.memory_space<vmem_shared>>
      tpu.enqueue_dma source(%dma_start3A_101 : memref<320x32xf32, #tpu.memory_space<vmem_shared>>) target(%arg8 : memref<320x32xf32, #tpu.memory_space<vmem>>) target_semaphore(%run_scoped3A_97 : memref<!tpu.dma_semaphore, #tpu.memory_space<semaphore_mem>>)
      %dma_wait3A = arith.constant 0 : i32
      %dma_wait3A_102 = tpu.memref_slice %arg10[%add3A_92, %dma_wait3A] : memref<10240x32xf32, #tpu.memory_space<vmem_shared>> -> memref<320x32xf32, #tpu.memory_space<vmem_shared>>
      %dma_wait3A_103 = arith.constant 0 : i32
      %dma_wait3A_104 = tpu.memref_slice %arg10[%add3A_92, %dma_wait3A_103] : memref<10240x32xf32, #tpu.memory_space<vmem_shared>> -> memref<320x32xf32, #tpu.memory_space<vmem_shared>>
      tpu.wait_dma2 semaphore(%run_scoped3A_97 : memref<!tpu.dma_semaphore, #tpu.memory_space<semaphore_mem>>) src(%dma_wait3A_104 : memref<320x32xf32, #tpu.memory_space<vmem_shared>>) dst(%arg8 : memref<320x32xf32, #tpu.memory_space<vmem>>)
      tpu.yield
    }) : () -> ()
    %mul3A_93 = arith.constant 640 : i32
    %mul3A_94 = arith.muli %arg1, %mul3A_93 : i32
    %add3A_95 = arith.constant 320 : i32
    %add3A_96 = arith.addi %mul3A_94, %add3A_95 : i32
    "tpu.region"() ({
      %run_scoped3A_97 = tpu.sem_alloc : memref<!tpu.dma_semaphore, #tpu.memory_space<semaphore_mem>>
      %dma_start3A_98 = arith.constant 0 : i32
      %dma_start3A_99 = tpu.memref_slice %arg4[%arg0, %add3A_96, %dma_start3A_98] : memref<2x10240x32xf32, #tpu.memory_space<hbm>> -> memref<1x320x32xf32, #tpu.memory_space<hbm>>
      %dma_start3A_100 = tpu.memref_squeeze %dma_start3A_99 : memref<1x320x32xf32, #tpu.memory_space<hbm>> -> memref<320x32xf32, #tpu.memory_space<hbm>>
      %dma_start3A_101 = arith.constant 0 : i32
      %dma_start3A_102 = tpu.memref_slice %arg4[%arg0, %add3A_96, %dma_start3A_101] : memref<2x10240x32xf32, #tpu.memory_space<hbm>> -> memref<1x320x32xf32, #tpu.memory_space<hbm>>
      %dma_start3A_103 = tpu.memref_squeeze %dma_start3A_102 : memref<1x320x32xf32, #tpu.memory_space<hbm>> -> memref<320x32xf32, #tpu.memory_space<hbm>>
      tpu.enqueue_dma source(%arg8 : memref<320x32xf32, #tpu.memory_space<vmem>>) target(%dma_start3A_103 : memref<320x32xf32, #tpu.memory_space<hbm>>) target_semaphore(%run_scoped3A_97 : memref<!tpu.dma_semaphore, #tpu.memory_space<semaphore_mem>>)
      %dma_wait3A = arith.constant 0 : i32
      %dma_wait3A_104 = tpu.memref_slice %arg4[%arg0, %add3A_96, %dma_wait3A] : memref<2x10240x32xf32, #tpu.memory_space<hbm>> -> memref<1x320x32xf32, #tpu.memory_space<hbm>>
      %dma_wait3A_105 = tpu.memref_squeeze %dma_wait3A_104 : memref<1x320x32xf32, #tpu.memory_space<hbm>> -> memref<320x32xf32, #tpu.memory_space<hbm>>
      %dma_wait3A_106 = arith.constant 0 : i32
      %dma_wait3A_107 = tpu.memref_slice %arg4[%arg0, %add3A_96, %dma_wait3A_106] : memref<2x10240x32xf32, #tpu.memory_space<hbm>> -> memref<1x320x32xf32, #tpu.memory_space<hbm>>
      %dma_wait3A_108 = tpu.memref_squeeze %dma_wait3A_107 : memref<1x320x32xf32, #tpu.memory_space<hbm>> -> memref<320x32xf32, #tpu.memory_space<hbm>>
      tpu.wait_dma2 semaphore(%run_scoped3A_97 : memref<!tpu.dma_semaphore, #tpu.memory_space<semaphore_mem>>) src(%arg8 : memref<320x32xf32, #tpu.memory_space<vmem>>) dst(%dma_wait3A_108 : memref<320x32xf32, #tpu.memory_space<hbm>>)
      tpu.yield
    }) : () -> ()
    return
  }
}

module attributes {stable_mosaic.version = 14 : i64} {
  func.func @body(%arg0: i32, %arg1: memref<2x1024x8xf32, #tpu.memory_space<vmem>>, %arg2: memref<1024x128xf32, #tpu.memory_space<vmem>>, %arg3: memref<128x64xf32, #tpu.memory_space<vmem>>, %arg4: memref<2x1024x32xf32, #tpu.memory_space<vmem>>, %arg5: memref<1024x1xf32, #tpu.memory_space<vmem>>) attributes {dimension_semantics = [#tpu.dimension_semantics<arbitrary>], iteration_bounds = array<i64: 10>, scalar_prefetch = 0 : i64, scratch_operands = 0 : i64, tpu.core_type = #tpu.core_type<tc>, window_params = [{transform_indices = @transform_0, window_bounds = array<i64: 2, 1024, 8>}, {transform_indices = @transform_1, window_bounds = array<i64: 1024, 128>}, {pipeline_mode = #tpu.pipeline_mode<synchronous>, transform_indices = @transform_2, window_bounds = array<i64: 128, 64>}, {transform_indices = @transform_3, window_bounds = array<i64: 2, 1024, 32>}, {transform_indices = @transform_4, window_bounds = array<i64: 1024, 1>}]} {
    %get3A = arith.constant 0 : index
    %get3A_0 = arith.constant 0 : index
    %get3A_1 = arith.constant 0 : index
    %get3A_2 = vector.load %arg1[%get3A, %get3A_0, %get3A_1] : memref<2x1024x8xf32, #tpu.memory_space<vmem>>, vector<1x1024x1xf32>
    %get3A_3 = vector.shape_cast %get3A_2 : vector<1x1024x1xf32> to vector<1024x1xf32>
    %add3A = arith.constant 1.000000e+00 : f32
    %add3A_4 = vector.broadcast %add3A : f32 to vector<1024x1xf32>
    %add3A_5 = arith.addf %add3A_4, %get3A_3 : vector<1024x1xf32>
    %get3A_6 = arith.constant 1 : index
    %get3A_7 = arith.constant 0 : index
    %get3A_8 = arith.constant 0 : index
    %get3A_9 = vector.load %arg1[%get3A_6, %get3A_7, %get3A_8] : memref<2x1024x8xf32, #tpu.memory_space<vmem>>, vector<1x1024x1xf32>
    %get3A_10 = vector.shape_cast %get3A_9 : vector<1x1024x1xf32> to vector<1024x1xf32>
    %add3A_11 = arith.addf %add3A_5, %get3A_10 : vector<1024x1xf32>
    %rsqrt3A = math.rsqrt %add3A_11 : vector<1024x1xf32>
    %swap3A = arith.constant 0 : index
    %swap3A_12 = arith.constant 0 : index
    %swap3A_13 = vector.load %arg5[%swap3A, %swap3A_12] : memref<1024x1xf32, #tpu.memory_space<vmem>>, vector<1024x1xf32>
    tpu.vector_store %arg5[%swap3A, %swap3A_12], %rsqrt3A {strides = array<i32>} : memref<1024x1xf32, #tpu.memory_space<vmem>>, vector<1024x1xf32>,
    %get3A_14 = arith.constant 0 : index
    %get3A_15 = arith.constant 0 : index
    %get3A_16 = vector.load %arg2[%get3A_14, %get3A_15] : memref<1024x128xf32, #tpu.memory_space<vmem>>, vector<1024x128xf32>
    %get3A_17 = arith.constant 0 : index
    %get3A_18 = arith.constant 0 : index
    %get3A_19 = vector.load %arg3[%get3A_17, %get3A_18] : memref<128x64xf32, #tpu.memory_space<vmem>>, vector<128x64xf32>
    %dot_general3A = arith.constant dense<0.000000e+00> : vector<1024x64xf32>
    %dot_general3A_20 = tpu.matmul %get3A_16, %get3A_19, %dot_general3A {dimension_numbers = #tpu.dot_dimension_numbers<[1], [0], [0], [1], [0, 0, 1, 1], [], []>, transpose_lhs_hint = false} : vector<1024x128xf32>, vector<128x64xf32>, vector<1024x64xf32> -> vector<1024x64xf32>
    %mul3A = vector.broadcast %rsqrt3A : vector<1024x1xf32> to vector<1024x64xf32>
    %mul3A_21 = arith.mulf %dot_general3A_20, %mul3A : vector<1024x64xf32>
    %slice3A = vector.extract_strided_slice %mul3A_21 {offsets = [0, 0], sizes = [1024, 32], strides = [1, 1]} : vector<1024x64xf32> to vector<1024x32xf32>
    %swap3A_22 = arith.constant 0 : index
    %swap3A_23 = arith.constant 0 : index
    %swap3A_24 = arith.constant 0 : index
    %swap3A_25 = vector.load %arg4[%swap3A_22, %swap3A_23, %swap3A_24] : memref<2x1024x32xf32, #tpu.memory_space<vmem>>, vector<1x1024x32xf32>
    %swap3A_26 = vector.shape_cast %swap3A_25 : vector<1x1024x32xf32> to vector<1024x32xf32>
    %swap3A_27 = vector.shape_cast %slice3A : vector<1024x32xf32> to vector<1x1024x32xf32>
    tpu.vector_store %arg4[%swap3A_22, %swap3A_23, %swap3A_24], %swap3A_27 {strides = array<i32>} : memref<2x1024x32xf32, #tpu.memory_space<vmem>>, vector<1x1024x32xf32>,
    %slice3A_28 = vector.extract_strided_slice %mul3A_21 {offsets = [0, 32], sizes = [1024, 32], strides = [1, 1]} : vector<1024x64xf32> to vector<1024x32xf32>
    %swap3A_29 = arith.constant 1 : index
    %swap3A_30 = arith.constant 0 : index
    %swap3A_31 = arith.constant 0 : index
    %swap3A_32 = vector.load %arg4[%swap3A_29, %swap3A_30, %swap3A_31] : memref<2x1024x32xf32, #tpu.memory_space<vmem>>, vector<1x1024x32xf32>
    %swap3A_33 = vector.shape_cast %swap3A_32 : vector<1x1024x32xf32> to vector<1024x32xf32>
    %swap3A_34 = vector.shape_cast %slice3A_28 : vector<1024x32xf32> to vector<1x1024x32xf32>
    tpu.vector_store %arg4[%swap3A_29, %swap3A_30, %swap3A_31], %swap3A_34 {strides = array<i32>} : memref<2x1024x32xf32, #tpu.memory_space<vmem>>, vector<1x1024x32xf32>,
    return
  }
  func.func @transform_0(%arg0: i32) -> (i32, i32, i32) {
    %c0_i32 = arith.constant 0 : i32
    %c0_i32_0 = arith.constant 0 : i32
    %c0_i32_1 = arith.constant 0 : i32
    return %c0_i32, %arg0, %c0_i32_0 : i32, i32, i32
  }
  func.func @transform_1(%arg0: i32) -> (i32, i32) {
    %c0_i32 = arith.constant 0 : i32
    %c0_i32_0 = arith.constant 0 : i32
    return %arg0, %c0_i32 : i32, i32
  }
  func.func @transform_2(%arg0: i32) -> (i32, i32) {
    %c0_i32 = arith.constant 0 : i32
    %c0_i32_0 = arith.constant 0 : i32
    %c0_i32_1 = arith.constant 0 : i32
    return %c0_i32, %c0_i32_0 : i32, i32
  }
  func.func @transform_3(%arg0: i32) -> (i32, i32, i32) {
    %c0_i32 = arith.constant 0 : i32
    %c0_i32_0 = arith.constant 0 : i32
    %c0_i32_1 = arith.constant 0 : i32
    return %c0_i32, %arg0, %c0_i32_0 : i32, i32, i32
  }
  func.func @transform_4(%arg0: i32) -> (i32, i32) {
    %c0_i32 = arith.constant 0 : i32
    %c0_i32_0 = arith.constant 0 : i32
    return %arg0, %c0_i32 : i32, i32
  }
}

module attributes {stable_mosaic.version = 14 : i64} {
  func.func @body(%arg0: i32, %arg1: memref<2x1024x32xf32, #tpu.memory_space<vmem>>, %arg2: memref<2x1024x32xf32, #tpu.memory_space<vmem>>, %arg3: memref<1024x1xf32, #tpu.memory_space<vmem>>, %arg4: memref<1x64xf32, #tpu.memory_space<vmem>>, %arg5: memref<64x48xf32, #tpu.memory_space<vmem>>, %arg6: memref<2x1024x24xf32, #tpu.memory_space<vmem>>) attributes {dimension_semantics = [#tpu.dimension_semantics<arbitrary>], iteration_bounds = array<i64: 10>, scalar_prefetch = 0 : i64, scratch_operands = 0 : i64, tpu.core_type = #tpu.core_type<tc>, window_params = [{transform_indices = @transform_0, window_bounds = array<i64: 2, 1024, 32>}, {transform_indices = @transform_1, window_bounds = array<i64: 2, 1024, 32>}, {transform_indices = @transform_2, window_bounds = array<i64: 1024, 1>}, {pipeline_mode = #tpu.pipeline_mode<synchronous>, transform_indices = @transform_3, window_bounds = array<i64: 1, 64>}, {pipeline_mode = #tpu.pipeline_mode<synchronous>, transform_indices = @transform_4, window_bounds = array<i64: 64, 48>}, {transform_indices = @transform_5, window_bounds = array<i64: 2, 1024, 24>}]} {
    %get3A = arith.constant 0 : index
    %get3A_0 = arith.constant 0 : index
    %get3A_1 = arith.constant 0 : index
    %get3A_2 = vector.load %arg1[%get3A, %get3A_0, %get3A_1] : memref<2x1024x32xf32, #tpu.memory_space<vmem>>, vector<1x1024x32xf32>
    %get3A_3 = vector.shape_cast %get3A_2 : vector<1x1024x32xf32> to vector<1024x32xf32>
    %get3A_4 = arith.constant 0 : index
    %get3A_5 = arith.constant 0 : index
    %get3A_6 = arith.constant 0 : index
    %get3A_7 = vector.load %arg2[%get3A_4, %get3A_5, %get3A_6] : memref<2x1024x32xf32, #tpu.memory_space<vmem>>, vector<1x1024x32xf32>
    %get3A_8 = vector.shape_cast %get3A_7 : vector<1x1024x32xf32> to vector<1024x32xf32>
    %add3A = arith.addf %get3A_3, %get3A_8 : vector<1024x32xf32>
    %get3A_9 = arith.constant 1 : index
    %get3A_10 = arith.constant 0 : index
    %get3A_11 = arith.constant 0 : index
    %get3A_12 = vector.load %arg1[%get3A_9, %get3A_10, %get3A_11] : memref<2x1024x32xf32, #tpu.memory_space<vmem>>, vector<1x1024x32xf32>
    %get3A_13 = vector.shape_cast %get3A_12 : vector<1x1024x32xf32> to vector<1024x32xf32>
    %get3A_14 = arith.constant 1 : index
    %get3A_15 = arith.constant 0 : index
    %get3A_16 = arith.constant 0 : index
    %get3A_17 = vector.load %arg2[%get3A_14, %get3A_15, %get3A_16] : memref<2x1024x32xf32, #tpu.memory_space<vmem>>, vector<1x1024x32xf32>
    %get3A_18 = vector.shape_cast %get3A_17 : vector<1x1024x32xf32> to vector<1024x32xf32>
    %add3A_19 = arith.addf %get3A_13, %get3A_18 : vector<1024x32xf32>
    %concatenate3A = tpu.concatenate %add3A, %add3A_19 in 1 : vector<1024x32xf32>, vector<1024x32xf32> -> vector<1024x64xf32>
    %get3A_20 = arith.constant 0 : index
    %get3A_21 = arith.constant 0 : index
    %get3A_22 = vector.load %arg3[%get3A_20, %get3A_21] : memref<1024x1xf32, #tpu.memory_space<vmem>>, vector<1024x1xf32>
    %mul3A = vector.broadcast %get3A_22 : vector<1024x1xf32> to vector<1024x64xf32>
    %mul3A_23 = arith.mulf %concatenate3A, %mul3A : vector<1024x64xf32>
    %get3A_24 = arith.constant 0 : index
    %get3A_25 = arith.constant 0 : index
    %get3A_26 = vector.load %arg4[%get3A_24, %get3A_25] : memref<1x64xf32, #tpu.memory_space<vmem>>, vector<1x64xf32>
    %add3A_27 = vector.broadcast %get3A_26 : vector<1x64xf32> to vector<1024x64xf32>
    %add3A_28 = arith.addf %mul3A_23, %add3A_27 : vector<1024x64xf32>
    %max3A = arith.constant 0.000000e+00 : f32
    %max3A_29 = vector.broadcast %max3A : f32 to vector<1024x64xf32>
    %max3A_30 = arith.maximumf %add3A_28, %max3A_29 : vector<1024x64xf32>
    %get3A_31 = arith.constant 0 : index
    %get3A_32 = arith.constant 0 : index
    %get3A_33 = vector.load %arg5[%get3A_31, %get3A_32] : memref<64x48xf32, #tpu.memory_space<vmem>>, vector<64x48xf32>
    %dot_general3A = arith.constant dense<0.000000e+00> : vector<1024x48xf32>
    %dot_general3A_34 = tpu.matmul %max3A_30, %get3A_33, %dot_general3A {dimension_numbers = #tpu.dot_dimension_numbers<[1], [0], [0], [1], [0, 0, 1, 1], [], []>, transpose_lhs_hint = false} : vector<1024x64xf32>, vector<64x48xf32>, vector<1024x48xf32> -> vector<1024x48xf32>
    %mul3A_35 = vector.broadcast %get3A_22 : vector<1024x1xf32> to vector<1024x48xf32>
    %mul3A_36 = arith.mulf %dot_general3A_34, %mul3A_35 : vector<1024x48xf32>
    %slice3A = vector.extract_strided_slice %mul3A_36 {offsets = [0, 0], sizes = [1024, 24], strides = [1, 1]} : vector<1024x48xf32> to vector<1024x24xf32>
    %swap3A = arith.constant 0 : index
    %swap3A_37 = arith.constant 0 : index
    %swap3A_38 = arith.constant 0 : index
    %swap3A_39 = vector.load %arg6[%swap3A, %swap3A_37, %swap3A_38] : memref<2x1024x24xf32, #tpu.memory_space<vmem>>, vector<1x1024x24xf32>
    %swap3A_40 = vector.shape_cast %swap3A_39 : vector<1x1024x24xf32> to vector<1024x24xf32>
    %swap3A_41 = vector.shape_cast %slice3A : vector<1024x24xf32> to vector<1x1024x24xf32>
    tpu.vector_store %arg6[%swap3A, %swap3A_37, %swap3A_38], %swap3A_41 {strides = array<i32>} : memref<2x1024x24xf32, #tpu.memory_space<vmem>>, vector<1x1024x24xf32>,
    %slice3A_42 = vector.extract_strided_slice %mul3A_36 {offsets = [0, 24], sizes = [1024, 24], strides = [1, 1]} : vector<1024x48xf32> to vector<1024x24xf32>
    %swap3A_43 = arith.constant 1 : index
    %swap3A_44 = arith.constant 0 : index
    %swap3A_45 = arith.constant 0 : index
    %swap3A_46 = vector.load %arg6[%swap3A_43, %swap3A_44, %swap3A_45] : memref<2x1024x24xf32, #tpu.memory_space<vmem>>, vector<1x1024x24xf32>
    %swap3A_47 = vector.shape_cast %swap3A_46 : vector<1x1024x24xf32> to vector<1024x24xf32>
    %swap3A_48 = vector.shape_cast %slice3A_42 : vector<1024x24xf32> to vector<1x1024x24xf32>
    tpu.vector_store %arg6[%swap3A_43, %swap3A_44, %swap3A_45], %swap3A_48 {strides = array<i32>} : memref<2x1024x24xf32, #tpu.memory_space<vmem>>, vector<1x1024x24xf32>,
    return
  }
  func.func @transform_0(%arg0: i32) -> (i32, i32, i32) {
    %c0_i32 = arith.constant 0 : i32
    %c0_i32_0 = arith.constant 0 : i32
    %c0_i32_1 = arith.constant 0 : i32
    return %c0_i32, %arg0, %c0_i32_0 : i32, i32, i32
  }
  func.func @transform_1(%arg0: i32) -> (i32, i32, i32) {
    %c0_i32 = arith.constant 0 : i32
    %c0_i32_0 = arith.constant 0 : i32
    %c0_i32_1 = arith.constant 0 : i32
    return %c0_i32, %arg0, %c0_i32_0 : i32, i32, i32
  }
  func.func @transform_2(%arg0: i32) -> (i32, i32) {
    %c0_i32 = arith.constant 0 : i32
    %c0_i32_0 = arith.constant 0 : i32
    return %arg0, %c0_i32 : i32, i32
  }
  func.func @transform_3(%arg0: i32) -> (i32, i32) {
    %c0_i32 = arith.constant 0 : i32
    %c0_i32_0 = arith.constant 0 : i32
    %c0_i32_1 = arith.constant 0 : i32
    return %c0_i32, %c0_i32_0 : i32, i32
  }
  func.func @transform_4(%arg0: i32) -> (i32, i32) {
    %c0_i32 = arith.constant 0 : i32
    %c0_i32_0 = arith.constant 0 : i32
    %c0_i32_1 = arith.constant 0 : i32
    return %c0_i32, %c0_i32_0 : i32, i32
  }
  func.func @transform_5(%arg0: i32) -> (i32, i32, i32) {
    %c0_i32 = arith.constant 0 : i32
    %c0_i32_0 = arith.constant 0 : i32
    %c0_i32_1 = arith.constant 0 : i32
    return %c0_i32, %arg0, %c0_i32_0 : i32, i32, i32
  }
}

module attributes {stable_mosaic.version = 14 : i64} {
  func.func @body(%arg0: i32, %arg1: memref<2x1000x24xf32, #tpu.memory_space<vmem>>, %arg2: memref<2x1000x24xf32, #tpu.memory_space<vmem>>, %arg3: memref<1000x1xf32, #tpu.memory_space<vmem>>, %arg4: memref<1x40xf32, #tpu.memory_space<vmem>>, %arg5: memref<1000x40xf32, #tpu.memory_space<vmem>>) attributes {dimension_semantics = [#tpu.dimension_semantics<arbitrary>], iteration_bounds = array<i64: 10>, scalar_prefetch = 0 : i64, scratch_operands = 0 : i64, tpu.core_type = #tpu.core_type<tc>, window_params = [{transform_indices = @transform_0, window_bounds = array<i64: 2, 1000, 24>}, {transform_indices = @transform_1, window_bounds = array<i64: 2, 1000, 24>}, {transform_indices = @transform_2, window_bounds = array<i64: 1000, 1>}, {pipeline_mode = #tpu.pipeline_mode<synchronous>, transform_indices = @transform_3, window_bounds = array<i64: 1, 40>}, {transform_indices = @transform_4, window_bounds = array<i64: 1000, 40>}]} {
    %get3A = arith.constant 0 : index
    %get3A_0 = arith.constant 0 : index
    %get3A_1 = arith.constant 0 : index
    %get3A_2 = vector.load %arg1[%get3A, %get3A_0, %get3A_1] : memref<2x1000x24xf32, #tpu.memory_space<vmem>>, vector<1x1000x24xf32>
    %get3A_3 = vector.shape_cast %get3A_2 : vector<1x1000x24xf32> to vector<1000x24xf32>
    %get3A_4 = arith.constant 0 : index
    %get3A_5 = arith.constant 0 : index
    %get3A_6 = arith.constant 0 : index
    %get3A_7 = vector.load %arg2[%get3A_4, %get3A_5, %get3A_6] : memref<2x1000x24xf32, #tpu.memory_space<vmem>>, vector<1x1000x24xf32>
    %get3A_8 = vector.shape_cast %get3A_7 : vector<1x1000x24xf32> to vector<1000x24xf32>
    %add3A = arith.addf %get3A_3, %get3A_8 : vector<1000x24xf32>
    %get3A_9 = arith.constant 1 : index
    %get3A_10 = arith.constant 0 : index
    %get3A_11 = arith.constant 0 : index
    %get3A_12 = vector.load %arg1[%get3A_9, %get3A_10, %get3A_11] : memref<2x1000x24xf32, #tpu.memory_space<vmem>>, vector<1x1000x24xf32>
    %get3A_13 = vector.shape_cast %get3A_12 : vector<1x1000x24xf32> to vector<1000x24xf32>
    %get3A_14 = arith.constant 1 : index
    %get3A_15 = arith.constant 0 : index
    %get3A_16 = arith.constant 0 : index
    %get3A_17 = vector.load %arg2[%get3A_14, %get3A_15, %get3A_16] : memref<2x1000x24xf32, #tpu.memory_space<vmem>>, vector<1x1000x24xf32>
    %get3A_18 = vector.shape_cast %get3A_17 : vector<1x1000x24xf32> to vector<1000x24xf32>
    %add3A_19 = arith.addf %get3A_13, %get3A_18 : vector<1000x24xf32>
    %concatenate3A = tpu.concatenate %add3A, %add3A_19 in 1 : vector<1000x24xf32>, vector<1000x24xf32> -> vector<1000x48xf32>
    %get3A_20 = arith.constant 0 : index
    %get3A_21 = arith.constant 0 : index
    %get3A_22 = vector.load %arg3[%get3A_20, %get3A_21] : memref<1000x1xf32, #tpu.memory_space<vmem>>, vector<1000x1xf32>
    %mul3A = vector.broadcast %get3A_22 : vector<1000x1xf32> to vector<1000x48xf32>
    %mul3A_23 = arith.mulf %concatenate3A, %mul3A : vector<1000x48xf32>
    %slice3A = vector.extract_strided_slice %mul3A_23 {offsets = [0, 0], sizes = [1000, 40], strides = [1, 1]} : vector<1000x48xf32> to vector<1000x40xf32>
    %get3A_24 = arith.constant 0 : index
    %get3A_25 = arith.constant 0 : index
    %get3A_26 = vector.load %arg4[%get3A_24, %get3A_25] : memref<1x40xf32, #tpu.memory_space<vmem>>, vector<1x40xf32>
    %add3A_27 = vector.broadcast %get3A_26 : vector<1x40xf32> to vector<1000x40xf32>
    %add3A_28 = arith.addf %slice3A, %add3A_27 : vector<1000x40xf32>
    %reduce_max3A = arith.constant dense<0xFF800000> : vector<1000xf32>
    %reduce_max3A_29 = vector.multi_reduction <maximumf>, %add3A_28, %reduce_max3A [1] : vector<1000x40xf32> to vector<1000xf32>
    %broadcast_in_dim3A = vector.shape_cast %reduce_max3A_29 : vector<1000xf32> to vector<1000x1xf32>
    %sub3A = vector.broadcast %broadcast_in_dim3A : vector<1000x1xf32> to vector<1000x40xf32>
    %sub3A_30 = arith.subf %add3A_28, %sub3A : vector<1000x40xf32>
    %exp3A = math.exp %sub3A_30 : vector<1000x40xf32>
    %reduce_sum3A = arith.constant dense<0.000000e+00> : vector<1000xf32>
    %reduce_sum3A_31 = vector.multi_reduction <add>, %exp3A, %reduce_sum3A [1] : vector<1000x40xf32> to vector<1000xf32>
    %broadcast_in_dim3A_32 = vector.shape_cast %reduce_sum3A_31 : vector<1000xf32> to vector<1000x1xf32>
    %log3A = math.log %broadcast_in_dim3A_32 : vector<1000x1xf32>
    %add3A_33 = arith.addf %log3A, %broadcast_in_dim3A : vector<1000x1xf32>
    %sub3A_34 = vector.broadcast %add3A_33 : vector<1000x1xf32> to vector<1000x40xf32>
    %sub3A_35 = arith.subf %add3A_28, %sub3A_34 : vector<1000x40xf32>
    %swap3A = arith.constant 0 : index
    %swap3A_36 = arith.constant 0 : index
    %swap3A_37 = vector.load %arg5[%swap3A, %swap3A_36] : memref<1000x40xf32, #tpu.memory_space<vmem>>, vector<1000x40xf32>
    tpu.vector_store %arg5[%swap3A, %swap3A_36], %sub3A_35 {strides = array<i32>} : memref<1000x40xf32, #tpu.memory_space<vmem>>, vector<1000x40xf32>,
    return
  }
  func.func @transform_0(%arg0: i32) -> (i32, i32, i32) {
    %c0_i32 = arith.constant 0 : i32
    %c0_i32_0 = arith.constant 0 : i32
    %c0_i32_1 = arith.constant 0 : i32
    return %c0_i32, %arg0, %c0_i32_0 : i32, i32, i32
  }
  func.func @transform_1(%arg0: i32) -> (i32, i32, i32) {
    %c0_i32 = arith.constant 0 : i32
    %c0_i32_0 = arith.constant 0 : i32
    %c0_i32_1 = arith.constant 0 : i32
    return %c0_i32, %arg0, %c0_i32_0 : i32, i32, i32
  }
  func.func @transform_2(%arg0: i32) -> (i32, i32) {
    %c0_i32 = arith.constant 0 : i32
    %c0_i32_0 = arith.constant 0 : i32
    return %arg0, %c0_i32 : i32, i32
  }
  func.func @transform_3(%arg0: i32) -> (i32, i32) {
    %c0_i32 = arith.constant 0 : i32
    %c0_i32_0 = arith.constant 0 : i32
    %c0_i32_1 = arith.constant 0 : i32
    return %c0_i32, %c0_i32_0 : i32, i32
  }
  func.func @transform_4(%arg0: i32) -> (i32, i32) {
    %c0_i32 = arith.constant 0 : i32
    %c0_i32_0 = arith.constant 0 : i32
    return %arg0, %c0_i32 : i32, i32
  }
}

</mosaic_0001>

<sc_bundles>
// kernel: kernel.11.cloned.1.call-start
scs
__scs_entry_jumppad:
0x0: {  	(pc) =	sbr.rel $0x88, $3  }
0x1: {  	(tag) =	ssettag $0x0;
	lr =	simm.s32 $0x1  }
0x2: {  	[smem:$0x3F9B] =	sst lr;
	_ =	strace $0xD0000000  }
0x3: {  	_ = 	snop  }
0x4: {  	_ = 	snop  }
0x5: {  	_ = 	snop  }
0x6: {  	_ = 	snop  }
0x7: {  	_ = 	snop  }
__scs_overlays_trampoline_lowered:
0x8: {  	[smem:$0x3FAA] =	sst s0  }
0x9: {  	[smem:$0x3FAB] =	sst s1  }
0xa: {  	[smem:$0x3FAC] =	sst s2  }
0xb: {  	[smem:$0x3FAD] =	sst s3  }
0xc: {  	[smem:$0x3FAE] =	sst s4  }
0xd: {  	[smem:$0x3FAF] =	sst s5  }
0xe: {  	[smem:$0x3FB0] =	sst s6  }
0xf: {  	[smem:$0x3FB1] =	sst s7  }
0x10: {  	[smem:$0x3FB2] =	sst s8  }
0x11: {  	[smem:$0x3FB3] =	sst s9;
	s0 =	simm.s32 @!p0 $0x0  }
0x12: {  	s1 =	sld [smem:$0x3F99];
	s0 =	simm.s32 @p0 $0x1  }
0x13: {  	[smem:$0x3FB4] =	sst s0;
	s0 =	simm.s32 @!p1 $0x0  }
0x14: {  	s2 =	sld [smem:$0x3F98];
	s0 =	simm.s32 @p1 $0x1  }
0x15: {  	[smem:$0x3FB5] =	sst s0;
	s0 =	simm.s32 @!p2 $0x0  }
0x16: {  	s3 =	sld [smem:$0x3FDB];
	s0 =	simm.s32 @p2 $0x1  }
0x17: {  	s4 =	simm.s32 $0x1BF5;
	[smem:$0x3FB7] =	sst s0  }
0x18: {  	s0 =	sld [smem:$0x3F9A];
	_ =	swait.ge [sflag:s4], $0x0  }
0x19: {  	s7 =	sld [smem:$0x3F9B]  }
0x1a: {  	s8 =	sadd.s32 $0xFFFFE003, lr  }
0x1b: {  	s9 =	sadd.s32 $0xFFFFFEF7, lr;
	s5 =	simm.s32 $0xFFFFFFFF;
	p2 =	slt.u32 s8, $0xFFFFF086  }
0x1c: {  	p1 =	slt.u32 s9, $0xF7A;
	s5 =	simm.s32 @!p2 $0x0  }
0x1d: {  	s5 =	simm.s32 @p1 $0x1;
	p0 =	seq.s32 s7, s2  }
0x1e: {  	s7 =	smul.u32 @!p0 $0xF7A, s2;
	p2 =	seq.s32 @!p0 s5, $0x0  }
0x1f: {  	s9 =	smul.u32 $0xF7A, s1;
	s8 =	simm.s32 @!p0 $0x1BF5;
	p2 =	por !p2, p0  }
0x20: {  	[sflag:s8] =	ssyncset.s32 @!p0 $0xFFFFF086;
	s6 =	sadd.s32 @!p0 s3, s7;
	s7 =	simm.s32 @!p0 $0x108  }
0x21: {  	s3 =	sadd.s32 s3, s9;
	s6 =	sadd.s32 @!p0 $0x88, s6;
	s7 =	simm.s32 @p2 $0x1082  }
0x22: {  	[simem:s7], [sflag:s8] =	dma.local @!p0 [hbm:s6], $0xF7A  }
0x23: {  	s9 =	sor.u32 $0xD0000000, s2;
	s6 =	simm.s32 $0x108;
	_ =	swait.ge @!p0 [sflag:s8], $0x0  }
0x24: {  	s3 =	sadd.s32 $0x88, s3;
	s6 =	simm.s32 @!p1 $0x1082;
	[sflag:s4] =	ssyncset.s32 $0xFFFFF086  }
0x25: {  	[simem:s6], [sflag:s4] =	dma.local [hbm:s3], $0xF7A  }
0x26: {  	[smem:$0x3F9B] =	sst s1;
	(tag) =	ssettag s2;
	_ =	strace s9  }
0x27: {  	s1 =	sld [smem:$0x3FAB]  }
0x28: {  	s2 =	sld [smem:$0x3FAC]  }
0x29: {  	s4 =	sld [smem:$0x3FAE]  }
0x2a: {  	p0 =	seq.s32 s5, $0x0;
	s5 =	sld [smem:$0x3FAF]  }
0x2b: {  	s6 =	sld [smem:$0x3FB0]  }
0x2c: {  	s7 =	sld [smem:$0x3FB1]  }
0x2d: {  	s3 =	simm.s32 $0x108;
	s8 =	sld [smem:$0x3FB2]  }
0x2e: {  	s3 =	simm.s32 @!p0 $0x1082;
	s9 =	sld [smem:$0x3FB3]  }
0x2f: {  	lr =	sadd.s32 s0, s3;
	s0 =	sld [smem:$0x3FAA]  }
0x30: {  	s3 =	sld [smem:$0x3FAD]  }
0x31: {  	[smem:$0x3FB6] =	sst s10  }
0x32: {  	s10 =	sld [smem:$0x3FB4];
	_ =	sdelay $0x3  }
0x33: {  	p0 =	seq.s32 s10, $0x1;
	s10 =	sld [smem:$0x3FB6];
	_ =	sdelay $0x3  }
0x34: {  	[smem:$0x3FB6] =	sst s10  }
0x35: {  	s10 =	sld [smem:$0x3FB5];
	_ =	sdelay $0x3  }
0x36: {  	p1 =	seq.s32 s10, $0x1;
	s10 =	sld [smem:$0x3FB6];
	_ =	sdelay $0x3  }
0x37: {  	[smem:$0x3FB6] =	sst s10  }
0x38: {  	s10 =	sld [smem:$0x3FB7]  }
0x39: {  	_ = 	snop;
	(pc) =	sbr.ind lr, $3  }
0x3a: {  	_ = 	snop  }
0x3b: {  	_ = 	snop  }
0x3c: {  	p2 =	seq.s32 s10, $0x1;
	s10 =	sld [smem:$0x3FB6]  }
0x3d: {  	_ =	shalt  }
0x3e: {  	_ =	shalt  }
0x3f: {  	_ =	shalt  }
0x40: {  	_ =	shalt  }
0x41: {  	_ =	shalt  }
0x42: {  	_ =	shalt  }
0x43: {  	_ =	shalt  }
0x44: {  	_ =	shalt  }
0x45: {  	_ =	shalt  }
0x46: {  	_ =	shalt  }
0x47: {  	_ =	shalt  }
0x48: {  	_ =	shalt  }
0x49: {  	_ =	shalt  }
0x4a: {  	_ =	shalt  }
0x4b: {  	_ =	shalt  }
0x4c: {  	_ =	shalt  }
0x4d: {  	_ =	shalt  }
0x4e: {  	_ =	shalt  }
0x4f: {  	_ =	shalt  }
0x50: {  	_ =	shalt  }
0x51: {  	_ =	shalt  }
0x52: {  	_ =	shalt  }
0x53: {  	_ =	shalt  }
0x54: {  	_ =	shalt  }
0x55: {  	_ =	shalt  }
0x56: {  	_ =	shalt  }
0x57: {  	_ =	shalt  }
0x58: {  	_ =	shalt  }
0x59: {  	_ =	shalt  }
0x5a: {  	_ =	shalt  }
0x5b: {  	_ =	shalt  }
0x5c: {  	_ =	shalt  }
0x5d: {  	_ =	shalt  }
0x5e: {  	_ =	shalt  }
0x5f: {  	_ =	shalt  }
0x60: {  	_ =	shalt  }
0x61: {  	_ =	shalt  }
0x62: {  	_ =	shalt  }
0x63: {  	_ =	shalt  }
0x64: {  	_ =	shalt  }
0x65: {  	_ =	shalt  }
0x66: {  	_ =	shalt  }
0x67: {  	_ =	shalt  }
0x68: {  	_ =	shalt  }
0x69: {  	_ =	shalt  }
0x6a: {  	_ =	shalt  }
0x6b: {  	_ =	shalt  }
0x6c: {  	_ =	shalt  }
0x6d: {  	_ =	shalt  }
0x6e: {  	_ =	shalt  }
0x6f: {  	_ =	shalt  }
0x70: {  	_ =	shalt  }
0x71: {  	_ =	shalt  }
0x72: {  	_ =	shalt  }
0x73: {  	_ =	shalt  }
0x74: {  	_ =	shalt  }
0x75: {  	_ =	shalt  }
0x76: {  	_ =	shalt  }
0x77: {  	_ =	shalt  }
0x78: {  	_ =	shalt  }
0x79: {  	_ =	shalt  }
0x7a: {  	_ =	shalt  }
0x7b: {  	_ =	shalt  }
0x7c: {  	_ =	shalt  }
0x7d: {  	_ =	shalt  }
0x7e: {  	_ =	shalt  }
0x7f: {  	_ =	shalt  }
0x80: {  	_ =	shalt  }
0x81: {  	_ =	shalt  }
0x82: {  	_ =	shalt  }
0x83: {  	_ =	shalt  }
0x84: {  	_ =	shalt  }
0x85: {  	_ =	shalt  }
0x86: {  	_ =	shalt  }
0x87: {  	_ =	shalt  }
.Lfunc_end0:
.L_simem_size_0:
called_computation.1_lowered:
.L_overlay_start_0:
0x88: {  	s2 =	sld [smem:$0x3FD9]  }
0x89: {  	s3 =	sld [smem:$0x3FFE];
	_ =	sdelay $0x1  }
0x8a: {  	s1 =	srdreg.scid  }
0x8b: {  	s0 =	sand.u32 $0x1, s1  }
0x8c: {  	s16 =	sshll.u32 s0, $0xA;
	s2 =	sadd.s32 s3, s2  }
0x8d: {  	s2 =	sadd.s32 s2, s16  }
0x8e: {  	[smem:$0x3FC2] =	sst s2  }
0x8f: {  	_ = 	snop  }
0x90: {  	(tm) =	ssettm $0x1  }
0x91: {  	s17 =	sld [smem:$0x3FFB];
	_ =	sdelay $0x3  }
0x92: {  	_ =	strace s17  }
0x93: {  	s2 =	sld [smem:$0x3FFC];
	_ =	sdelay $0x3  }
0x94: {  	_ =	strace s2  }
0x95: {  	s2 =	sld [smem:$0x3FFD];
	_ =	sdelay $0x3  }
0x96: {  	_ =	strace s2  }
0x97: {  	_ =	strace $0x8FFFFFFF  }
0x98: {  	s18 =	sld [smem:$0x3FDB];
	_ =	sdelay $0x1  }
0x99: {  	s19 =	simm.s32 $_scs_section_size  }
0x9a: {  	s4 =	simm.s32 $_size__tile_overlayer_lowered;
	s5 =	simm.s32 $_tile_overlayer_lowered  }
0x9b: {  	s22 =	simm.s32 $0x1BFF;
	s21 =	sshll.u32 s5, $0x1;
	s2 =	sadd.s32 s19, s18  }
0x9c: {  	s6 =	simm.s32 $0x0;
	s20 =	sshll.u32 s4, $0x1;
	s4 =	sadd.s32 s21, s2  }
0x9d: {  	[timem:s6], [sflag:s22] =	dma.local [hbm:s4], s20  }
0x9e: {  	_ =	swait.ge [sflag:s22], s20  }
0x9f: {  	s3 =	ssub.s32 $0x0, s20;
	[sflag:s22] =	ssyncset.done $0x0  }
0xa0: {  	[sflag:s22] =	ssyncadd.s32 s3;
	_ =	sdelay $0x1  }
0xa1: {  	s23 =	simm.s32 $0x1B8B  }
0xa2: {  	_ =	swait.ge [sflag:s23], $0x1  }
0xa3: {  	[sflag:s23] =	ssyncset.done $0x0  }
0xa4: {  	s25 =	simm.s32 $0x1B8E;
	s24 =	sld [smem:$0x3FFE];
	[sflag:s23] =	ssyncadd.s32 $0xFFFFFFFF  }
0xa5: {  	s26 =	simm.s32 $execute0_lowered;
	[smem:$0x3FD2] =	sst s25  }
0xa6: {  	s4 =	sshll.u32 s26, $0x1;
	_ =	strace $0x80000049;
	[dreg:$0x1] =	wrdreg $0xFFFFFFFF  }
0xa7: {  	s28 =	simm.s32 $_size_execute0_lowered;
	s2 =	sadd.s32 s2, s4;
	[dreg:$0x0] =	wrdreg $0x0  }
0xa8: {  	s4 =	sshll.u32 s28, $0x1;
	[dreg:$0x2] =	wrdreg s2  }
0xa9: {  	[dreg:$0x3] =	wrdreg s4  }
0xaa: {  	[dreg:$0x4] =	wrdreg $0xC0  }
0xab: {  	_ =	task [dreg:s6], $0x5FFFF  }
0xac: {  	[dreg:$0x1] =	wrdreg $0xFFFFFFFF  }
0xad: {  	[dreg:$0x0] =	wrdreg $0x60  }
0xae: {  	[dreg:$0x2] =	wrdreg s24  }
0xaf: {  	[dreg:$0x3] =	wrdreg $0x105000  }
0xb0: {  	[dreg:$0x4] =	wrdreg $0x155000  }
0xb1: {  	[dreg:$0x5] =	wrdreg $0x9  }
0xb2: {  	_ =	task.clear_ibuf [dreg:s6], $0x6FFFF;
	_ =	strace $0x90000049  }
0xb3: {  	s29 =	simm.s32 $0x9;
	_ =	strace $0x8000004B  }
0xb4: {  	_ =	swait.ge [sflag:s29], $0x1  }
0xb5: {  	[sflag:s29] =	ssyncadd.s32 $0xFFFFFFFF  }
0xb6: {  	_ =	strace $0x9000004B  }
0xb7: {  	_ =	sfence  }
0xb8: {  	s30 =	sld [smem:$0x0];
	_ =	sdelay $0x2  }
0xb9: {  	s31 =	sshll.u32 s1, $0xD;
	s1 =	sshrl.u32 s1, $0x2  }
0xba: {  	s3 =	sand.u32 $0x4000, s31;
	s1 =	sadd.s32 s1, s30  }
0xbb: {  	s0 =	sor.u32 s3, s0;
	s1 =	sshll.u32 s1, $0x11  }
0xbc: {  	s0 =	sor.u32 s1, s0  }
0xbd: {  	s0 =	sadd.s32 $0x8F2B, s0  }
0xbe: {  	[sflag:s0] =	ssyncadd.remote.s32 $0x1  }
0xbf: {  	_ =	sfence.sel $0xFFFF  }
0xc0: {  	[dreg:$0x0] =	wrdreg $0xFFFFFFFF;
	(pc) =	sbr.abs _section_cstart, $3  }
0xc1: {  	[dreg:$0x1] =	wrdreg $0xFFFFFFFF  }
0xc2: {  	_ =	task.clear_ibuf [dreg:s6], $0x2FFFF;
	_ =	strace $0x9FFFFFFF  }
0xc3: {  	(tm) =	ssettm $0x7FFFFFFF  }
tec
execute0_lowered:
.L_overlay_start_1:
0x0: {  	(tag) =	ssettag $0x1  }
0x1: {  	s0 =	rddreg [dreg:$0x0]  }
0x2: {  	s1 =	rddreg [dreg:$0x1];
	s18 =	stileid.u32  }
0x3: {  	s4 =	srdreg.scid;
	s3 =	rddreg [dreg:$0x2];
	s17 =	simm.s32 $0x5  }
0x4: {  	s20 =	simm.s32 $0x80;
	s21 =	simm.s32 $0x9D00;
	s22 =	simm.s32 $0xAD00  }
0x5: {  	s28 =	simm.s32 $0x1;
	s29 =	simm.s32 $0x2;
	s30 =	simm.s32 $0x3  }
0x6: {  	s31 =	simm.s32 $0x4;
	s23 =	simm.s32 $0x9C00;
	s2 =	smul.u32 $0x9C, s18  }
0x7: {  	s5 =	sand.u32 $0x1, s4;
	s7 =	smul.u32 $0x5000, s18;
	s4 =	simm.s32 $0x0  }
0x8: {  	s6 =	smin.u32 s18, $0x4;
	s25 =	sshll.u32 s18, $0x6;
	p0 =	sgt.u32 s18, $0x3  }
0x9: {  	s18 =	simm.s32 $0xDD00;
	s11 =	smul.u32 $0x50000, s5;
	[smem:$0x7FF] =	sst s4  }
0xa: {  	s5 =	ssub.s32 $0x2, s5;
	_ =	strace $0x8000004A;
	s2 =	sadd.s32 s6, s2  }
0xb: {  	s8 =	sshrl.u32 s5, $0x1;
	s16 =	sadd.s32 s7, s1;
	s12 =	sadd.s32 $0x2800, s7  }
0xc: {  	s24 =	sadd.s32 s7, s11;
	s2 =	sshll.u32 s2, $0x4;
	s15 =	ssub.s32 s5, s8  }
0xd: {  	s7 =	sadd.s32 s7, s3;
	s8 =	sadd.s32 s12, s3;
	s14 =	sadd.s32 s11, s12  }
0xe: {  	s16 =	sshrl.u32 s16, $0x3;
	s13 =	sshrl.u32 s24, $0x3;
	s2 =	sadd.s32 s2, s0  }
0xf: {  	s26 =	sshrl.u32 s14, $0x3;
	s15 =	smax.u32 s15, $0x1;
	s24 =	simm.s32 $0xBD00  }
0x10: {  	s6 =	sadd.s32 s13, s0;
	s0 =	sadd.s32 $0xA2600, s0;
	s9 =	sadd.s32 $0x2C00, s2  }
0x11: {  	s10 =	sadd.s32 $0xC840, s2;
	s11 =	sadd.s32 $0x35C0, s2;
	s12 =	sadd.s32 $0xD200, s2  }
0x12: {  	s5 =	sadd.s32 $0x8E600, s6;
	s6 =	sor.u32 $0x1C05, s25;
	s13 =	sadd.s32 s0, s13  }
0x13: {  	v0 =	vimm.f32 $0.0e+00;
	s14 =	sadd.s32 s0, s26;
	s26 =	simm.s32 $0xCD00;
	s25 =	simm.s32 $0x0  }
.LBB2_1:
0x14: {  	[spmem:s16], [sflag:s6] =	dma.local [hbm:s5], $0xA00  }
0x15: {  	_ =	swait.ge [sflag:s17], $0xA00  }
0x16: {  	[sflag:s17] =	ssyncset.done $0x0  }
0x17: {  	s0 =	simm.s32 $0x80;
	s2 =	simm.s32 $0x0;
	[sflag:s17] =	ssyncadd.s32 $0xFFFFF600  }
.LBB2_2:
0x18: {  	p1 =	sne.s32 s0, $0x9F80;
	[tilespmem:s2+$0xDD00] =	vst v0;
	s19 =	smov.u32 s0;
	s0 =	sadd.s32 $0x80, s0  }
.Ltmp0:
0x19: {  	[tilespmem:s2+$0xDD10] =	vst v0;
	(pc) =	sbr.rel @p1 .LBB2_2-.Ltmp0, $2  }
0x1a: {  	_ =	sdelay $0x2  }
0x1b: {  	s2 =	sshra.s32 s19, $0x2  }
0x1c: {  	[tilespmem:s2+$0xDD00] =	vst v0  }
0x1d: {  	[tilespmem:s2+$0xDD10] =	vst v0  }
0x1e: {  	[spmem:s7] =	stream.linear.scatter [tilespmem:s18], [sflag:$0x5], $0x2800, $0x38;
	[tilespmem:$0x1A500] =	vst v63  }
0x1f: {  	_ =	swait.ge [sflag:s17], $0x2800  }
0x20: {  	[sflag:s17] =	ssyncset.done $0x0  }
0x21: {  	[sflag:s17] =	ssyncadd.s32 $0xFFFFD800  }
0x22: {  	[spmem:s8] =	stream.linear.scatter [tilespmem:s18], [sflag:$0x5], $0x2800, $0x38;
	[tilespmem:$0x1A500] =	vst v63  }
0x23: {  	_ =	swait.ge [sflag:s17], $0x2800  }
0x24: {  	[sflag:s17] =	ssyncset.done $0x0  }
0x25: {  	[sflag:s17] =	ssyncadd.s32 $0xFFFFD800  }
0x26: {  	[tilespmem:s4], [sflag:$0x5] =	stream.linear.gather [hbm4b:s9+s4], $0x4E00, $0x38;
	[tilespmem:$0x1A500] =	vst v63  }
0x27: {  	_ =	swait.ge [sflag:s17], $0x4E00  }
0x28: {  	[sflag:s17] =	ssyncset.done $0x0  }
0x29: {  	s0 =	simm.s32 $0x4E80;
	[sflag:s17] =	ssyncadd.s32 $0xFFFFB200  }
0x2a: {  	[tilespmem:s0], [sflag:$0x5] =	stream.linear.gather [hbm4b:s10+s4], $0x4E00, $0x38;
	[tilespmem:$0x1A500] =	vst v63  }
0x2b: {  	_ =	swait.ge [sflag:s17], $0x4E00  }
0x2c: {  	[sflag:s17] =	ssyncset.done $0x0  }
0x2d: {  	s2 =	simm.s32 @!p0 $0x4E00;
	s0 =	simm.s32 @!p0 $0x0;
	[sflag:s17] =	ssyncadd.s32 $0xFFFFB200  }
0x2e: {  	[tilespmem:s2], [sflag:$0x5] =	stream.linear.gather @!p0 [hbm4b:s11+s0], $0x80, $0x38;
	[tilespmem:$0x1A500] =	vst v63  }
0x2f: {  	s2 =	simm.s32 @!p0 $0x5  }
0x30: {  	_ =	swait.ge @!p0 [sflag:s2], $0x80  }
0x31: {  	[sflag:s2] =	ssyncset.done @!p0 $0x0  }
0x32: {  	s19 =	simm.s32 @!p0 $0x9C80;
	[sflag:s2] =	ssyncadd.s32 @!p0 $0xFFFFFF80  }
0x33: {  	[tilespmem:s19], [sflag:$0x5] =	stream.linear.gather @!p0 [hbm4b:s12+s0], $0x80, $0x38;
	[tilespmem:$0x1A500] =	vst v63  }
0x34: {  	_ =	swait.ge @!p0 [sflag:s2], $0x80  }
0x35: {  	[sflag:s2] =	ssyncset.done @!p0 $0x0  }
0x36: {  	[sflag:s2] =	ssyncadd.s32 @!p0 $0xFFFFFF80  }
0x37: {  	s2 =	simm.s32 $0x0;
	[bflag:$0x0] =	sbarrier.arrive $0xFFFF  }
0x38: {  	[tilespmem:s21], [sflag:$0x1] =	stream.indirect.gather [spmem:s1], $0x20, s2, s20, $0xb8;
	[tilespmem:$0x1A500] =	vst v63  }
0x39: {  	_ = 	snop  }
0x3a: {  	[tilespmem:s22], [sflag:$0x2] =	stream.indirect.gather [spmem:s1], $0x20, s20, s20, $0xb8;
	[tilespmem:$0x1A500] =	vst v63  }
0x3b: {  	s19 =	simm.s32 $0x100  }
0x3c: {  	[tilespmem:s24], [sflag:$0x3] =	stream.indirect.gather [spmem:s1], $0x20, s19, s20, $0xb8;
	[tilespmem:$0x1A500] =	vst v63  }
0x3d: {  	s2 =	simm.s32 $0x180  }
0x3e: {  	[tilespmem:s26], [sflag:$0x4] =	stream.indirect.gather [spmem:s1], $0x20, s2, s20, $0xb8;
	[tilespmem:$0x1A500] =	vst v63  }
0x3f: {  	_ =	swait.ge [sflag:s28], $0x1000  }
0x40: {  	[sflag:s28] =	ssyncset.done $0x0  }
0x41: {  	s19 =	simm.s32 $0x4E80;
	[sflag:s28] =	ssyncadd.s32 $0xFFFFF000  }
0x42: {  	[spmem:s3] =	stream.indirect.scatter.add.f32 [tilespmem:s21], [sflag:$0x5], $0x20, s19, s20, $0xb8;
	[tilespmem:$0x1A500] =	vst v63  }
0x43: {  	_ =	swait.ge [sflag:s17], $0x1000  }
0x44: {  	[sflag:s17] =	ssyncset.done $0x0  }
0x45: {  	s2 =	simm.s32 $0x200;
	[sflag:s17] =	ssyncadd.s32 $0xFFFFF000  }
0x46: {  	[tilespmem:s21], [sflag:$0x1] =	stream.indirect.gather [spmem:s1], $0x20, s2, s20, $0xb8;
	[tilespmem:$0x1A500] =	vst v63  }
0x47: {  	_ =	swait.ge [sflag:s29], $0x1000  }
0x48: {  	[sflag:s29] =	ssyncset.done $0x0  }
0x49: {  	s19 =	simm.s32 $0x4F00;
	[sflag:s29] =	ssyncadd.s32 $0xFFFFF000  }
0x4a: {  	[spmem:s3] =	stream.indirect.scatter.add.f32 [tilespmem:s22], [sflag:$0x5], $0x20, s19, s20, $0xb8;
	[tilespmem:$0x1A500] =	vst v63  }
0x4b: {  	_ =	swait.ge [sflag:s17], $0x1000  }
0x4c: {  	[sflag:s17] =	ssyncset.done $0x0  }
0x4d: {  	s2 =	simm.s32 $0x280;
	[sflag:s17] =	ssyncadd.s32 $0xFFFFF000  }
0x4e: {  	[tilespmem:s22], [sflag:$0x2] =	stream.indirect.gather [spmem:s1], $0x20, s2, s20, $0xb8;
	[tilespmem:$0x1A500] =	vst v63  }
0x4f: {  	_ =	swait.ge [sflag:s30], $0x1000  }
0x50: {  	[sflag:s30] =	ssyncset.done $0x0  }
0x51: {  	s19 =	simm.s32 $0x4F80;
	[sflag:s30] =	ssyncadd.s32 $0xFFFFF000  }
0x52: {  	[spmem:s3] =	stream.indirect.scatter.add.f32 [tilespmem:s24], [sflag:$0x5], $0x20, s19, s20, $0xb8;
	[tilespmem:$0x1A500] =	vst v63  }
0x53: {  	_ =	swait.ge [sflag:s17], $0x1000  }
0x54: {  	[sflag:s17] =	ssyncset.done $0x0  }
0x55: {  	s2 =	simm.s32 $0x300;
	[sflag:s17] =	ssyncadd.s32 $0xFFFFF000  }
0x56: {  	[tilespmem:s24], [sflag:$0x3] =	stream.indirect.gather [spmem:s1], $0x20, s2, s20, $0xb8;
	[tilespmem:$0x1A500] =	vst v63  }
0x57: {  	_ =	swait.ge [sflag:s31], $0x1000  }
0x58: {  	[sflag:s31] =	ssyncset.done $0x0  }
0x59: {  	s19 =	simm.s32 $0x5000;
	[sflag:s31] =	ssyncadd.s32 $0xFFFFF000  }
0x5a: {  	[spmem:s3] =	stream.indirect.scatter.add.f32 [tilespmem:s26], [sflag:$0x5], $0x20, s19, s20, $0xb8;
	[tilespmem:$0x1A500] =	vst v63  }
0x5b: {  	_ =	swait.ge [sflag:s17], $0x1000  }
0x5c: {  	[sflag:s17] =	ssyncset.done $0x0  }
0x5d: {  	s0 =	simm.s32 $0x380;
	s2 =	simm.s32 $0x800;
	[sflag:s17] =	ssyncadd.s32 $0xFFFFF000  }
.LBB2_4:
0x5e: {  	[tilespmem:s26], [sflag:$0x4] =	stream.indirect.gather [spmem:s1], $0x20, s0, s20, $0xb8;
	[tilespmem:$0x1A500] =	vst v63  }
0x5f: {  	s0 =	smov.u32 s2  }
0x60: {  	p1 =	sne.s32 s2, $0x12800;
	s2 =	sadd.s32 $0x800, s2;
	_ =	swait.ge [sflag:s28], $0x1000  }
0x61: {  	s0 =	sshra.s32 s0, $0x2;
	[sflag:s28] =	ssyncset.done $0x0  }
0x62: {  	s19 =	sadd.s32 $0x4E80, s0;
	[sflag:s28] =	ssyncadd.s32 $0xFFFFF000  }
0x63: {  	[spmem:s3] =	stream.indirect.scatter.add.f32 [tilespmem:s21], [sflag:$0x5], $0x20, s19, s20, $0xb8;
	[tilespmem:$0x1A500] =	vst v63  }
0x64: {  	_ =	swait.ge [sflag:s17], $0x1000  }
0x65: {  	[sflag:s17] =	ssyncset.done $0x0  }
0x66: {  	s19 =	sadd.s32 $0x200, s0;
	[sflag:s17] =	ssyncadd.s32 $0xFFFFF000  }
0x67: {  	[tilespmem:s21], [sflag:$0x1] =	stream.indirect.gather [spmem:s1], $0x20, s19, s20, $0xb8;
	[tilespmem:$0x1A500] =	vst v63  }
0x68: {  	_ =	swait.ge [sflag:s29], $0x1000  }
0x69: {  	[sflag:s29] =	ssyncset.done $0x0  }
0x6a: {  	s19 =	sadd.s32 $0x4F00, s0;
	[sflag:s29] =	ssyncadd.s32 $0xFFFFF000  }
0x6b: {  	[spmem:s3] =	stream.indirect.scatter.add.f32 [tilespmem:s22], [sflag:$0x5], $0x20, s19, s20, $0xb8;
	[tilespmem:$0x1A500] =	vst v63  }
0x6c: {  	_ =	swait.ge [sflag:s17], $0x1000  }
0x6d: {  	[sflag:s17] =	ssyncset.done $0x0  }
0x6e: {  	s19 =	sadd.s32 $0x280, s0;
	[sflag:s17] =	ssyncadd.s32 $0xFFFFF000  }
0x6f: {  	[tilespmem:s22], [sflag:$0x2] =	stream.indirect.gather [spmem:s1], $0x20, s19, s20, $0xb8;
	[tilespmem:$0x1A500] =	vst v63  }
0x70: {  	_ =	swait.ge [sflag:s30], $0x1000  }
0x71: {  	[sflag:s30] =	ssyncset.done $0x0  }
0x72: {  	s19 =	sadd.s32 $0x4F80, s0;
	[sflag:s30] =	ssyncadd.s32 $0xFFFFF000  }
0x73: {  	[spmem:s3] =	stream.indirect.scatter.add.f32 [tilespmem:s24], [sflag:$0x5], $0x20, s19, s20, $0xb8;
	[tilespmem:$0x1A500] =	vst v63  }
0x74: {  	_ =	swait.ge [sflag:s17], $0x1000  }
0x75: {  	[sflag:s17] =	ssyncset.done $0x0  }
0x76: {  	s19 =	sadd.s32 $0x300, s0;
	[sflag:s17] =	ssyncadd.s32 $0xFFFFF000  }
0x77: {  	[tilespmem:s24], [sflag:$0x3] =	stream.indirect.gather [spmem:s1], $0x20, s19, s20, $0xb8;
	[tilespmem:$0x1A500] =	vst v63  }
0x78: {  	_ =	swait.ge [sflag:s31], $0x1000  }
0x79: {  	[sflag:s31] =	ssyncset.done $0x0  }
.Ltmp1:
0x7a: {  	s19 =	sadd.s32 $0x5000, s0;
	[sflag:s31] =	ssyncadd.s32 $0xFFFFF000;
	(pc) =	sbr.rel @p1 .LBB2_4-.Ltmp1, $4  }
0x7b: {  	[spmem:s3] =	stream.indirect.scatter.add.f32 [tilespmem:s26], [sflag:$0x5], $0x20, s19, s20, $0xb8;
	[tilespmem:$0x1A500] =	vst v63  }
0x7c: {  	_ =	swait.ge [sflag:s17], $0x1000  }
0x7d: {  	[sflag:s17] =	ssyncset.done $0x0  }
0x7e: {  	s0 =	sadd.s32 $0x380, s0;
	[sflag:s17] =	ssyncadd.s32 $0xFFFFF000  }
0x7f: {  	[tilespmem:s26], [sflag:$0x4] =	stream.indirect.gather [spmem:s1], $0x20, s0, s20, $0xb8;
	[tilespmem:$0x1A500] =	vst v63  }
0x80: {  	_ =	swait.ge [sflag:s28], $0x1000  }
0x81: {  	[sflag:s28] =	ssyncset.done $0x0  }
0x82: {  	s19 =	simm.s32 $0x9A80;
	[sflag:s28] =	ssyncadd.s32 $0xFFFFF000  }
0x83: {  	[spmem:s3] =	stream.indirect.scatter.add.f32 [tilespmem:s21], [sflag:$0x5], $0x20, s19, s20, $0xb8;
	[tilespmem:$0x1A500] =	vst v63  }
0x84: {  	_ =	swait.ge [sflag:s17], $0x1000  }
0x85: {  	[sflag:s17] =	ssyncset.done $0x0  }
0x86: {  	[sflag:s17] =	ssyncadd.s32 $0xFFFFF000  }
0x87: {  	_ =	swait.ge [sflag:s29], $0x1000  }
0x88: {  	[sflag:s29] =	ssyncset.done $0x0  }
0x89: {  	s2 =	simm.s32 $0x9B00;
	[sflag:s29] =	ssyncadd.s32 $0xFFFFF000  }
0x8a: {  	[spmem:s3] =	stream.indirect.scatter.add.f32 [tilespmem:s22], [sflag:$0x5], $0x20, s2, s20, $0xb8;
	[tilespmem:$0x1A500] =	vst v63  }
0x8b: {  	_ =	swait.ge [sflag:s17], $0x1000  }
0x8c: {  	[sflag:s17] =	ssyncset.done $0x0  }
0x8d: {  	[sflag:s17] =	ssyncadd.s32 $0xFFFFF000  }
0x8e: {  	_ =	swait.ge [sflag:s30], $0x1000  }
0x8f: {  	[sflag:s30] =	ssyncset.done $0x0  }
0x90: {  	s19 =	simm.s32 $0x9B80;
	[sflag:s30] =	ssyncadd.s32 $0xFFFFF000  }
0x91: {  	[spmem:s3] =	stream.indirect.scatter.add.f32 [tilespmem:s24], [sflag:$0x5], $0x20, s19, s20, $0xb8;
	[tilespmem:$0x1A500] =	vst v63  }
0x92: {  	_ =	swait.ge [sflag:s17], $0x1000  }
0x93: {  	[sflag:s17] =	ssyncset.done $0x0  }
0x94: {  	[sflag:s17] =	ssyncadd.s32 $0xFFFFF000  }
0x95: {  	_ =	swait.ge [sflag:s31], $0x1000  }
0x96: {  	[sflag:s31] =	ssyncset.done $0x0  }
0x97: {  	[sflag:s31] =	ssyncadd.s32 $0xFFFFF000  }
0x98: {  	[spmem:s3] =	stream.indirect.scatter.add.f32 [tilespmem:s26], [sflag:$0x5], $0x20, s23, s20, $0xb8;
	[tilespmem:$0x1A500] =	vst v63  }
0x99: {  	_ =	swait.ge [sflag:s17], $0x1000  }
0x9a: {  	s0 =	simm.s32 @!p0 $0x80;
	[sflag:s17] =	ssyncset.done $0x0  }
0x9b: {  	s2 =	simm.s32 @!p0 $0x4E00;
	s19 =	simm.s32 @!p0 $0x9D00;
	[sflag:s17] =	ssyncadd.s32 $0xFFFFF000  }
0x9c: {  	[tilespmem:s19], [sflag:$0x1] =	stream.indirect.gather @!p0 [spmem:s1], $0x20, s2, s0, $0xb8;
	[tilespmem:$0x1A500] =	vst v63  }
0x9d: {  	s2 =	simm.s32 @!p0 $0x1  }
0x9e: {  	_ =	swait.ge @!p0 [sflag:s2], $0x1000  }
0x9f: {  	[sflag:s2] =	ssyncset.done @!p0 $0x0  }
0xa0: {  	[sflag:s2] =	ssyncadd.s32 @!p0 $0xFFFFF000;
	s2 =	simm.s32 @!p0 $0x9C80  }
0xa1: {  	[spmem:s3] =	stream.indirect.scatter.add.f32 @!p0 [tilespmem:s19], [sflag:$0x5], $0x20, s2, s0, $0xb8;
	[tilespmem:$0x1A500] =	vst v63  }
0xa2: {  	s0 =	simm.s32 @!p0 $0x5  }
0xa3: {  	_ =	swait.ge @!p0 [sflag:s0], $0x1000  }
0xa4: {  	[sflag:s0] =	ssyncset.done @!p0 $0x0  }
0xa5: {  	[sflag:s0] =	ssyncadd.s32 @!p0 $0xFFFFF000  }
0xa6: {  	[bflag:$0x0] =	sbarrier.arrive $0xFFFF  }
0xa7: {  	[tilespmem:s18], [sflag:$0x5] =	stream.linear.gather [spmem:s7], $0x2800, $0x38;
	[tilespmem:$0x1A500] =	vst v63  }
0xa8: {  	_ =	swait.ge [sflag:s17], $0x2800  }
0xa9: {  	[sflag:s17] =	ssyncset.done $0x0  }
0xaa: {  	[sflag:s17] =	ssyncadd.s32 $0xFFFFD800  }
0xab: {  	[hbm4b:s13+s4] =	stream.linear.scatter [tilespmem:s18], [sflag:$0x5], $0x2800, $0x38;
	[tilespmem:$0x1A500] =	vst v63  }
0xac: {  	_ =	swait.ge [sflag:s17], $0x2800  }
0xad: {  	[sflag:s17] =	ssyncset.done $0x0  }
0xae: {  	[sflag:s17] =	ssyncadd.s32 $0xFFFFD800  }
0xaf: {  	[tilespmem:s18], [sflag:$0x5] =	stream.linear.gather [spmem:s8], $0x2800, $0x38;
	[tilespmem:$0x1A500] =	vst v63  }
0xb0: {  	s25 =	sadd.s32 $0x1, s25;
	_ =	swait.ge [sflag:s17], $0x2800  }
0xb1: {  	p1 =	sne.s32 s25, s15;
	[sflag:s17] =	ssyncset.done $0x0  }
.Ltmp2:
0xb2: {  	[sflag:s17] =	ssyncadd.s32 $0xFFFFD800;
	(pc) =	sbr.rel @p1 .LBB2_1-.Ltmp2, $4  }
0xb3: {  	[hbm4b:s14+s4] =	stream.linear.scatter [tilespmem:s18], [sflag:$0x5], $0x2800, $0x38;
	[tilespmem:$0x1A500] =	vst v63  }
0xb4: {  	_ =	swait.ge [sflag:s17], $0x2800  }
0xb5: {  	[sflag:s17] =	ssyncset.done $0x0  }
0xb6: {  	[sflag:s17] =	ssyncadd.s32 $0xFFFFD800  }
0xb7: {  	_ =	sfence.sel $0x180000  }
0xb8: {  	[bflag:$0x0] =	sbarrier.arrive $0xFFFF  }
0xb9: {  	_ =	strace $0x9000004A  }
0xba: {  	s0 =	stileid.u32;
	[bflag:$0x2] =	sbarrier.arrive $0xFFFF  }
0xbb: {  	p0 =	sne.s32 s0, $0x0;
	s0 =	rddreg [dreg:$0x3]  }
0xbc: {  	s0 =	sadd.s32 @!p0 $0x100000, s0  }
0xbd: {  	[sflag:s0] =	ssyncadd.tile.s32 @!p0 $0x1;
	_ =	shalt  }
.Lfunc_end2:
_tile_overlayer_lowered:
.L_overlay_start_2:
0xbe: {  	(tag) =	ssettag $0x2  }
0xbf: {  	s0 =	rddreg [dreg:$0x0];
	s2 =	stileid.u32  }
0xc0: {  	s1 =	rddreg [dreg:$0x1];
	p0 =	sne.s32 s2, $0x0  }
0xc1: {  	s3 =	rddreg [dreg:$0x2];
	[bflag:$0x3] =	sbarrier.arrive $0xFFFF;
	s2 =	simm.s32 @!p0 $0x1C05  }
0xc2: {  	[timem:s3], [sflag:s2] =	dma.local @!p0 [hbm:s0], s1  }
0xc3: {  	s0 =	simm.s32 @!p0 $0x5  }
0xc4: {  	_ =	swait.ge @!p0 [sflag:s0], s1  }
0xc5: {  	s1 =	ssub.s32 @!p0 $0x0, s1;
	[sflag:s0] =	ssyncset.done @!p0 $0x0  }
0xc6: {  	[sflag:s0] =	ssyncadd.s32 @!p0 s1  }
0xc7: {  	[bflag:$0x3] =	sbarrier.arrive $0xFFFF  }
0xc8: {  	_ =	shalt  }

// kernel: kernel.14.cloned.1.call-start
scs
__scs_entry_jumppad:
0x0: {  	(pc) =	sbr.rel $0x88, $3  }
0x1: {  	(tag) =	ssettag $0x0;
	lr =	simm.s32 $0x1  }
0x2: {  	[smem:$0x3F9B] =	sst lr;
	_ =	strace $0xD0000000  }
0x3: {  	_ = 	snop  }
0x4: {  	_ = 	snop  }
0x5: {  	_ = 	snop  }
0x6: {  	_ = 	snop  }
0x7: {  	_ = 	snop  }
__scs_overlays_trampoline_lowered:
0x8: {  	[smem:$0x3FAA] =	sst s0  }
0x9: {  	[smem:$0x3FAB] =	sst s1  }
0xa: {  	[smem:$0x3FAC] =	sst s2  }
0xb: {  	[smem:$0x3FAD] =	sst s3  }
0xc: {  	[smem:$0x3FAE] =	sst s4  }
0xd: {  	[smem:$0x3FAF] =	sst s5  }
0xe: {  	[smem:$0x3FB0] =	sst s6  }
0xf: {  	[smem:$0x3FB1] =	sst s7  }
0x10: {  	[smem:$0x3FB2] =	sst s8  }
0x11: {  	[smem:$0x3FB3] =	sst s9;
	s0 =	simm.s32 @!p0 $0x0  }
0x12: {  	s1 =	sld [smem:$0x3F99];
	s0 =	simm.s32 @p0 $0x1  }
0x13: {  	[smem:$0x3FB4] =	sst s0;
	s0 =	simm.s32 @!p1 $0x0  }
0x14: {  	s2 =	sld [smem:$0x3F98];
	s0 =	simm.s32 @p1 $0x1  }
0x15: {  	[smem:$0x3FB5] =	sst s0;
	s0 =	simm.s32 @!p2 $0x0  }
0x16: {  	s3 =	sld [smem:$0x3FDB];
	s0 =	simm.s32 @p2 $0x1  }
0x17: {  	s4 =	simm.s32 $0x1BF5;
	[smem:$0x3FB7] =	sst s0  }
0x18: {  	s0 =	sld [smem:$0x3F9A];
	_ =	swait.ge [sflag:s4], $0x0  }
0x19: {  	s7 =	sld [smem:$0x3F9B]  }
0x1a: {  	s8 =	sadd.s32 $0xFFFFE003, lr  }
0x1b: {  	s9 =	sadd.s32 $0xFFFFFEF7, lr;
	s5 =	simm.s32 $0xFFFFFFFF;
	p2 =	slt.u32 s8, $0xFFFFF086  }
0x1c: {  	p1 =	slt.u32 s9, $0xF7A;
	s5 =	simm.s32 @!p2 $0x0  }
0x1d: {  	s5 =	simm.s32 @p1 $0x1;
	p0 =	seq.s32 s7, s2  }
0x1e: {  	s7 =	smul.u32 @!p0 $0xF7A, s2;
	p2 =	seq.s32 @!p0 s5, $0x0  }
0x1f: {  	s9 =	smul.u32 $0xF7A, s1;
	s8 =	simm.s32 @!p0 $0x1BF5;
	p2 =	por !p2, p0  }
0x20: {  	[sflag:s8] =	ssyncset.s32 @!p0 $0xFFFFF086;
	s6 =	sadd.s32 @!p0 s3, s7;
	s7 =	simm.s32 @!p0 $0x108  }
0x21: {  	s3 =	sadd.s32 s3, s9;
	s6 =	sadd.s32 @!p0 $0x88, s6;
	s7 =	simm.s32 @p2 $0x1082  }
0x22: {  	[simem:s7], [sflag:s8] =	dma.local @!p0 [hbm:s6], $0xF7A  }
0x23: {  	s9 =	sor.u32 $0xD0000000, s2;
	s6 =	simm.s32 $0x108;
	_ =	swait.ge @!p0 [sflag:s8], $0x0  }
0x24: {  	s3 =	sadd.s32 $0x88, s3;
	s6 =	simm.s32 @!p1 $0x1082;
	[sflag:s4] =	ssyncset.s32 $0xFFFFF086  }
0x25: {  	[simem:s6], [sflag:s4] =	dma.local [hbm:s3], $0xF7A  }
0x26: {  	[smem:$0x3F9B] =	sst s1;
	(tag) =	ssettag s2;
	_ =	strace s9  }
0x27: {  	s1 =	sld [smem:$0x3FAB]  }
0x28: {  	s2 =	sld [smem:$0x3FAC]  }
0x29: {  	s4 =	sld [smem:$0x3FAE]  }
0x2a: {  	p0 =	seq.s32 s5, $0x0;
	s5 =	sld [smem:$0x3FAF]  }
0x2b: {  	s6 =	sld [smem:$0x3FB0]  }
0x2c: {  	s7 =	sld [smem:$0x3FB1]  }
0x2d: {  	s3 =	simm.s32 $0x108;
	s8 =	sld [smem:$0x3FB2]  }
0x2e: {  	s3 =	simm.s32 @!p0 $0x1082;
	s9 =	sld [smem:$0x3FB3]  }
0x2f: {  	lr =	sadd.s32 s0, s3;
	s0 =	sld [smem:$0x3FAA]  }
0x30: {  	s3 =	sld [smem:$0x3FAD]  }
0x31: {  	[smem:$0x3FB6] =	sst s10  }
0x32: {  	s10 =	sld [smem:$0x3FB4];
	_ =	sdelay $0x3  }
0x33: {  	p0 =	seq.s32 s10, $0x1;
	s10 =	sld [smem:$0x3FB6];
	_ =	sdelay $0x3  }
0x34: {  	[smem:$0x3FB6] =	sst s10  }
0x35: {  	s10 =	sld [smem:$0x3FB5];
	_ =	sdelay $0x3  }
0x36: {  	p1 =	seq.s32 s10, $0x1;
	s10 =	sld [smem:$0x3FB6];
	_ =	sdelay $0x3  }
0x37: {  	[smem:$0x3FB6] =	sst s10  }
0x38: {  	s10 =	sld [smem:$0x3FB7]  }
0x39: {  	_ = 	snop;
	(pc) =	sbr.ind lr, $3  }
0x3a: {  	_ = 	snop  }
0x3b: {  	_ = 	snop  }
0x3c: {  	p2 =	seq.s32 s10, $0x1;
	s10 =	sld [smem:$0x3FB6]  }
0x3d: {  	_ =	shalt  }
0x3e: {  	_ =	shalt  }
0x3f: {  	_ =	shalt  }
0x40: {  	_ =	shalt  }
0x41: {  	_ =	shalt  }
0x42: {  	_ =	shalt  }
0x43: {  	_ =	shalt  }
0x44: {  	_ =	shalt  }
0x45: {  	_ =	shalt  }
0x46: {  	_ =	shalt  }
0x47: {  	_ =	shalt  }
0x48: {  	_ =	shalt  }
0x49: {  	_ =	shalt  }
0x4a: {  	_ =	shalt  }
0x4b: {  	_ =	shalt  }
0x4c: {  	_ =	shalt  }
0x4d: {  	_ =	shalt  }
0x4e: {  	_ =	shalt  }
0x4f: {  	_ =	shalt  }
0x50: {  	_ =	shalt  }
0x51: {  	_ =	shalt  }
0x52: {  	_ =	shalt  }
0x53: {  	_ =	shalt  }
0x54: {  	_ =	shalt  }
0x55: {  	_ =	shalt  }
0x56: {  	_ =	shalt  }
0x57: {  	_ =	shalt  }
0x58: {  	_ =	shalt  }
0x59: {  	_ =	shalt  }
0x5a: {  	_ =	shalt  }
0x5b: {  	_ =	shalt  }
0x5c: {  	_ =	shalt  }
0x5d: {  	_ =	shalt  }
0x5e: {  	_ =	shalt  }
0x5f: {  	_ =	shalt  }
0x60: {  	_ =	shalt  }
0x61: {  	_ =	shalt  }
0x62: {  	_ =	shalt  }
0x63: {  	_ =	shalt  }
0x64: {  	_ =	shalt  }
0x65: {  	_ =	shalt  }
0x66: {  	_ =	shalt  }
0x67: {  	_ =	shalt  }
0x68: {  	_ =	shalt  }
0x69: {  	_ =	shalt  }
0x6a: {  	_ =	shalt  }
0x6b: {  	_ =	shalt  }
0x6c: {  	_ =	shalt  }
0x6d: {  	_ =	shalt  }
0x6e: {  	_ =	shalt  }
0x6f: {  	_ =	shalt  }
0x70: {  	_ =	shalt  }
0x71: {  	_ =	shalt  }
0x72: {  	_ =	shalt  }
0x73: {  	_ =	shalt  }
0x74: {  	_ =	shalt  }
0x75: {  	_ =	shalt  }
0x76: {  	_ =	shalt  }
0x77: {  	_ =	shalt  }
0x78: {  	_ =	shalt  }
0x79: {  	_ =	shalt  }
0x7a: {  	_ =	shalt  }
0x7b: {  	_ =	shalt  }
0x7c: {  	_ =	shalt  }
0x7d: {  	_ =	shalt  }
0x7e: {  	_ =	shalt  }
0x7f: {  	_ =	shalt  }
0x80: {  	_ =	shalt  }
0x81: {  	_ =	shalt  }
0x82: {  	_ =	shalt  }
0x83: {  	_ =	shalt  }
0x84: {  	_ =	shalt  }
0x85: {  	_ =	shalt  }
0x86: {  	_ =	shalt  }
0x87: {  	_ =	shalt  }
.Lfunc_end0:
.L_simem_size_0:
called_computation.2_lowered:
.L_overlay_start_0:
0x88: {  	s2 =	sld [smem:$0x3FD9]  }
0x89: {  	s3 =	sld [smem:$0x3FFE];
	_ =	sdelay $0x1  }
0x8a: {  	s1 =	srdreg.scid  }
0x8b: {  	s0 =	sand.u32 $0x1, s1  }
0x8c: {  	s16 =	sshll.u32 s0, $0xA;
	s2 =	sadd.s32 s3, s2  }
0x8d: {  	s2 =	sadd.s32 s2, s16  }
0x8e: {  	[smem:$0x3FC2] =	sst s2  }
0x8f: {  	_ = 	snop  }
0x90: {  	(tm) =	ssettm $0x1  }
0x91: {  	s17 =	sld [smem:$0x3FFB];
	_ =	sdelay $0x3  }
0x92: {  	_ =	strace s17  }
0x93: {  	s2 =	sld [smem:$0x3FFC];
	_ =	sdelay $0x3  }
0x94: {  	_ =	strace s2  }
0x95: {  	s2 =	sld [smem:$0x3FFD];
	_ =	sdelay $0x3  }
0x96: {  	_ =	strace s2  }
0x97: {  	_ =	strace $0x8FFFFFFF  }
0x98: {  	s18 =	sld [smem:$0x3FDB];
	_ =	sdelay $0x1  }
0x99: {  	s19 =	simm.s32 $_scs_section_size  }
0x9a: {  	s4 =	simm.s32 $_size__tile_overlayer_lowered;
	s5 =	simm.s32 $_tile_overlayer_lowered  }
0x9b: {  	s22 =	simm.s32 $0x1BFF;
	s21 =	sshll.u32 s5, $0x1;
	s2 =	sadd.s32 s19, s18  }
0x9c: {  	s6 =	simm.s32 $0x0;
	s20 =	sshll.u32 s4, $0x1;
	s4 =	sadd.s32 s21, s2  }
0x9d: {  	[timem:s6], [sflag:s22] =	dma.local [hbm:s4], s20  }
0x9e: {  	_ =	swait.ge [sflag:s22], s20  }
0x9f: {  	s3 =	ssub.s32 $0x0, s20;
	[sflag:s22] =	ssyncset.done $0x0  }
0xa0: {  	[sflag:s22] =	ssyncadd.s32 s3;
	_ =	sdelay $0x1  }
0xa1: {  	s23 =	simm.s32 $0x1B8B  }
0xa2: {  	_ =	swait.ge [sflag:s23], $0x1  }
0xa3: {  	[sflag:s23] =	ssyncset.done $0x0  }
0xa4: {  	s25 =	simm.s32 $0x1B8E;
	s24 =	sld [smem:$0x3FFE];
	[sflag:s23] =	ssyncadd.s32 $0xFFFFFFFF  }
0xa5: {  	s26 =	simm.s32 $execute0_lowered;
	[smem:$0x3FD2] =	sst s25  }
0xa6: {  	s4 =	sshll.u32 s26, $0x1;
	_ =	strace $0x8000004C;
	[dreg:$0x1] =	wrdreg $0xFFFFFFFF  }
0xa7: {  	s28 =	simm.s32 $_size_execute0_lowered;
	s2 =	sadd.s32 s2, s4;
	[dreg:$0x0] =	wrdreg $0x0  }
0xa8: {  	s4 =	sshll.u32 s28, $0x1;
	[dreg:$0x2] =	wrdreg s2  }
0xa9: {  	[dreg:$0x3] =	wrdreg s4  }
0xaa: {  	[dreg:$0x4] =	wrdreg $0xC0  }
0xab: {  	_ =	task [dreg:s6], $0x5FFFF  }
0xac: {  	[dreg:$0x1] =	wrdreg $0xFFFFFFFF  }
0xad: {  	[dreg:$0x0] =	wrdreg $0x60  }
0xae: {  	[dreg:$0x2] =	wrdreg s24  }
0xaf: {  	[dreg:$0x3] =	wrdreg $0xEB000  }
0xb0: {  	[dreg:$0x4] =	wrdreg $0x127000  }
0xb1: {  	[dreg:$0x5] =	wrdreg $0x9  }
0xb2: {  	_ =	task.clear_ibuf [dreg:s6], $0x6FFFF;
	_ =	strace $0x9000004C  }
0xb3: {  	s29 =	simm.s32 $0x9;
	_ =	strace $0x8000004E  }
0xb4: {  	_ =	swait.ge [sflag:s29], $0x1  }
0xb5: {  	[sflag:s29] =	ssyncadd.s32 $0xFFFFFFFF  }
0xb6: {  	_ =	strace $0x9000004E  }
0xb7: {  	_ =	sfence  }
0xb8: {  	s30 =	sld [smem:$0x0];
	_ =	sdelay $0x2  }
0xb9: {  	s31 =	sshll.u32 s1, $0xD;
	s1 =	sshrl.u32 s1, $0x2  }
0xba: {  	s3 =	sand.u32 $0x4000, s31;
	s1 =	sadd.s32 s1, s30  }
0xbb: {  	s0 =	sor.u32 s3, s0;
	s1 =	sshll.u32 s1, $0x11  }
0xbc: {  	s0 =	sor.u32 s1, s0  }
0xbd: {  	s0 =	sadd.s32 $0x8F2B, s0  }
0xbe: {  	[sflag:s0] =	ssyncadd.remote.s32 $0x1  }
0xbf: {  	_ =	sfence.sel $0xFFFF  }
0xc0: {  	[dreg:$0x0] =	wrdreg $0xFFFFFFFF;
	(pc) =	sbr.abs _section_cstart, $3  }
0xc1: {  	[dreg:$0x1] =	wrdreg $0xFFFFFFFF  }
0xc2: {  	_ =	task.clear_ibuf [dreg:s6], $0x2FFFF;
	_ =	strace $0x9FFFFFFF  }
0xc3: {  	(tm) =	ssettm $0x7FFFFFFF  }
tec
execute0_lowered:
.L_overlay_start_1:
0x0: {  	(tag) =	ssettag $0x1  }
0x1: {  	s0 =	rddreg [dreg:$0x0]  }
0x2: {  	s1 =	rddreg [dreg:$0x1];
	s18 =	stileid.u32  }
0x3: {  	s4 =	srdreg.scid;
	s3 =	rddreg [dreg:$0x2];
	s17 =	simm.s32 $0x5  }
0x4: {  	s20 =	simm.s32 $0x80;
	s21 =	simm.s32 $0x9D00;
	s22 =	simm.s32 $0xA900  }
0x5: {  	s28 =	simm.s32 $0x1;
	s29 =	simm.s32 $0x2;
	s30 =	simm.s32 $0x3  }
0x6: {  	s31 =	simm.s32 $0x4;
	s23 =	simm.s32 $0x9C00;
	s2 =	smul.u32 $0x9C, s18  }
0x7: {  	s5 =	sand.u32 $0x1, s4;
	s7 =	smul.u32 $0x3C00, s18;
	s4 =	simm.s32 $0x0  }
0x8: {  	s6 =	smin.u32 s18, $0x4;
	s25 =	sshll.u32 s18, $0x6;
	p0 =	sgt.u32 s18, $0x3  }
0x9: {  	s18 =	simm.s32 $0xCD00;
	s11 =	smul.u32 $0x3C000, s5;
	[smem:$0x7FF] =	sst s4  }
0xa: {  	s5 =	ssub.s32 $0x2, s5;
	_ =	strace $0x8000004D;
	s2 =	sadd.s32 s6, s2  }
0xb: {  	s8 =	sshrl.u32 s5, $0x1;
	s16 =	sadd.s32 s7, s1;
	s12 =	sadd.s32 $0x1E00, s7  }
0xc: {  	s24 =	sadd.s32 s7, s11;
	s2 =	sshll.u32 s2, $0x4;
	s15 =	ssub.s32 s5, s8  }
0xd: {  	s7 =	sadd.s32 s7, s3;
	s8 =	sadd.s32 s12, s3;
	s14 =	sadd.s32 s11, s12  }
0xe: {  	s16 =	sshrl.u32 s16, $0x3;
	s13 =	sshrl.u32 s24, $0x3;
	s2 =	sadd.s32 s2, s0  }
0xf: {  	s26 =	sshrl.u32 s14, $0x3;
	s15 =	smax.u32 s15, $0x1;
	s24 =	simm.s32 $0xB500  }
0x10: {  	s6 =	sadd.s32 s13, s0;
	s0 =	sadd.s32 $0x75600, s0;
	s9 =	sadd.s32 $0x2C00, s2  }
0x11: {  	s10 =	sadd.s32 $0xC840, s2;
	s11 =	sadd.s32 $0x35C0, s2;
	s12 =	sadd.s32 $0xD200, s2  }
0x12: {  	s5 =	sadd.s32 $0x66600, s6;
	s6 =	sor.u32 $0x1C05, s25;
	s13 =	sadd.s32 s0, s13  }
0x13: {  	v0 =	vimm.f32 $0.0e+00;
	s14 =	sadd.s32 s0, s26;
	s26 =	simm.s32 $0xC100;
	s25 =	simm.s32 $0x0  }
.LBB2_1:
0x14: {  	[spmem:s16], [sflag:s6] =	dma.local [hbm:s5], $0x780  }
0x15: {  	_ =	swait.ge [sflag:s17], $0x780  }
0x16: {  	[sflag:s17] =	ssyncset.done $0x0  }
0x17: {  	s2 =	simm.s32 $0x0;
	[sflag:s17] =	ssyncadd.s32 $0xFFFFF880  }
0x18: {  	s0 =	simm.s32 $0x60;
	[tilespmem:s2+$0xCD00] =	vst v0  }
.LBB2_2:
0x19: {  	p1 =	sne.s32 s0, $0x77A0;
	[tilespmem:s2+$0xCD08] =	vst v0;
	s2 =	smov.u32 s0;
	s0 =	sadd.s32 $0x60, s0  }
.Ltmp0:
0x1a: {  	(pc) =	sbr.rel @p1 .LBB2_2-.Ltmp0, $3  }
0x1b: {  	_ =	sdelay $0x1  }
0x1c: {  	s2 =	sshra.s32 s2, $0x2  }
0x1d: {  	[tilespmem:s2+$0xCD00] =	vst v0  }
0x1e: {  	[tilespmem:s2+$0xCD08] =	vst v0  }
0x1f: {  	[spmem:s7] =	stream.linear.scatter [tilespmem:s18], [sflag:$0x5], $0x1E00, $0x38;
	[tilespmem:$0x16300] =	vst v63  }
0x20: {  	_ =	swait.ge [sflag:s17], $0x1E00  }
0x21: {  	[sflag:s17] =	ssyncset.done $0x0  }
0x22: {  	[sflag:s17] =	ssyncadd.s32 $0xFFFFE200  }
0x23: {  	[spmem:s8] =	stream.linear.scatter [tilespmem:s18], [sflag:$0x5], $0x1E00, $0x38;
	[tilespmem:$0x16300] =	vst v63  }
0x24: {  	_ =	swait.ge [sflag:s17], $0x1E00  }
0x25: {  	[sflag:s17] =	ssyncset.done $0x0  }
0x26: {  	[sflag:s17] =	ssyncadd.s32 $0xFFFFE200  }
0x27: {  	[tilespmem:s4], [sflag:$0x5] =	stream.linear.gather [hbm4b:s9+s4], $0x4E00, $0x38;
	[tilespmem:$0x16300] =	vst v63  }
0x28: {  	_ =	swait.ge [sflag:s17], $0x4E00  }
0x29: {  	[sflag:s17] =	ssyncset.done $0x0  }
0x2a: {  	s0 =	simm.s32 $0x4E80;
	[sflag:s17] =	ssyncadd.s32 $0xFFFFB200  }
0x2b: {  	[tilespmem:s0], [sflag:$0x5] =	stream.linear.gather [hbm4b:s10+s4], $0x4E00, $0x38;
	[tilespmem:$0x16300] =	vst v63  }
0x2c: {  	_ =	swait.ge [sflag:s17], $0x4E00  }
0x2d: {  	[sflag:s17] =	ssyncset.done $0x0  }
0x2e: {  	s2 =	simm.s32 @!p0 $0x4E00;
	s0 =	simm.s32 @!p0 $0x0;
	[sflag:s17] =	ssyncadd.s32 $0xFFFFB200  }
0x2f: {  	[tilespmem:s2], [sflag:$0x5] =	stream.linear.gather @!p0 [hbm4b:s11+s0], $0x80, $0x38;
	[tilespmem:$0x16300] =	vst v63  }
0x30: {  	s2 =	simm.s32 @!p0 $0x5  }
0x31: {  	_ =	swait.ge @!p0 [sflag:s2], $0x80  }
0x32: {  	[sflag:s2] =	ssyncset.done @!p0 $0x0  }
0x33: {  	s19 =	simm.s32 @!p0 $0x9C80;
	[sflag:s2] =	ssyncadd.s32 @!p0 $0xFFFFFF80  }
0x34: {  	[tilespmem:s19], [sflag:$0x5] =	stream.linear.gather @!p0 [hbm4b:s12+s0], $0x80, $0x38;
	[tilespmem:$0x16300] =	vst v63  }
0x35: {  	_ =	swait.ge @!p0 [sflag:s2], $0x80  }
0x36: {  	[sflag:s2] =	ssyncset.done @!p0 $0x0  }
0x37: {  	[sflag:s2] =	ssyncadd.s32 @!p0 $0xFFFFFF80  }
0x38: {  	s2 =	simm.s32 $0x0;
	[bflag:$0x0] =	sbarrier.arrive $0xFFFF  }
0x39: {  	[tilespmem:s21], [sflag:$0x1] =	stream.indirect.gather [spmem:s1], $0x18, s2, s20, $0xb8;
	[tilespmem:$0x16300] =	vst v63  }
0x3a: {  	_ = 	snop  }
0x3b: {  	[tilespmem:s22], [sflag:$0x2] =	stream.indirect.gather [spmem:s1], $0x18, s20, s20, $0xb8;
	[tilespmem:$0x16300] =	vst v63  }
0x3c: {  	s19 =	simm.s32 $0x100  }
0x3d: {  	[tilespmem:s24], [sflag:$0x3] =	stream.indirect.gather [spmem:s1], $0x18, s19, s20, $0xb8;
	[tilespmem:$0x16300] =	vst v63  }
0x3e: {  	s2 =	simm.s32 $0x180  }
0x3f: {  	[tilespmem:s26], [sflag:$0x4] =	stream.indirect.gather [spmem:s1], $0x18, s2, s20, $0xb8;
	[tilespmem:$0x16300] =	vst v63  }
0x40: {  	_ =	swait.ge [sflag:s28], $0xC00  }
0x41: {  	[sflag:s28] =	ssyncset.done $0x0  }
0x42: {  	s19 =	simm.s32 $0x4E80;
	[sflag:s28] =	ssyncadd.s32 $0xFFFFF400  }
0x43: {  	[spmem:s3] =	stream.indirect.scatter.add.f32 [tilespmem:s21], [sflag:$0x5], $0x18, s19, s20, $0xb8;
	[tilespmem:$0x16300] =	vst v63  }
0x44: {  	_ =	swait.ge [sflag:s17], $0xC00  }
0x45: {  	[sflag:s17] =	ssyncset.done $0x0  }
0x46: {  	s2 =	simm.s32 $0x200;
	[sflag:s17] =	ssyncadd.s32 $0xFFFFF400  }
0x47: {  	[tilespmem:s21], [sflag:$0x1] =	stream.indirect.gather [spmem:s1], $0x18, s2, s20, $0xb8;
	[tilespmem:$0x16300] =	vst v63  }
0x48: {  	_ =	swait.ge [sflag:s29], $0xC00  }
0x49: {  	[sflag:s29] =	ssyncset.done $0x0  }
0x4a: {  	s19 =	simm.s32 $0x4F00;
	[sflag:s29] =	ssyncadd.s32 $0xFFFFF400  }
0x4b: {  	[spmem:s3] =	stream.indirect.scatter.add.f32 [tilespmem:s22], [sflag:$0x5], $0x18, s19, s20, $0xb8;
	[tilespmem:$0x16300] =	vst v63  }
0x4c: {  	_ =	swait.ge [sflag:s17], $0xC00  }
0x4d: {  	[sflag:s17] =	ssyncset.done $0x0  }
0x4e: {  	s2 =	simm.s32 $0x280;
	[sflag:s17] =	ssyncadd.s32 $0xFFFFF400  }
0x4f: {  	[tilespmem:s22], [sflag:$0x2] =	stream.indirect.gather [spmem:s1], $0x18, s2, s20, $0xb8;
	[tilespmem:$0x16300] =	vst v63  }
0x50: {  	_ =	swait.ge [sflag:s30], $0xC00  }
0x51: {  	[sflag:s30] =	ssyncset.done $0x0  }
0x52: {  	s19 =	simm.s32 $0x4F80;
	[sflag:s30] =	ssyncadd.s32 $0xFFFFF400  }
0x53: {  	[spmem:s3] =	stream.indirect.scatter.add.f32 [tilespmem:s24], [sflag:$0x5], $0x18, s19, s20, $0xb8;
	[tilespmem:$0x16300] =	vst v63  }
0x54: {  	_ =	swait.ge [sflag:s17], $0xC00  }
0x55: {  	[sflag:s17] =	ssyncset.done $0x0  }
0x56: {  	s2 =	simm.s32 $0x300;
	[sflag:s17] =	ssyncadd.s32 $0xFFFFF400  }
0x57: {  	[tilespmem:s24], [sflag:$0x3] =	stream.indirect.gather [spmem:s1], $0x18, s2, s20, $0xb8;
	[tilespmem:$0x16300] =	vst v63  }
0x58: {  	_ =	swait.ge [sflag:s31], $0xC00  }
0x59: {  	[sflag:s31] =	ssyncset.done $0x0  }
0x5a: {  	s19 =	simm.s32 $0x5000;
	[sflag:s31] =	ssyncadd.s32 $0xFFFFF400  }
0x5b: {  	[spmem:s3] =	stream.indirect.scatter.add.f32 [tilespmem:s26], [sflag:$0x5], $0x18, s19, s20, $0xb8;
	[tilespmem:$0x16300] =	vst v63  }
0x5c: {  	_ =	swait.ge [sflag:s17], $0xC00  }
0x5d: {  	[sflag:s17] =	ssyncset.done $0x0  }
0x5e: {  	s0 =	simm.s32 $0x380;
	s2 =	simm.s32 $0x800;
	[sflag:s17] =	ssyncadd.s32 $0xFFFFF400  }
.LBB2_4:
0x5f: {  	[tilespmem:s26], [sflag:$0x4] =	stream.indirect.gather [spmem:s1], $0x18, s0, s20, $0xb8;
	[tilespmem:$0x16300] =	vst v63  }
0x60: {  	s0 =	smov.u32 s2  }
0x61: {  	p1 =	sne.s32 s2, $0x12800;
	s2 =	sadd.s32 $0x800, s2;
	_ =	swait.ge [sflag:s28], $0xC00  }
0x62: {  	s0 =	sshra.s32 s0, $0x2;
	[sflag:s28] =	ssyncset.done $0x0  }
0x63: {  	s19 =	sadd.s32 $0x4E80, s0;
	[sflag:s28] =	ssyncadd.s32 $0xFFFFF400  }
0x64: {  	[spmem:s3] =	stream.indirect.scatter.add.f32 [tilespmem:s21], [sflag:$0x5], $0x18, s19, s20, $0xb8;
	[tilespmem:$0x16300] =	vst v63  }
0x65: {  	_ =	swait.ge [sflag:s17], $0xC00  }
0x66: {  	[sflag:s17] =	ssyncset.done $0x0  }
0x67: {  	s19 =	sadd.s32 $0x200, s0;
	[sflag:s17] =	ssyncadd.s32 $0xFFFFF400  }
0x68: {  	[tilespmem:s21], [sflag:$0x1] =	stream.indirect.gather [spmem:s1], $0x18, s19, s20, $0xb8;
	[tilespmem:$0x16300] =	vst v63  }
0x69: {  	_ =	swait.ge [sflag:s29], $0xC00  }
0x6a: {  	[sflag:s29] =	ssyncset.done $0x0  }
0x6b: {  	s19 =	sadd.s32 $0x4F00, s0;
	[sflag:s29] =	ssyncadd.s32 $0xFFFFF400  }
0x6c: {  	[spmem:s3] =	stream.indirect.scatter.add.f32 [tilespmem:s22], [sflag:$0x5], $0x18, s19, s20, $0xb8;
	[tilespmem:$0x16300] =	vst v63  }
0x6d: {  	_ =	swait.ge [sflag:s17], $0xC00  }
0x6e: {  	[sflag:s17] =	ssyncset.done $0x0  }
0x6f: {  	s19 =	sadd.s32 $0x280, s0;
	[sflag:s17] =	ssyncadd.s32 $0xFFFFF400  }
0x70: {  	[tilespmem:s22], [sflag:$0x2] =	stream.indirect.gather [spmem:s1], $0x18, s19, s20, $0xb8;
	[tilespmem:$0x16300] =	vst v63  }
0x71: {  	_ =	swait.ge [sflag:s30], $0xC00  }
0x72: {  	[sflag:s30] =	ssyncset.done $0x0  }
0x73: {  	s19 =	sadd.s32 $0x4F80, s0;
	[sflag:s30] =	ssyncadd.s32 $0xFFFFF400  }
0x74: {  	[spmem:s3] =	stream.indirect.scatter.add.f32 [tilespmem:s24], [sflag:$0x5], $0x18, s19, s20, $0xb8;
	[tilespmem:$0x16300] =	vst v63  }
0x75: {  	_ =	swait.ge [sflag:s17], $0xC00  }
0x76: {  	[sflag:s17] =	ssyncset.done $0x0  }
0x77: {  	s19 =	sadd.s32 $0x300, s0;
	[sflag:s17] =	ssyncadd.s32 $0xFFFFF400  }
0x78: {  	[tilespmem:s24], [sflag:$0x3] =	stream.indirect.gather [spmem:s1], $0x18, s19, s20, $0xb8;
	[tilespmem:$0x16300] =	vst v63  }
0x79: {  	_ =	swait.ge [sflag:s31], $0xC00  }
0x7a: {  	[sflag:s31] =	ssyncset.done $0x0  }
.Ltmp1:
0x7b: {  	s19 =	sadd.s32 $0x5000, s0;
	[sflag:s31] =	ssyncadd.s32 $0xFFFFF400;
	(pc) =	sbr.rel @p1 .LBB2_4-.Ltmp1, $4  }
0x7c: {  	[spmem:s3] =	stream.indirect.scatter.add.f32 [tilespmem:s26], [sflag:$0x5], $0x18, s19, s20, $0xb8;
	[tilespmem:$0x16300] =	vst v63  }
0x7d: {  	_ =	swait.ge [sflag:s17], $0xC00  }
0x7e: {  	[sflag:s17] =	ssyncset.done $0x0  }
0x7f: {  	s0 =	sadd.s32 $0x380, s0;
	[sflag:s17] =	ssyncadd.s32 $0xFFFFF400  }
0x80: {  	[tilespmem:s26], [sflag:$0x4] =	stream.indirect.gather [spmem:s1], $0x18, s0, s20, $0xb8;
	[tilespmem:$0x16300] =	vst v63  }
0x81: {  	_ =	swait.ge [sflag:s28], $0xC00  }
0x82: {  	[sflag:s28] =	ssyncset.done $0x0  }
0x83: {  	s19 =	simm.s32 $0x9A80;
	[sflag:s28] =	ssyncadd.s32 $0xFFFFF400  }
0x84: {  	[spmem:s3] =	stream.indirect.scatter.add.f32 [tilespmem:s21], [sflag:$0x5], $0x18, s19, s20, $0xb8;
	[tilespmem:$0x16300] =	vst v63  }
0x85: {  	_ =	swait.ge [sflag:s17], $0xC00  }
0x86: {  	[sflag:s17] =	ssyncset.done $0x0  }
0x87: {  	[sflag:s17] =	ssyncadd.s32 $0xFFFFF400  }
0x88: {  	_ =	swait.ge [sflag:s29], $0xC00  }
0x89: {  	[sflag:s29] =	ssyncset.done $0x0  }
0x8a: {  	s2 =	simm.s32 $0x9B00;
	[sflag:s29] =	ssyncadd.s32 $0xFFFFF400  }
0x8b: {  	[spmem:s3] =	stream.indirect.scatter.add.f32 [tilespmem:s22], [sflag:$0x5], $0x18, s2, s20, $0xb8;
	[tilespmem:$0x16300] =	vst v63  }
0x8c: {  	_ =	swait.ge [sflag:s17], $0xC00  }
0x8d: {  	[sflag:s17] =	ssyncset.done $0x0  }
0x8e: {  	[sflag:s17] =	ssyncadd.s32 $0xFFFFF400  }
0x8f: {  	_ =	swait.ge [sflag:s30], $0xC00  }
0x90: {  	[sflag:s30] =	ssyncset.done $0x0  }
0x91: {  	s19 =	simm.s32 $0x9B80;
	[sflag:s30] =	ssyncadd.s32 $0xFFFFF400  }
0x92: {  	[spmem:s3] =	stream.indirect.scatter.add.f32 [tilespmem:s24], [sflag:$0x5], $0x18, s19, s20, $0xb8;
	[tilespmem:$0x16300] =	vst v63  }
0x93: {  	_ =	swait.ge [sflag:s17], $0xC00  }
0x94: {  	[sflag:s17] =	ssyncset.done $0x0  }
0x95: {  	[sflag:s17] =	ssyncadd.s32 $0xFFFFF400  }
0x96: {  	_ =	swait.ge [sflag:s31], $0xC00  }
0x97: {  	[sflag:s31] =	ssyncset.done $0x0  }
0x98: {  	[sflag:s31] =	ssyncadd.s32 $0xFFFFF400  }
0x99: {  	[spmem:s3] =	stream.indirect.scatter.add.f32 [tilespmem:s26], [sflag:$0x5], $0x18, s23, s20, $0xb8;
	[tilespmem:$0x16300] =	vst v63  }
0x9a: {  	_ =	swait.ge [sflag:s17], $0xC00  }
0x9b: {  	s0 =	simm.s32 @!p0 $0x80;
	[sflag:s17] =	ssyncset.done $0x0  }
0x9c: {  	s2 =	simm.s32 @!p0 $0x4E00;
	s19 =	simm.s32 @!p0 $0x9D00;
	[sflag:s17] =	ssyncadd.s32 $0xFFFFF400  }
0x9d: {  	[tilespmem:s19], [sflag:$0x1] =	stream.indirect.gather @!p0 [spmem:s1], $0x18, s2, s0, $0xb8;
	[tilespmem:$0x16300] =	vst v63  }
0x9e: {  	s2 =	simm.s32 @!p0 $0x1  }
0x9f: {  	_ =	swait.ge @!p0 [sflag:s2], $0xC00  }
0xa0: {  	[sflag:s2] =	ssyncset.done @!p0 $0x0  }
0xa1: {  	[sflag:s2] =	ssyncadd.s32 @!p0 $0xFFFFF400;
	s2 =	simm.s32 @!p0 $0x9C80  }
0xa2: {  	[spmem:s3] =	stream.indirect.scatter.add.f32 @!p0 [tilespmem:s19], [sflag:$0x5], $0x18, s2, s0, $0xb8;
	[tilespmem:$0x16300] =	vst v63  }
0xa3: {  	s0 =	simm.s32 @!p0 $0x5  }
0xa4: {  	_ =	swait.ge @!p0 [sflag:s0], $0xC00  }
0xa5: {  	[sflag:s0] =	ssyncset.done @!p0 $0x0  }
0xa6: {  	[sflag:s0] =	ssyncadd.s32 @!p0 $0xFFFFF400  }
0xa7: {  	[bflag:$0x0] =	sbarrier.arrive $0xFFFF  }
0xa8: {  	[tilespmem:s18], [sflag:$0x5] =	stream.linear.gather [spmem:s7], $0x1E00, $0x38;
	[tilespmem:$0x16300] =	vst v63  }
0xa9: {  	_ =	swait.ge [sflag:s17], $0x1E00  }
0xaa: {  	[sflag:s17] =	ssyncset.done $0x0  }
0xab: {  	[sflag:s17] =	ssyncadd.s32 $0xFFFFE200  }
0xac: {  	[hbm4b:s13+s4] =	stream.linear.scatter [tilespmem:s18], [sflag:$0x5], $0x1E00, $0x38;
	[tilespmem:$0x16300] =	vst v63  }
0xad: {  	_ =	swait.ge [sflag:s17], $0x1E00  }
0xae: {  	[sflag:s17] =	ssyncset.done $0x0  }
0xaf: {  	[sflag:s17] =	ssyncadd.s32 $0xFFFFE200  }
0xb0: {  	[tilespmem:s18], [sflag:$0x5] =	stream.linear.gather [spmem:s8], $0x1E00, $0x38;
	[tilespmem:$0x16300] =	vst v63  }
0xb1: {  	s25 =	sadd.s32 $0x1, s25;
	_ =	swait.ge [sflag:s17], $0x1E00  }
0xb2: {  	p1 =	sne.s32 s25, s15;
	[sflag:s17] =	ssyncset.done $0x0  }
.Ltmp2:
0xb3: {  	[sflag:s17] =	ssyncadd.s32 $0xFFFFE200;
	(pc) =	sbr.rel @p1 .LBB2_1-.Ltmp2, $4  }
0xb4: {  	[hbm4b:s14+s4] =	stream.linear.scatter [tilespmem:s18], [sflag:$0x5], $0x1E00, $0x38;
	[tilespmem:$0x16300] =	vst v63  }
0xb5: {  	_ =	swait.ge [sflag:s17], $0x1E00  }
0xb6: {  	[sflag:s17] =	ssyncset.done $0x0  }
0xb7: {  	[sflag:s17] =	ssyncadd.s32 $0xFFFFE200  }
0xb8: {  	_ =	sfence.sel $0x180000  }
0xb9: {  	[bflag:$0x0] =	sbarrier.arrive $0xFFFF  }
0xba: {  	_ =	strace $0x9000004D  }
0xbb: {  	s0 =	stileid.u32;
	[bflag:$0x2] =	sbarrier.arrive $0xFFFF  }
0xbc: {  	p0 =	sne.s32 s0, $0x0;
	s0 =	rddreg [dreg:$0x3]  }
0xbd: {  	s0 =	sadd.s32 @!p0 $0x100000, s0  }
0xbe: {  	[sflag:s0] =	ssyncadd.tile.s32 @!p0 $0x1;
	_ =	shalt  }
.Lfunc_end2:
_tile_overlayer_lowered:
.L_overlay_start_2:
0xbf: {  	(tag) =	ssettag $0x2  }
0xc0: {  	s0 =	rddreg [dreg:$0x0];
	s2 =	stileid.u32  }
0xc1: {  	s1 =	rddreg [dreg:$0x1];
	p0 =	sne.s32 s2, $0x0  }
0xc2: {  	s3 =	rddreg [dreg:$0x2];
	[bflag:$0x3] =	sbarrier.arrive $0xFFFF;
	s2 =	simm.s32 @!p0 $0x1C05  }
0xc3: {  	[timem:s3], [sflag:s2] =	dma.local @!p0 [hbm:s0], s1  }
0xc4: {  	s0 =	simm.s32 @!p0 $0x5  }
0xc5: {  	_ =	swait.ge @!p0 [sflag:s0], s1  }
0xc6: {  	s1 =	ssub.s32 @!p0 $0x0, s1;
	[sflag:s0] =	ssyncset.done @!p0 $0x0  }
0xc7: {  	[sflag:s0] =	ssyncadd.s32 @!p0 s1  }
0xc8: {  	[bflag:$0x3] =	sbarrier.arrive $0xFFFF  }
0xc9: {  	_ =	shalt  }

// kernel: kernel.8.cloned.1.call-start
scs
__scs_entry_jumppad:
0x0: {  	(pc) =	sbr.rel $0x88, $3  }
0x1: {  	(tag) =	ssettag $0x0;
	lr =	simm.s32 $0x1  }
0x2: {  	[smem:$0x3F9B] =	sst lr;
	_ =	strace $0xD0000000  }
0x3: {  	_ = 	snop  }
0x4: {  	_ = 	snop  }
0x5: {  	_ = 	snop  }
0x6: {  	_ = 	snop  }
0x7: {  	_ = 	snop  }
__scs_overlays_trampoline_lowered:
0x8: {  	[smem:$0x3FAA] =	sst s0  }
0x9: {  	[smem:$0x3FAB] =	sst s1  }
0xa: {  	[smem:$0x3FAC] =	sst s2  }
0xb: {  	[smem:$0x3FAD] =	sst s3  }
0xc: {  	[smem:$0x3FAE] =	sst s4  }
0xd: {  	[smem:$0x3FAF] =	sst s5  }
0xe: {  	[smem:$0x3FB0] =	sst s6  }
0xf: {  	[smem:$0x3FB1] =	sst s7  }
0x10: {  	[smem:$0x3FB2] =	sst s8  }
0x11: {  	[smem:$0x3FB3] =	sst s9;
	s0 =	simm.s32 @!p0 $0x0  }
0x12: {  	s1 =	sld [smem:$0x3F99];
	s0 =	simm.s32 @p0 $0x1  }
0x13: {  	[smem:$0x3FB4] =	sst s0;
	s0 =	simm.s32 @!p1 $0x0  }
0x14: {  	s2 =	sld [smem:$0x3F98];
	s0 =	simm.s32 @p1 $0x1  }
0x15: {  	[smem:$0x3FB5] =	sst s0;
	s0 =	simm.s32 @!p2 $0x0  }
0x16: {  	s3 =	sld [smem:$0x3FDB];
	s0 =	simm.s32 @p2 $0x1  }
0x17: {  	s4 =	simm.s32 $0x1BF5;
	[smem:$0x3FB7] =	sst s0  }
0x18: {  	s0 =	sld [smem:$0x3F9A];
	_ =	swait.ge [sflag:s4], $0x0  }
0x19: {  	s7 =	sld [smem:$0x3F9B]  }
0x1a: {  	s8 =	sadd.s32 $0xFFFFE003, lr  }
0x1b: {  	s9 =	sadd.s32 $0xFFFFFEF7, lr;
	s5 =	simm.s32 $0xFFFFFFFF;
	p2 =	slt.u32 s8, $0xFFFFF086  }
0x1c: {  	p1 =	slt.u32 s9, $0xF7A;
	s5 =	simm.s32 @!p2 $0x0  }
0x1d: {  	s5 =	simm.s32 @p1 $0x1;
	p0 =	seq.s32 s7, s2  }
0x1e: {  	s7 =	smul.u32 @!p0 $0xF7A, s2;
	p2 =	seq.s32 @!p0 s5, $0x0  }
0x1f: {  	s9 =	smul.u32 $0xF7A, s1;
	s8 =	simm.s32 @!p0 $0x1BF5;
	p2 =	por !p2, p0  }
0x20: {  	[sflag:s8] =	ssyncset.s32 @!p0 $0xFFFFF086;
	s6 =	sadd.s32 @!p0 s3, s7;
	s7 =	simm.s32 @!p0 $0x108  }
0x21: {  	s3 =	sadd.s32 s3, s9;
	s6 =	sadd.s32 @!p0 $0x88, s6;
	s7 =	simm.s32 @p2 $0x1082  }
0x22: {  	[simem:s7], [sflag:s8] =	dma.local @!p0 [hbm:s6], $0xF7A  }
0x23: {  	s9 =	sor.u32 $0xD0000000, s2;
	s6 =	simm.s32 $0x108;
	_ =	swait.ge @!p0 [sflag:s8], $0x0  }
0x24: {  	s3 =	sadd.s32 $0x88, s3;
	s6 =	simm.s32 @!p1 $0x1082;
	[sflag:s4] =	ssyncset.s32 $0xFFFFF086  }
0x25: {  	[simem:s6], [sflag:s4] =	dma.local [hbm:s3], $0xF7A  }
0x26: {  	[smem:$0x3F9B] =	sst s1;
	(tag) =	ssettag s2;
	_ =	strace s9  }
0x27: {  	s1 =	sld [smem:$0x3FAB]  }
0x28: {  	s2 =	sld [smem:$0x3FAC]  }
0x29: {  	s4 =	sld [smem:$0x3FAE]  }
0x2a: {  	p0 =	seq.s32 s5, $0x0;
	s5 =	sld [smem:$0x3FAF]  }
0x2b: {  	s6 =	sld [smem:$0x3FB0]  }
0x2c: {  	s7 =	sld [smem:$0x3FB1]  }
0x2d: {  	s3 =	simm.s32 $0x108;
	s8 =	sld [smem:$0x3FB2]  }
0x2e: {  	s3 =	simm.s32 @!p0 $0x1082;
	s9 =	sld [smem:$0x3FB3]  }
0x2f: {  	lr =	sadd.s32 s0, s3;
	s0 =	sld [smem:$0x3FAA]  }
0x30: {  	s3 =	sld [smem:$0x3FAD]  }
0x31: {  	[smem:$0x3FB6] =	sst s10  }
0x32: {  	s10 =	sld [smem:$0x3FB4];
	_ =	sdelay $0x3  }
0x33: {  	p0 =	seq.s32 s10, $0x1;
	s10 =	sld [smem:$0x3FB6];
	_ =	sdelay $0x3  }
0x34: {  	[smem:$0x3FB6] =	sst s10  }
0x35: {  	s10 =	sld [smem:$0x3FB5];
	_ =	sdelay $0x3  }
0x36: {  	p1 =	seq.s32 s10, $0x1;
	s10 =	sld [smem:$0x3FB6];
	_ =	sdelay $0x3  }
0x37: {  	[smem:$0x3FB6] =	sst s10  }
0x38: {  	s10 =	sld [smem:$0x3FB7]  }
0x39: {  	_ = 	snop;
	(pc) =	sbr.ind lr, $3  }
0x3a: {  	_ = 	snop  }
0x3b: {  	_ = 	snop  }
0x3c: {  	p2 =	seq.s32 s10, $0x1;
	s10 =	sld [smem:$0x3FB6]  }
0x3d: {  	_ =	shalt  }
0x3e: {  	_ =	shalt  }
0x3f: {  	_ =	shalt  }
0x40: {  	_ =	shalt  }
0x41: {  	_ =	shalt  }
0x42: {  	_ =	shalt  }
0x43: {  	_ =	shalt  }
0x44: {  	_ =	shalt  }
0x45: {  	_ =	shalt  }
0x46: {  	_ =	shalt  }
0x47: {  	_ =	shalt  }
0x48: {  	_ =	shalt  }
0x49: {  	_ =	shalt  }
0x4a: {  	_ =	shalt  }
0x4b: {  	_ =	shalt  }
0x4c: {  	_ =	shalt  }
0x4d: {  	_ =	shalt  }
0x4e: {  	_ =	shalt  }
0x4f: {  	_ =	shalt  }
0x50: {  	_ =	shalt  }
0x51: {  	_ =	shalt  }
0x52: {  	_ =	shalt  }
0x53: {  	_ =	shalt  }
0x54: {  	_ =	shalt  }
0x55: {  	_ =	shalt  }
0x56: {  	_ =	shalt  }
0x57: {  	_ =	shalt  }
0x58: {  	_ =	shalt  }
0x59: {  	_ =	shalt  }
0x5a: {  	_ =	shalt  }
0x5b: {  	_ =	shalt  }
0x5c: {  	_ =	shalt  }
0x5d: {  	_ =	shalt  }
0x5e: {  	_ =	shalt  }
0x5f: {  	_ =	shalt  }
0x60: {  	_ =	shalt  }
0x61: {  	_ =	shalt  }
0x62: {  	_ =	shalt  }
0x63: {  	_ =	shalt  }
0x64: {  	_ =	shalt  }
0x65: {  	_ =	shalt  }
0x66: {  	_ =	shalt  }
0x67: {  	_ =	shalt  }
0x68: {  	_ =	shalt  }
0x69: {  	_ =	shalt  }
0x6a: {  	_ =	shalt  }
0x6b: {  	_ =	shalt  }
0x6c: {  	_ =	shalt  }
0x6d: {  	_ =	shalt  }
0x6e: {  	_ =	shalt  }
0x6f: {  	_ =	shalt  }
0x70: {  	_ =	shalt  }
0x71: {  	_ =	shalt  }
0x72: {  	_ =	shalt  }
0x73: {  	_ =	shalt  }
0x74: {  	_ =	shalt  }
0x75: {  	_ =	shalt  }
0x76: {  	_ =	shalt  }
0x77: {  	_ =	shalt  }
0x78: {  	_ =	shalt  }
0x79: {  	_ =	shalt  }
0x7a: {  	_ =	shalt  }
0x7b: {  	_ =	shalt  }
0x7c: {  	_ =	shalt  }
0x7d: {  	_ =	shalt  }
0x7e: {  	_ =	shalt  }
0x7f: {  	_ =	shalt  }
0x80: {  	_ =	shalt  }
0x81: {  	_ =	shalt  }
0x82: {  	_ =	shalt  }
0x83: {  	_ =	shalt  }
0x84: {  	_ =	shalt  }
0x85: {  	_ =	shalt  }
0x86: {  	_ =	shalt  }
0x87: {  	_ =	shalt  }
.Lfunc_end0:
.L_simem_size_0:
called_computation_lowered:
.L_overlay_start_0:
0x88: {  	s2 =	sld [smem:$0x3FD9]  }
0x89: {  	s3 =	sld [smem:$0x3FFE];
	_ =	sdelay $0x1  }
0x8a: {  	s1 =	srdreg.scid  }
0x8b: {  	s0 =	sand.u32 $0x1, s1  }
0x8c: {  	s17 =	sshll.u32 s0, $0xA;
	s2 =	sadd.s32 s3, s2  }
0x8d: {  	s2 =	sadd.s32 s2, s17  }
0x8e: {  	[smem:$0x3FC2] =	sst s2  }
0x8f: {  	_ = 	snop  }
0x90: {  	s2 =	sld [smem:$0x3FD0];
	(tm) =	ssettm $0x1  }
0x91: {  	s18 =	sld [smem:$0x3FFB];
	_ =	sdelay $0x3  }
0x92: {  	_ =	strace s18  }
0x93: {  	s3 =	sld [smem:$0x3FFC];
	_ =	sdelay $0x3  }
0x94: {  	_ =	strace s3  }
0x95: {  	s3 =	sld [smem:$0x3FFD];
	_ =	sdelay $0x3  }
0x96: {  	_ =	strace s3  }
0x97: {  	_ =	strace $0x8FFFFFFF  }
0x98: {  	s19 =	sld [smem:$0x3FDB];
	_ =	sdelay $0x1  }
0x99: {  	s4 =	simm.s32 $_scs_section_size  }
0x9a: {  	s5 =	simm.s32 $_size__tile_overlayer_lowered;
	s6 =	simm.s32 $_tile_overlayer_lowered  }
0x9b: {  	s22 =	simm.s32 $0x1BFF;
	s21 =	sshll.u32 s6, $0x1;
	s3 =	sadd.s32 s4, s19  }
0x9c: {  	s7 =	simm.s32 $0x0;
	s20 =	sshll.u32 s5, $0x1;
	s5 =	sadd.s32 s21, s3  }
0x9d: {  	[timem:s7], [sflag:s22] =	dma.local [hbm:s5], s20  }
0x9e: {  	_ =	swait.ge [sflag:s22], s20  }
0x9f: {  	s4 =	ssub.s32 $0x0, s20;
	[sflag:s22] =	ssyncset.done $0x0  }
0xa0: {  	[sflag:s22] =	ssyncadd.s32 s4;
	_ =	sdelay $0x1  }
0xa1: {  	s23 =	simm.s32 $0x1B8B  }
0xa2: {  	_ =	swait.ge [sflag:s23], $0x1  }
0xa3: {  	[sflag:s23] =	ssyncset.done $0x0  }
0xa4: {  	s25 =	simm.s32 $0x1B8E;
	s24 =	sld [smem:$0x3FFE];
	[sflag:s23] =	ssyncadd.s32 $0xFFFFFFFF  }
0xa5: {  	s26 =	simm.s32 $execute0_lowered;
	[smem:$0x3FD2] =	sst s25  }
0xa6: {  	s5 =	sshll.u32 s26, $0x1;
	_ =	strace $0x80000046;
	[dreg:$0x1] =	wrdreg $0xFFFFFFFF  }
0xa7: {  	s28 =	simm.s32 $_size_execute0_lowered;
	s3 =	sadd.s32 s3, s5;
	[dreg:$0x0] =	wrdreg $0x0  }
0xa8: {  	s5 =	sshll.u32 s28, $0x1;
	[dreg:$0x2] =	wrdreg s3  }
0xa9: {  	[dreg:$0x3] =	wrdreg s5  }
0xaa: {  	[dreg:$0x4] =	wrdreg $0xC0  }
0xab: {  	_ =	task [dreg:s7], $0x5FFFF  }
0xac: {  	[dreg:$0x1] =	wrdreg $0xFFFFFFFF  }
0xad: {  	[dreg:$0x0] =	wrdreg $0x60  }
0xae: {  	[dreg:$0x2] =	wrdreg s24  }
0xaf: {  	[dreg:$0x3] =	wrdreg s2  }
0xb0: {  	[dreg:$0x4] =	wrdreg $0x3F800  }
0xb1: {  	[dreg:$0x5] =	wrdreg $0x9  }
0xb2: {  	_ =	task.clear_ibuf [dreg:s7], $0x6FFFF;
	_ =	strace $0x90000046  }
0xb3: {  	s29 =	simm.s32 $0x9;
	_ =	strace $0x80000048  }
0xb4: {  	_ =	swait.ge [sflag:s29], $0x1  }
0xb5: {  	[sflag:s29] =	ssyncadd.s32 $0xFFFFFFFF  }
0xb6: {  	_ =	strace $0x90000048  }
0xb7: {  	_ =	sfence  }
0xb8: {  	s30 =	sld [smem:$0x0];
	_ =	sdelay $0x2  }
0xb9: {  	s31 =	sshll.u32 s1, $0xD;
	s1 =	sshrl.u32 s1, $0x2  }
0xba: {  	s3 =	sand.u32 $0x4000, s31;
	s1 =	sadd.s32 s1, s30  }
0xbb: {  	s0 =	sor.u32 s3, s0;
	s1 =	sshll.u32 s1, $0x11  }
0xbc: {  	s0 =	sor.u32 s1, s0  }
0xbd: {  	s0 =	sadd.s32 $0x8F2B, s0  }
0xbe: {  	[sflag:s0] =	ssyncadd.remote.s32 $0x1  }
0xbf: {  	_ =	sfence.sel $0xFFFF  }
0xc0: {  	[dreg:$0x0] =	wrdreg $0xFFFFFFFF;
	(pc) =	sbr.abs _section_cstart, $3  }
0xc1: {  	[dreg:$0x1] =	wrdreg $0xFFFFFFFF  }
0xc2: {  	_ =	task.clear_ibuf [dreg:s7], $0x2FFFF;
	_ =	strace $0x9FFFFFFF  }
0xc3: {  	(tm) =	ssettm $0x7FFFFFFF  }
tec
execute0_lowered:
.L_overlay_start_1:
0x0: {  	(tag) =	ssettag $0x1  }
0x1: {  	s5 =	rddreg [dreg:$0x0]  }
0x2: {  	s9 =	rddreg [dreg:$0x1]  }
0x3: {  	s0 =	srdreg.scid;
	s2 =	rddreg [dreg:$0x2];
	s3 =	simm.s32 $0x0  }
0x4: {  	s13 =	simm.s32 $0x2B80;
	s14 =	simm.s32 $0x80;
	s15 =	simm.s32 $0x1  }
0x5: {  	s16 =	simm.s32 $0x0;
	s4 =	sand.u32 $0x1, s0;
	s0 =	stileid.u32  }
0x6: {  	[smem:$0x7FF] =	sst s3;
	s1 =	sshll.u32 s4, $0x4;
	s8 =	smul.u32 $0x1400, s0  }
0x7: {  	s31 =	ssub.s32 $0x2, s4;
	s10 =	smul.u32 $0x14000, s4;
	s4 =	sadd.s32 $0x16600, s5  }
0x8: {  	s11 =	sor.u32 s0, s1;
	s1 =	rddreg [dreg:$0x3];
	_ =	strace $0x80000047  }
0x9: {  	s12 =	sshrl.u32 s31, $0x1;
	s6 =	smul.u32 $0x4E, s11;
	s7 =	smin.u32 s11, $0x4  }
0xa: {  	s12 =	ssub.s32 s31, s12;
	s10 =	sadd.s32 s8, s10;
	s8 =	sadd.s32 s8, s2  }
0xb: {  	p0 =	sgt.u32 s11, $0x3;
	s10 =	sshrl.u32 s10, $0x3;
	s6 =	sadd.s32 s7, s6  }
0xc: {  	s11 =	simm.s32 $0x2;
	s9 =	sadd.s32 s9, s10;
	s6 =	sshll.u32 s6, $0x4  }
0xd: {  	s10 =	smax.u32 s12, $0x1;
	s12 =	simm.s32 $0x2780;
	s30 =	sadd.s32 s6, s5  }
0xe: {  	s5 =	sadd.s32 $0x16800, s5;
	s6 =	sadd.s32 $0xC840, s30;
	s7 =	sadd.s32 $0xCD20, s30  }
.LBB2_1:
0xf: {  	[tilespmem:s3], [sflag:$0x2] =	stream.linear.gather [hbm4b:s6+s3], $0x2700, $0x38;
	[tilespmem:$0x5380] =	vst v63  }
0x10: {  	_ =	swait.ge [sflag:s11], $0x2700  }
0x11: {  	[sflag:s11] =	ssyncset.done $0x0  }
0x12: {  	s17 =	simm.s32 @!p0 $0x0;
	s18 =	simm.s32 @!p0 $0x2700;
	[sflag:s11] =	ssyncadd.s32 $0xFFFFD900  }
0x13: {  	[tilespmem:s18], [sflag:$0x2] =	stream.linear.gather @!p0 [hbm4b:s7+s17], $0x80, $0x38;
	[tilespmem:$0x5380] =	vst v63  }
0x14: {  	s17 =	simm.s32 @!p0 $0x2  }
0x15: {  	_ =	swait.ge @!p0 [sflag:s17], $0x80  }
0x16: {  	[sflag:s17] =	ssyncset.done @!p0 $0x0  }
0x17: {  	[sflag:s17] =	ssyncadd.s32 @!p0 $0xFFFFFF80  }
0x18: {  	[tilespmem:s12], [sflag:$0x2] =	stream.linear.gather [hbm4b:s4+s3], $0x400, $0x38;
	[tilespmem:$0x5380] =	vst v63  }
0x19: {  	_ =	swait.ge [sflag:s11], $0x400  }
0x1a: {  	[sflag:s11] =	ssyncset.done $0x0  }
0x1b: {  	[sflag:s11] =	ssyncadd.s32 $0xFFFFFC00  }
0x1c: {  	[tilespmem:s13], [sflag:$0x2] =	stream.linear.gather [hbm4b:s5+s3], $0x1400, $0x38;
	[tilespmem:$0x5380] =	vst v63  }
0x1d: {  	_ =	swait.ge [sflag:s11], $0x1400  }
0x1e: {  	[sflag:s11] =	ssyncset.done $0x0  }
0x1f: {  	[sflag:s11] =	ssyncadd.s32 $0xFFFFEC00  }
0x20: {  	[spmem:s8] =	stream.linear.scatter [tilespmem:s13], [sflag:$0x2], $0x1400, $0x38;
	[tilespmem:$0x5380] =	vst v63  }
0x21: {  	_ =	swait.ge [sflag:s11], $0x1400  }
0x22: {  	[sflag:s11] =	ssyncset.done $0x0  }
0x23: {  	[sflag:s11] =	ssyncadd.s32 $0xFFFFEC00  }
0x24: {  	s18 =	simm.s32 $0x0;
	s17 =	simm.s32 $0x200;
	[bflag:$0x0] =	sbarrier.arrive $0xFFFF  }
.LBB2_2:
0x25: {  	[spmem:s2] =	stream.indirect.scatter.add.f32 [tilespmem:s12], [sflag:$0x1], $0x8, s18, s14, $0xb8;
	[tilespmem:$0x5380] =	vst v63  }
0x26: {  	s18 =	smov.u32 s17;
	p1 =	sne.s32 s17, $0x9A00  }
.Ltmp0:
0x27: {  	s17 =	sadd.s32 $0x200, s17;
	(pc) =	sbr.rel @p1 .LBB2_2-.Ltmp0, $2  }
0x28: {  	_ =	sdelay $0x2  }
0x29: {  	s18 =	sshra.s32 s18, $0x2  }
0x2a: {  	[spmem:s2] =	stream.indirect.scatter.add.f32 [tilespmem:s12], [sflag:$0x1], $0x8, s18, s14, $0xb8;
	[tilespmem:$0x5380] =	vst v63  }
0x2b: {  	s17 =	simm.s32 @!p0 $0x80;
	s18 =	simm.s32 @!p0 $0x2700;
	s19 =	simm.s32 @!p0 $0x2780  }
0x2c: {  	[spmem:s2] =	stream.indirect.scatter.add.f32 @!p0 [tilespmem:s19], [sflag:$0x1], $0x8, s18, s17, $0xb8;
	[tilespmem:$0x5380] =	vst v63  }
0x2d: {  	_ =	swait.ge [sflag:s15], $0x400  }
0x2e: {  	s17 =	simm.s32 $0x4D;
	[sflag:s15] =	ssyncset.done $0x0  }
.LBB2_4:
0x2f: {  	p1 =	sne.s32 s17, $0x1;
	s17 =	sadd.s32 $0xFFFFFFFF, s17;
	[sflag:s15] =	ssyncadd.s32 $0xFFFFFC00  }
.Ltmp1:
0x30: {  	(pc) =	sbr.rel @p1 .LBB2_4-.Ltmp1, $3  }
0x31: {  	_ =	sdelay $0x1  }
0x32: {  	_ =	swait.ge [sflag:s15], $0x400  }
0x33: {  	[sflag:s15] =	ssyncset.done $0x0  }
0x34: {  	[sflag:s15] =	ssyncadd.s32 $0xFFFFFC00;
	s17 =	simm.s32 @!p0 $0x1  }
0x35: {  	_ =	swait.ge @!p0 [sflag:s17], $0x400  }
0x36: {  	[sflag:s17] =	ssyncset.done @!p0 $0x0  }
0x37: {  	[sflag:s17] =	ssyncadd.s32 @!p0 $0xFFFFFC00  }
0x38: {  	[bflag:$0x0] =	sbarrier.arrive $0xFFFF  }
0x39: {  	[tilespmem:s13], [sflag:$0x2] =	stream.linear.gather [spmem:s8], $0x1400, $0x38;
	[tilespmem:$0x5380] =	vst v63  }
0x3a: {  	s16 =	sadd.s32 $0x1, s16;
	_ =	swait.ge [sflag:s11], $0x1400  }
0x3b: {  	p1 =	sne.s32 s16, s10;
	[sflag:s11] =	ssyncset.done $0x0  }
.Ltmp2:
0x3c: {  	[sflag:s11] =	ssyncadd.s32 $0xFFFFEC00;
	(pc) =	sbr.rel @p1 .LBB2_1-.Ltmp2, $4  }
0x3d: {  	[hbm4b:s9+s3] =	stream.linear.scatter [tilespmem:s13], [sflag:$0x2], $0x1400, $0x38;
	[tilespmem:$0x5380] =	vst v63  }
0x3e: {  	_ =	swait.ge [sflag:s11], $0x1400  }
0x3f: {  	[sflag:s11] =	ssyncset.done $0x0  }
0x40: {  	[sflag:s11] =	ssyncadd.s32 $0xFFFFEC00  }
0x41: {  	_ =	sfence.sel $0x180000  }
0x42: {  	[bflag:$0x0] =	sbarrier.arrive $0xFFFF  }
0x43: {  	p0 =	sne.s32 s0, $0x0;
	_ =	strace $0x90000047  }
0x44: {  	s0 =	sadd.s32 @!p0 $0x100000, s1;
	[bflag:$0x2] =	sbarrier.arrive $0xFFFF  }
0x45: {  	[sflag:s0] =	ssyncadd.tile.s32 @!p0 $0x1;
	_ =	shalt  }
.Lfunc_end2:
_tile_overlayer_lowered:
.L_overlay_start_2:
0x46: {  	(tag) =	ssettag $0x2  }
0x47: {  	s0 =	rddreg [dreg:$0x0];
	s2 =	stileid.u32  }
0x48: {  	s1 =	rddreg [dreg:$0x1];
	p0 =	sne.s32 s2, $0x0  }
0x49: {  	s3 =	rddreg [dreg:$0x2];
	[bflag:$0x3] =	sbarrier.arrive $0xFFFF;
	s2 =	simm.s32 @!p0 $0x1C02  }
0x4a: {  	[timem:s3], [sflag:s2] =	dma.local @!p0 [hbm:s0], s1  }
0x4b: {  	s0 =	simm.s32 @!p0 $0x2  }
0x4c: {  	_ =	swait.ge @!p0 [sflag:s0], s1  }
0x4d: {  	s1 =	ssub.s32 @!p0 $0x0, s1;
	[sflag:s0] =	ssyncset.done @!p0 $0x0  }
0x4e: {  	[sflag:s0] =	ssyncadd.s32 @!p0 s1  }
0x4f: {  	[bflag:$0x3] =	sbarrier.arrive $0xFFFF  }
0x50: {  	_ =	shalt  }

</sc_bundles>
